<compile_context>
chip_gen: v7x
topology: tpu7x:2x2x1
jax: 0.10.2.dev20260603
libtpu: 0.0.44.dev20260713+nightly
codegen_flags: <defaults>
</compile_context>

<pallas_src>
import functools

import jax
import jax.numpy as jnp
from jax import lax
from jax.experimental import pallas as pl
from jax.experimental.pallas import tpu as pltpu
from jax.experimental.pallas import tpu_sc as plsc

NC, NS = 2, 16
NW = NC * NS
K = 80
BF = jnp.bfloat16
F32 = jnp.float32


def _mesh():
    return plsc.VectorSubcoreMesh(core_axis_name="c", subcore_axis_name="s",
                                  num_cores=NC, num_subcores=NS)



def _sc_gather2(N, DN, E):
    assert E % (NW * K) == 0
    nch = E // (NW * K)
    epw = nch * K

    @functools.partial(
        pl.kernel, mesh=_mesh(),
        compiler_params=pltpu.CompilerParams(use_tc_tiling_on_sc=False),
        out_type=[
            jax.ShapeDtypeStruct((E, DN), BF),
            jax.ShapeDtypeStruct((E, DN), BF),
        ],
        scratch_types=[
            pltpu.VMEM((nch, K), jnp.int32),
            pltpu.VMEM((nch, K), jnp.int32),
            pltpu.VMEM((2, K, DN), BF),
            pltpu.VMEM((2, K, DN), BF),
            pltpu.SemaphoreType.DMA,
            pltpu.SemaphoreType.DMA,
        ],
    )
    def sc_kernel(xb_hbm, src_hbm, dst_hbm, gs_hbm, gd_hbm,
                  src_v, dst_v, gs_v, gd_v, sem0, sem1):
        c = lax.axis_index("c")
        s = lax.axis_index("s")
        wid = s * NC + c
        pltpu.sync_copy(src_hbm.at[wid], src_v)
        pltpu.sync_copy(dst_hbm.at[wid], dst_v)
        ebase = wid * epw

        def issue(j, b):
            pltpu.async_copy(xb_hbm.at[src_v.at[j]], gs_v.at[b], sem0)
            pltpu.async_copy(xb_hbm.at[dst_v.at[j]], gd_v.at[b], sem1)

        def drain_store(j, b):
            eo = ebase + j * K
            pltpu.make_async_copy(xb_hbm.at[src_v.at[j]], gs_v.at[b],
                                  sem0).wait()
            pltpu.sync_copy(gs_v.at[b], gs_hbm.at[pl.ds(eo, K)])
            pltpu.make_async_copy(xb_hbm.at[dst_v.at[j]], gd_v.at[b],
                                  sem1).wait()
            pltpu.sync_copy(gd_v.at[b], gd_hbm.at[pl.ds(eo, K)])

        issue(0, 0)

        def body(j, carry):
            even = lax.rem(j, 2) == 0
            more = j + 1 < nch

            @pl.when(jnp.logical_and(even, more))
            def _():
                issue(j + 1, 1)

            @pl.when(jnp.logical_and(jnp.logical_not(even), more))
            def _():
                issue(j + 1, 0)

            @pl.when(even)
            def _():
                drain_store(j, 0)

            @pl.when(jnp.logical_not(even))
            def _():
                drain_store(j, 1)

            return carry

        lax.fori_loop(0, nch, body, 0)

    return sc_kernel


def _sc_scatter(N, DN, E):
    assert E % (NW * K) == 0
    nch = E // (NW * K)
    epw = nch * K
    N2 = -(-N // (NS * 8)) * (NS * 8)
    rpt = N2 // NS

    @functools.partial(
        pl.kernel, mesh=_mesh(),
        compiler_params=pltpu.CompilerParams(use_tc_tiling_on_sc=False),
        out_type=[jax.ShapeDtypeStruct((NC, N2, DN), F32)],
        scratch_types=[
            pltpu.VMEM_SHARED((N2, DN), F32),
            pltpu.VMEM((nch, K), jnp.int32),
            pltpu.VMEM((2, K, DN), F32),
            pltpu.SemaphoreType.DMA,
        ],
    )
    def sc_kernel(msg_hbm, dst_hbm, zx_hbm, acc_hbm,
                  shx, dst_v, msg_v, sem0):
        c = lax.axis_index("c")
        s = lax.axis_index("s")
        wid = s * NC + c
        r0 = s * rpt
        pltpu.sync_copy(zx_hbm.at[pl.ds(r0, rpt)], shx.at[pl.ds(r0, rpt)])
        pltpu.sync_copy(dst_hbm.at[wid], dst_v)
        plsc.subcore_barrier()
        ebase = wid * epw

        def issue(j, b):
            pltpu.async_copy(msg_hbm.at[pl.ds(ebase + j * K, K)],
                             msg_v.at[b], sem0)

        def drain_scatter(j, b):
            pltpu.make_async_copy(msg_hbm.at[pl.ds(ebase + j * K, K)],
                                  msg_v.at[b], sem0).wait()
            pltpu.sync_copy(msg_v.at[b], shx.at[dst_v.at[j]], add=True)

        issue(0, 0)

        def body(j, carry):
            even = lax.rem(j, 2) == 0
            more = j + 1 < nch

            @pl.when(jnp.logical_and(even, more))
            def _():
                issue(j + 1, 1)

            @pl.when(jnp.logical_and(jnp.logical_not(even), more))
            def _():
                issue(j + 1, 0)

            @pl.when(even)
            def _():
                drain_scatter(j, 0)

            @pl.when(jnp.logical_not(even))
            def _():
                drain_scatter(j, 1)

            return carry

        lax.fori_loop(0, nch, body, 0)
        plsc.subcore_barrier()
        pltpu.sync_copy(shx.at[pl.ds(r0, rpt)], acc_hbm.at[c, pl.ds(r0, rpt)])

    return sc_kernel



def _full(shape):
    return pl.BlockSpec(shape, lambda i: (0,) * len(shape))


def _dot(a, b):
    return jnp.dot(a, b, preferred_element_type=F32)


def _tc_msgedge(E, DN, DE, BE=8000):
    nb = E // BE

    def body(gs_ref, gd_ref, e_ref, wn_ref, we_ref, wu_ref, bn_ref, be_ref,
             bu_ref, es_ref, msg_ref, ne_ref):
        gs = gs_ref[...]
        e = e_ref[...]
        msg_ref[...] = (_dot(gs, wn_ref[...]) + bn_ref[...]
                        + _dot(e, we_ref[...]) + be_ref[...])
        ec = jnp.concatenate([gs, gd_ref[...], e], axis=1)
        ne = _dot(ec, wu_ref[...]) + bu_ref[...] + es_ref[...]
        ne_ref[...] = jnp.maximum(ne, 0.0).astype(BF)

    return pl.pallas_call(
        body, grid=(nb,),
        in_specs=[pl.BlockSpec((BE, DN), lambda i: (i, 0)),
                  pl.BlockSpec((BE, DN), lambda i: (i, 0)),
                  pl.BlockSpec((BE, DE), lambda i: (i, 0)),
                  _full((DN, DN)), _full((DE, DN)),
                  _full((2 * DN + DE, DE)),
                  _full((1, DN)), _full((1, DN)), _full((1, DE)),
                  _full((1, 1))],
        out_specs=[pl.BlockSpec((BE, DN), lambda i: (i, 0)),
                   pl.BlockSpec((BE, DE), lambda i: (i, 0))],
        out_shape=[jax.ShapeDtypeStruct((E, DN), F32),
                   jax.ShapeDtypeStruct((E, DE), BF)],
    )


def _tc_node(N, DN, BN=1000):
    nb = N // BN

    def body(acc_ref, xb_ref, ws_ref, bs_ref, ns_ref, nx_ref):
        ax = acc_ref[0] + acc_ref[1]
        h = ax + (_dot(xb_ref[...], ws_ref[...]) + bs_ref[...]) + ns_ref[...]
        nx_ref[...] = jnp.maximum(h, 0.0).astype(BF)

    return pl.pallas_call(
        body, grid=(nb,),
        in_specs=[pl.BlockSpec((NC, BN, DN), lambda i: (0, i, 0)),
                  pl.BlockSpec((BN, DN), lambda i: (i, 0)),
                  _full((DN, DN)), _full((1, DN)), _full((1, 1))],
        out_specs=pl.BlockSpec((BN, DN), lambda i: (i, 0)),
        out_shape=jax.ShapeDtypeStruct((N, DN), BF),
    )


def _tc_head(E, DN, DE, HID, BE=8000):
    nb = E // BE

    def body(gs_ref, gd_ref, e_ref, w1_ref, b1_ref, w2_ref, b2_ref,
             w3_ref, b3_ref, out_ref):
        ec = jnp.concatenate([gs_ref[...], gd_ref[...], e_ref[...]], axis=1)
        h1 = jnp.maximum(_dot(ec, w1_ref[...]) + b1_ref[...], 0.0).astype(BF)
        h2 = jnp.maximum(_dot(h1, w2_ref[...]) + b2_ref[...], 0.0).astype(BF)
        z = _dot(h2, w3_ref[...]) + b3_ref[...]
        out_ref[...] = jax.nn.sigmoid(z)

    return pl.pallas_call(
        body, grid=(nb,),
        in_specs=[pl.BlockSpec((BE, DN), lambda i: (i, 0)),
                  pl.BlockSpec((BE, DN), lambda i: (i, 0)),
                  pl.BlockSpec((BE, DE), lambda i: (i, 0)),
                  _full((2 * DN + DE, HID)), _full((1, HID)),
                  _full((HID, HID)), _full((1, HID)),
                  _full((HID, 1)), _full((1, 1))],
        out_specs=pl.BlockSpec((BE, 1), lambda i: (i, 0)),
        out_shape=jax.ShapeDtypeStruct((E, 1), F32),
    )



def kernel(x, edge_index, edge_attr, params):
    N, DN = x.shape
    E = edge_index.shape[1]
    DE = edge_attr.shape[1]
    HID = params["mlp"]["W2"].shape[0]

    src = edge_index[0].astype(jnp.int32)
    dst = edge_index[1].astype(jnp.int32)
    nch = E // (NW * K)
    src3 = src.reshape(NW, nch, K)
    dst3 = dst.reshape(NW, nch, K)

    N2 = -(-N // (NS * 8)) * (NS * 8)
    zx = jnp.zeros((N2, DN), F32)

    sc_gather = _sc_gather2(N, DN, E)
    sc_scatter = _sc_scatter(N, DN, E)
    tc_msgedge = _tc_msgedge(E, DN, DE)
    tc_node = _tc_node(N, DN)

    xb = x.astype(BF)
    eb = edge_attr.astype(BF)
    for p in params["layers"]:
        gs, gd = sc_gather(xb, src3, dst3)
        msg, ne = tc_msgedge(
            gs, gd, eb, p["Wn"].astype(BF), p["We"].astype(BF),
            p["Wu"].astype(BF), p["bn"].reshape(1, DN), p["be"].reshape(1, DN),
            p["bu"].reshape(1, DE), p["edge_scalar"].reshape(1, 1))
        (acc,) = sc_scatter(msg, dst3, zx)
        xb = tc_node(acc, xb, p["Ws"].astype(BF), p["bs"].reshape(1, DN),
                     p["node_scalar"].reshape(1, 1))
        eb = ne

    m = params["mlp"]
    gs, gd = sc_gather(xb, src3, dst3)
    out = _tc_head(E, DN, DE, HID)(
        gs, gd, eb, m["W1"].astype(BF), m["b1"].reshape(1, HID),
        m["W2"].astype(BF), m["b2"].reshape(1, HID), m["W3"].astype(BF),
        m["b3"].reshape(1, 1))
    return out.reshape(E)

# --- scband reference (transcript-rebuilt; emitter-appended) ---
"""Pipeline reference for scband-solver-19851338842345 (READ-ONLY COPY).

The authoritative reference and input builder live on the scoring server;
editing this copy changes nothing except your own understanding.
"""

import jax, jax.numpy as jnp
import numpy as np

N = 10000
E = 320000
D_NODE = 128
D_EDGE = 16
NODE_OUT = 128
EDGE_OUT = 16
HID = 64
NUM_LAYERS = 3


def _linear(key, fan_in, fan_out):
    k1, k2 = jax.random.split(key)
    lim = 1.0 / np.sqrt(fan_in)
    W = jax.random.uniform(k1, (fan_in, fan_out), minval=-lim, maxval=lim, dtype=jnp.float32)
    b = jax.random.uniform(k2, (fan_out,), minval=-lim, maxval=lim, dtype=jnp.float32)
    return W, b


def setup_inputs(seed: int = 0) -> dict:
    key = jax.random.key(seed)
    ks = jax.random.split(key, 16)
    x = jax.random.normal(ks[0], (N, D_NODE), dtype=jnp.float32)
    edge_index = jax.random.randint(ks[1], (2, E), 0, N, dtype=jnp.int32)
    edge_attr = jax.random.normal(ks[2], (E, D_EDGE), dtype=jnp.float32)
    layers = []
    for i in range(NUM_LAYERS - 1):  # only num_layers-1 layers are used in Solver.forward
        kk = jax.random.split(ks[3 + i], 6)
        node_in = D_NODE if i == 0 else NODE_OUT
        edge_in = D_EDGE if i == 0 else EDGE_OUT
        Ws, bs = _linear(kk[0], node_in, NODE_OUT)      # node_self_linear
        Wn, bn = _linear(kk[1], node_in, NODE_OUT)      # node_neighbor_linear
        We, be = _linear(kk[2], edge_in, NODE_OUT)      # edge_to_node_linear
        Wu, bu = _linear(kk[3], 2 * node_in + edge_in, EDGE_OUT)  # edge_update_linear
        node_scalar = jax.random.normal(kk[4], (1,), dtype=jnp.float32) / 2.576
        edge_scalar = jax.random.normal(kk[5], (1,), dtype=jnp.float32) / 2.576
        layers.append({"Ws": Ws, "bs": bs, "Wn": Wn, "bn": bn, "We": We, "be": be,
                       "Wu": Wu, "bu": bu, "node_scalar": node_scalar, "edge_scalar": edge_scalar})
    concat_dim = 2 * NODE_OUT + EDGE_OUT
    W1, b1 = _linear(ks[10], concat_dim, HID)
    W2, b2 = _linear(ks[11], HID, HID)
    W3, b3 = _linear(ks[12], HID, 1)
    params = {"layers": layers, "mlp": {"W1": W1, "b1": b1, "W2": W2, "b2": b2, "W3": W3, "b3": b3}}
    return {"x": x, "edge_index": edge_index, "edge_attr": edge_attr, "params": params}


def _layer(p, x, edge_attr, src, dst):
    # message: node_neighbor_linear(x_j) + edge_to_node_linear(edge_attr); aggr='add' over dst
    msg = x[src] @ p["Wn"] + p["bn"] + edge_attr @ p["We"] + p["be"]
    aggr = jax.ops.segment_sum(msg, dst, num_segments=N)
    # update: relu(aggr + node_self_linear(x) + node_scalar)
    new_x = jax.nn.relu(aggr + x @ p["Ws"] + p["bs"] + p["node_scalar"])
    # edge update: relu(edge_update_linear(cat[x_src, x_dst, edge_attr]) + edge_scalar)
    ec = jnp.concatenate([x[src], x[dst], edge_attr], axis=-1)
    new_e = jax.nn.relu(ec @ p["Wu"] + p["bu"] + p["edge_scalar"])
    return new_x, new_e


def reference(x, edge_index, edge_attr, params):
    src = edge_index[0]
    dst = edge_index[1]
    # Solver.forward runs only the first num_layers-1 layers
    for p in params["layers"]:
        x, edge_attr = _layer(p, x, edge_attr, src, dst)
    u = x[src]
    v = x[dst]
    ec = jnp.concatenate([u, v, edge_attr], axis=1)
    m = params["mlp"]
    h = jax.nn.relu(ec @ m["W1"] + m["b1"])
    h = jax.nn.relu(h @ m["W2"] + m["b2"])
    out = jax.nn.sigmoid(h @ m["W3"] + m["b3"])
    return out.squeeze(-1)

if __name__ == "__main__":
    import jax
    _d = setup_inputs()
    print(jax.jit(kernel)(*tuple(_d.values())))

</pallas_src>

<mosaic_0001>
#map = affine_map<(d0, d1) -> (0, 0)>
#map1 = affine_map<(d0, d1) -> (0, 0, 0)>
module attributes {stable_mosaic.version = 14 : i64} {
  func.func @sc_kernel(%arg0: i32, %arg1: i32, %arg2: memref<10000x128xbf16, #tpu.memory_space<hbm>>, %arg3: memref<32x125x80xi32, #tpu.memory_space<hbm>>, %arg4: memref<32x125x80xi32, #tpu.memory_space<hbm>>, %arg5: memref<320000x128xbf16, #tpu.memory_space<hbm>>, %arg6: memref<320000x128xbf16, #tpu.memory_space<hbm>>, %arg7: memref<125x80xi32, #tpu.memory_space<vmem>>, %arg8: memref<125x80xi32, #tpu.memory_space<vmem>>, %arg9: memref<2x80x128xbf16, #tpu.memory_space<vmem>>, %arg10: memref<2x80x128xbf16, #tpu.memory_space<vmem>>, %arg11: memref<!tpu.dma_semaphore, #tpu.memory_space<semaphore_mem>>, %arg12: memref<!tpu.dma_semaphore, #tpu.memory_space<semaphore_mem>>) attributes {dimension_semantics = [#tpu.dimension_semantics<core_parallel>, #tpu.dimension_semantics<subcore_parallel>], iteration_bounds = array<i64: 2, 16>, scalar_prefetch = 0 : i64, scratch_operands = 6 : i64, tpu.core_type = #tpu.core_type<sc_vector_subcore>, window_params = [{transform_indices = #map}, {transform_indices = #map1}, {transform_indices = #map1}, {transform_indices = #map}, {transform_indices = #map}]} {
    %mul3A = arith.constant 2 : i32
    %mul3A_0 = arith.muli %arg1, %mul3A : i32
    %add3A = arith.addi %mul3A_0, %arg0 : i32
    "tpu.region"() ({
      %run_scoped3A = tpu.sem_alloc : memref<!tpu.dma_semaphore, #tpu.memory_space<semaphore_mem>>
      %dma_start3A_31 = arith.constant 0 : i32
      %dma_start3A_32 = arith.constant 0 : i32
      %dma_start3A_33 = tpu.memref_slice %arg3[%add3A, %dma_start3A_31, %dma_start3A_32] : memref<32x125x80xi32, #tpu.memory_space<hbm>> -> memref<1x125x80xi32, #tpu.memory_space<hbm>>
      %dma_start3A_34 = tpu.memref_squeeze %dma_start3A_33 : memref<1x125x80xi32, #tpu.memory_space<hbm>> -> memref<125x80xi32, #tpu.memory_space<hbm>>
      %dma_start3A_35 = arith.constant 0 : i32
      %dma_start3A_36 = arith.constant 0 : i32
      %dma_start3A_37 = tpu.memref_slice %arg3[%add3A, %dma_start3A_35, %dma_start3A_36] : memref<32x125x80xi32, #tpu.memory_space<hbm>> -> memref<1x125x80xi32, #tpu.memory_space<hbm>>
      %dma_start3A_38 = tpu.memref_squeeze %dma_start3A_37 : memref<1x125x80xi32, #tpu.memory_space<hbm>> -> memref<125x80xi32, #tpu.memory_space<hbm>>
      tpu.enqueue_dma source(%dma_start3A_38 : memref<125x80xi32, #tpu.memory_space<hbm>>) target(%arg7 : memref<125x80xi32, #tpu.memory_space<vmem>>) target_semaphore(%run_scoped3A : memref<!tpu.dma_semaphore, #tpu.memory_space<semaphore_mem>>)
      %dma_wait3A = arith.constant 0 : i32
      %dma_wait3A_39 = arith.constant 0 : i32
      %dma_wait3A_40 = tpu.memref_slice %arg3[%add3A, %dma_wait3A, %dma_wait3A_39] : memref<32x125x80xi32, #tpu.memory_space<hbm>> -> memref<1x125x80xi32, #tpu.memory_space<hbm>>
      %dma_wait3A_41 = tpu.memref_squeeze %dma_wait3A_40 : memref<1x125x80xi32, #tpu.memory_space<hbm>> -> memref<125x80xi32, #tpu.memory_space<hbm>>
      %dma_wait3A_42 = arith.constant 0 : i32
      %dma_wait3A_43 = arith.constant 0 : i32
      %dma_wait3A_44 = tpu.memref_slice %arg3[%add3A, %dma_wait3A_42, %dma_wait3A_43] : memref<32x125x80xi32, #tpu.memory_space<hbm>> -> memref<1x125x80xi32, #tpu.memory_space<hbm>>
      %dma_wait3A_45 = tpu.memref_squeeze %dma_wait3A_44 : memref<1x125x80xi32, #tpu.memory_space<hbm>> -> memref<125x80xi32, #tpu.memory_space<hbm>>
      tpu.wait_dma2 semaphore(%run_scoped3A : memref<!tpu.dma_semaphore, #tpu.memory_space<semaphore_mem>>) src(%dma_wait3A_45 : memref<125x80xi32, #tpu.memory_space<hbm>>) dst(%arg7 : memref<125x80xi32, #tpu.memory_space<vmem>>)
      tpu.yield
    }) : () -> ()
    "tpu.region"() ({
      %run_scoped3A = tpu.sem_alloc : memref<!tpu.dma_semaphore, #tpu.memory_space<semaphore_mem>>
      %dma_start3A_31 = arith.constant 0 : i32
      %dma_start3A_32 = arith.constant 0 : i32
      %dma_start3A_33 = tpu.memref_slice %arg4[%add3A, %dma_start3A_31, %dma_start3A_32] : memref<32x125x80xi32, #tpu.memory_space<hbm>> -> memref<1x125x80xi32, #tpu.memory_space<hbm>>
      %dma_start3A_34 = tpu.memref_squeeze %dma_start3A_33 : memref<1x125x80xi32, #tpu.memory_space<hbm>> -> memref<125x80xi32, #tpu.memory_space<hbm>>
      %dma_start3A_35 = arith.constant 0 : i32
      %dma_start3A_36 = arith.constant 0 : i32
      %dma_start3A_37 = tpu.memref_slice %arg4[%add3A, %dma_start3A_35, %dma_start3A_36] : memref<32x125x80xi32, #tpu.memory_space<hbm>> -> memref<1x125x80xi32, #tpu.memory_space<hbm>>
      %dma_start3A_38 = tpu.memref_squeeze %dma_start3A_37 : memref<1x125x80xi32, #tpu.memory_space<hbm>> -> memref<125x80xi32, #tpu.memory_space<hbm>>
      tpu.enqueue_dma source(%dma_start3A_38 : memref<125x80xi32, #tpu.memory_space<hbm>>) target(%arg8 : memref<125x80xi32, #tpu.memory_space<vmem>>) target_semaphore(%run_scoped3A : memref<!tpu.dma_semaphore, #tpu.memory_space<semaphore_mem>>)
      %dma_wait3A = arith.constant 0 : i32
      %dma_wait3A_39 = arith.constant 0 : i32
      %dma_wait3A_40 = tpu.memref_slice %arg4[%add3A, %dma_wait3A, %dma_wait3A_39] : memref<32x125x80xi32, #tpu.memory_space<hbm>> -> memref<1x125x80xi32, #tpu.memory_space<hbm>>
      %dma_wait3A_41 = tpu.memref_squeeze %dma_wait3A_40 : memref<1x125x80xi32, #tpu.memory_space<hbm>> -> memref<125x80xi32, #tpu.memory_space<hbm>>
      %dma_wait3A_42 = arith.constant 0 : i32
      %dma_wait3A_43 = arith.constant 0 : i32
      %dma_wait3A_44 = tpu.memref_slice %arg4[%add3A, %dma_wait3A_42, %dma_wait3A_43] : memref<32x125x80xi32, #tpu.memory_space<hbm>> -> memref<1x125x80xi32, #tpu.memory_space<hbm>>
      %dma_wait3A_45 = tpu.memref_squeeze %dma_wait3A_44 : memref<1x125x80xi32, #tpu.memory_space<hbm>> -> memref<125x80xi32, #tpu.memory_space<hbm>>
      tpu.wait_dma2 semaphore(%run_scoped3A : memref<!tpu.dma_semaphore, #tpu.memory_space<semaphore_mem>>) src(%dma_wait3A_45 : memref<125x80xi32, #tpu.memory_space<hbm>>) dst(%arg8 : memref<125x80xi32, #tpu.memory_space<vmem>>)
      tpu.yield
    }) : () -> ()
    %mul3A_1 = arith.constant 10000 : i32
    %mul3A_2 = arith.muli %add3A, %mul3A_1 : i32
    %dma_start3A = arith.constant 0 : i32
    %dma_start3A_3 = arith.constant 0 : i32
    %dma_start3A_4 = arith.constant 0 : i32
    %dma_start3A_5 = arith.constant 0 : i32
    %dma_start3A_6 = tpu.memref_slice %arg9[%dma_start3A_3, %dma_start3A_4, %dma_start3A_5] : memref<2x80x128xbf16, #tpu.memory_space<vmem>> -> memref<1x80x128xbf16, #tpu.memory_space<vmem>>
    %dma_start3A_7 = tpu.memref_squeeze %dma_start3A_6 : memref<1x80x128xbf16, #tpu.memory_space<vmem>> -> memref<80x128xbf16, #tpu.memory_space<vmem>>
    %dma_start3A_8 = arith.constant 0 : i32
    %dma_start3A_9 = tpu.memref_slice %arg7[%dma_start3A, %dma_start3A_8] : memref<125x80xi32, #tpu.memory_space<vmem>> -> memref<1x80xi32, #tpu.memory_space<vmem>>
    %dma_start3A_10 = tpu.memref_squeeze %dma_start3A_9 : memref<1x80xi32, #tpu.memory_space<vmem>> -> memref<80xi32, #tpu.memory_space<vmem>>
    %dma_start3A_11 = arith.constant 0 : i32
    %dma_start3A_12 = arith.constant 0 : i32
    %dma_start3A_13 = tpu.memref_slice %arg2[%dma_start3A_11, %dma_start3A_12] : memref<10000x128xbf16, #tpu.memory_space<hbm>> -> memref<10000x128xbf16, #tpu.memory_space<hbm>>
    tpu.enqueue_indirect_dma source(%dma_start3A_13 : memref<10000x128xbf16, #tpu.memory_space<hbm>>) target(%dma_start3A_7 : memref<80x128xbf16, #tpu.memory_space<vmem>>) offsets(%dma_start3A_10 : memref<80xi32, #tpu.memory_space<vmem>>) semaphore(%arg11 : memref<!tpu.dma_semaphore, #tpu.memory_space<semaphore_mem>>)
    %dma_start3A_14 = arith.constant 0 : i32
    %dma_start3A_15 = arith.constant 0 : i32
    %dma_start3A_16 = arith.constant 0 : i32
    %dma_start3A_17 = arith.constant 0 : i32
    %dma_start3A_18 = tpu.memref_slice %arg10[%dma_start3A_15, %dma_start3A_16, %dma_start3A_17] : memref<2x80x128xbf16, #tpu.memory_space<vmem>> -> memref<1x80x128xbf16, #tpu.memory_space<vmem>>
    %dma_start3A_19 = tpu.memref_squeeze %dma_start3A_18 : memref<1x80x128xbf16, #tpu.memory_space<vmem>> -> memref<80x128xbf16, #tpu.memory_space<vmem>>
    %dma_start3A_20 = arith.constant 0 : i32
    %dma_start3A_21 = tpu.memref_slice %arg8[%dma_start3A_14, %dma_start3A_20] : memref<125x80xi32, #tpu.memory_space<vmem>> -> memref<1x80xi32, #tpu.memory_space<vmem>>
    %dma_start3A_22 = tpu.memref_squeeze %dma_start3A_21 : memref<1x80xi32, #tpu.memory_space<vmem>> -> memref<80xi32, #tpu.memory_space<vmem>>
    %dma_start3A_23 = arith.constant 0 : i32
    %dma_start3A_24 = arith.constant 0 : i32
    %dma_start3A_25 = tpu.memref_slice %arg2[%dma_start3A_23, %dma_start3A_24] : memref<10000x128xbf16, #tpu.memory_space<hbm>> -> memref<10000x128xbf16, #tpu.memory_space<hbm>>
    tpu.enqueue_indirect_dma source(%dma_start3A_25 : memref<10000x128xbf16, #tpu.memory_space<hbm>>) target(%dma_start3A_19 : memref<80x128xbf16, #tpu.memory_space<vmem>>) offsets(%dma_start3A_22 : memref<80xi32, #tpu.memory_space<vmem>>) semaphore(%arg12 : memref<!tpu.dma_semaphore, #tpu.memory_space<semaphore_mem>>)
    %scan3A = arith.constant 0 : i32
    %scan3A_26 = arith.constant 0 : i32
    %scan3A_27 = arith.constant 125 : i32
    %scan3A_28 = arith.addi %scan3A_26, %scan3A_27 : i32
    %scan3A_29 = arith.constant 1 : i32
    scf.for %scan3A_31 = %scan3A_26 to %scan3A_28 step %scan3A_29  : i32 {
      %rem3A = arith.constant 2 : i32
      %rem3A_32 = arith.remsi %scan3A_31, %rem3A : i32
      %eq3A = arith.constant 0 : i32
      %eq3A_33 = arith.cmpi eq, %rem3A_32, %eq3A : i32
      %add3A_34 = arith.constant 1 : i32
      %add3A_35 = arith.addi %scan3A_31, %add3A_34 : i32
      %lt3A = arith.constant 125 : i32
      %lt3A_36 = arith.cmpi slt, %add3A_35, %lt3A : i32
      %and3A = arith.andi %eq3A_33, %lt3A_36 : i1
      %convert_element_type3A = arith.extui %and3A : i1 to i32
      %cond3A = arith.constant 0 : i32
      %cond3A_37 = arith.cmpi ne, %convert_element_type3A, %cond3A : i32
      scf.if %cond3A_37 {
        %add3A_51 = arith.constant 1 : i32
        %add3A_52 = arith.addi %scan3A_31, %add3A_51 : i32
        %dma_start3A_53 = arith.constant 1 : i32
        %dma_start3A_54 = arith.constant 0 : i32
        %dma_start3A_55 = arith.constant 0 : i32
        %dma_start3A_56 = tpu.memref_slice %arg9[%dma_start3A_53, %dma_start3A_54, %dma_start3A_55] : memref<2x80x128xbf16, #tpu.memory_space<vmem>> -> memref<1x80x128xbf16, #tpu.memory_space<vmem>>
        %dma_start3A_57 = tpu.memref_squeeze %dma_start3A_56 : memref<1x80x128xbf16, #tpu.memory_space<vmem>> -> memref<80x128xbf16, #tpu.memory_space<vmem>>
        %dma_start3A_58 = arith.constant 0 : i32
        %dma_start3A_59 = tpu.memref_slice %arg7[%add3A_52, %dma_start3A_58] : memref<125x80xi32, #tpu.memory_space<vmem>> -> memref<1x80xi32, #tpu.memory_space<vmem>>
        %dma_start3A_60 = tpu.memref_squeeze %dma_start3A_59 : memref<1x80xi32, #tpu.memory_space<vmem>> -> memref<80xi32, #tpu.memory_space<vmem>>
        %dma_start3A_61 = arith.constant 0 : i32
        %dma_start3A_62 = arith.constant 0 : i32
        %dma_start3A_63 = tpu.memref_slice %arg2[%dma_start3A_61, %dma_start3A_62] : memref<10000x128xbf16, #tpu.memory_space<hbm>> -> memref<10000x128xbf16, #tpu.memory_space<hbm>>
        tpu.enqueue_indirect_dma source(%dma_start3A_63 : memref<10000x128xbf16, #tpu.memory_space<hbm>>) target(%dma_start3A_57 : memref<80x128xbf16, #tpu.memory_space<vmem>>) offsets(%dma_start3A_60 : memref<80xi32, #tpu.memory_space<vmem>>) semaphore(%arg11 : memref<!tpu.dma_semaphore, #tpu.memory_space<semaphore_mem>>)
        %dma_start3A_64 = arith.constant 1 : i32
        %dma_start3A_65 = arith.constant 0 : i32
        %dma_start3A_66 = arith.constant 0 : i32
        %dma_start3A_67 = tpu.memref_slice %arg10[%dma_start3A_64, %dma_start3A_65, %dma_start3A_66] : memref<2x80x128xbf16, #tpu.memory_space<vmem>> -> memref<1x80x128xbf16, #tpu.memory_space<vmem>>
        %dma_start3A_68 = tpu.memref_squeeze %dma_start3A_67 : memref<1x80x128xbf16, #tpu.memory_space<vmem>> -> memref<80x128xbf16, #tpu.memory_space<vmem>>
        %dma_start3A_69 = arith.constant 0 : i32
        %dma_start3A_70 = tpu.memref_slice %arg8[%add3A_52, %dma_start3A_69] : memref<125x80xi32, #tpu.memory_space<vmem>> -> memref<1x80xi32, #tpu.memory_space<vmem>>
        %dma_start3A_71 = tpu.memref_squeeze %dma_start3A_70 : memref<1x80xi32, #tpu.memory_space<vmem>> -> memref<80xi32, #tpu.memory_space<vmem>>
        %dma_start3A_72 = arith.constant 0 : i32
        %dma_start3A_73 = arith.constant 0 : i32
        %dma_start3A_74 = tpu.memref_slice %arg2[%dma_start3A_72, %dma_start3A_73] : memref<10000x128xbf16, #tpu.memory_space<hbm>> -> memref<10000x128xbf16, #tpu.memory_space<hbm>>
        tpu.enqueue_indirect_dma source(%dma_start3A_74 : memref<10000x128xbf16, #tpu.memory_space<hbm>>) target(%dma_start3A_68 : memref<80x128xbf16, #tpu.memory_space<vmem>>) offsets(%dma_start3A_71 : memref<80xi32, #tpu.memory_space<vmem>>) semaphore(%arg12 : memref<!tpu.dma_semaphore, #tpu.memory_space<semaphore_mem>>)
      } else {
      }
      %not3A = arith.constant true
      %not3A_38 = arith.xori %eq3A_33, %not3A : i1
      %and3A_39 = arith.andi %not3A_38, %lt3A_36 : i1
      %convert_element_type3A_40 = arith.extui %and3A_39 : i1 to i32
      %cond3A_41 = arith.constant 0 : i32
      %cond3A_42 = arith.cmpi ne, %convert_element_type3A_40, %cond3A_41 : i32
      scf.if %cond3A_42 {
        %add3A_51 = arith.constant 1 : i32
        %add3A_52 = arith.addi %scan3A_31, %add3A_51 : i32
        %dma_start3A_53 = arith.constant 0 : i32
        %dma_start3A_54 = arith.constant 0 : i32
        %dma_start3A_55 = arith.constant 0 : i32
        %dma_start3A_56 = tpu.memref_slice %arg9[%dma_start3A_53, %dma_start3A_54, %dma_start3A_55] : memref<2x80x128xbf16, #tpu.memory_space<vmem>> -> memref<1x80x128xbf16, #tpu.memory_space<vmem>>
        %dma_start3A_57 = tpu.memref_squeeze %dma_start3A_56 : memref<1x80x128xbf16, #tpu.memory_space<vmem>> -> memref<80x128xbf16, #tpu.memory_space<vmem>>
        %dma_start3A_58 = arith.constant 0 : i32
        %dma_start3A_59 = tpu.memref_slice %arg7[%add3A_52, %dma_start3A_58] : memref<125x80xi32, #tpu.memory_space<vmem>> -> memref<1x80xi32, #tpu.memory_space<vmem>>
        %dma_start3A_60 = tpu.memref_squeeze %dma_start3A_59 : memref<1x80xi32, #tpu.memory_space<vmem>> -> memref<80xi32, #tpu.memory_space<vmem>>
        %dma_start3A_61 = arith.constant 0 : i32
        %dma_start3A_62 = arith.constant 0 : i32
        %dma_start3A_63 = tpu.memref_slice %arg2[%dma_start3A_61, %dma_start3A_62] : memref<10000x128xbf16, #tpu.memory_space<hbm>> -> memref<10000x128xbf16, #tpu.memory_space<hbm>>
        tpu.enqueue_indirect_dma source(%dma_start3A_63 : memref<10000x128xbf16, #tpu.memory_space<hbm>>) target(%dma_start3A_57 : memref<80x128xbf16, #tpu.memory_space<vmem>>) offsets(%dma_start3A_60 : memref<80xi32, #tpu.memory_space<vmem>>) semaphore(%arg11 : memref<!tpu.dma_semaphore, #tpu.memory_space<semaphore_mem>>)
        %dma_start3A_64 = arith.constant 0 : i32
        %dma_start3A_65 = arith.constant 0 : i32
        %dma_start3A_66 = arith.constant 0 : i32
        %dma_start3A_67 = tpu.memref_slice %arg10[%dma_start3A_64, %dma_start3A_65, %dma_start3A_66] : memref<2x80x128xbf16, #tpu.memory_space<vmem>> -> memref<1x80x128xbf16, #tpu.memory_space<vmem>>
        %dma_start3A_68 = tpu.memref_squeeze %dma_start3A_67 : memref<1x80x128xbf16, #tpu.memory_space<vmem>> -> memref<80x128xbf16, #tpu.memory_space<vmem>>
        %dma_start3A_69 = arith.constant 0 : i32
        %dma_start3A_70 = tpu.memref_slice %arg8[%add3A_52, %dma_start3A_69] : memref<125x80xi32, #tpu.memory_space<vmem>> -> memref<1x80xi32, #tpu.memory_space<vmem>>
        %dma_start3A_71 = tpu.memref_squeeze %dma_start3A_70 : memref<1x80xi32, #tpu.memory_space<vmem>> -> memref<80xi32, #tpu.memory_space<vmem>>
        %dma_start3A_72 = arith.constant 0 : i32
        %dma_start3A_73 = arith.constant 0 : i32
        %dma_start3A_74 = tpu.memref_slice %arg2[%dma_start3A_72, %dma_start3A_73] : memref<10000x128xbf16, #tpu.memory_space<hbm>> -> memref<10000x128xbf16, #tpu.memory_space<hbm>>
        tpu.enqueue_indirect_dma source(%dma_start3A_74 : memref<10000x128xbf16, #tpu.memory_space<hbm>>) target(%dma_start3A_68 : memref<80x128xbf16, #tpu.memory_space<vmem>>) offsets(%dma_start3A_71 : memref<80xi32, #tpu.memory_space<vmem>>) semaphore(%arg12 : memref<!tpu.dma_semaphore, #tpu.memory_space<semaphore_mem>>)
      } else {
      }
      %convert_element_type3A_43 = arith.extui %eq3A_33 : i1 to i32
      %cond3A_44 = arith.constant 0 : i32
      %cond3A_45 = arith.cmpi ne, %convert_element_type3A_43, %cond3A_44 : i32
      scf.if %cond3A_45 {
        %mul3A_51 = arith.constant 80 : i32
        %mul3A_52 = arith.muli %scan3A_31, %mul3A_51 : i32
        %add3A_53 = arith.addi %mul3A_2, %mul3A_52 : i32
        %dma_wait3A = arith.constant 0 : i32
        %dma_wait3A_54 = arith.constant 0 : i32
        %dma_wait3A_55 = arith.constant 0 : i32
        %dma_wait3A_56 = tpu.memref_slice %arg9[%dma_wait3A, %dma_wait3A_54, %dma_wait3A_55] : memref<2x80x128xbf16, #tpu.memory_space<vmem>> -> memref<1x80x128xbf16, #tpu.memory_space<vmem>>
        %dma_wait3A_57 = tpu.memref_squeeze %dma_wait3A_56 : memref<1x80x128xbf16, #tpu.memory_space<vmem>> -> memref<80x128xbf16, #tpu.memory_space<vmem>>
        %dma_wait3A_58 = arith.constant 0 : i32
        %dma_wait3A_59 = tpu.memref_slice %arg7[%scan3A_31, %dma_wait3A_58] : memref<125x80xi32, #tpu.memory_space<vmem>> -> memref<1x80xi32, #tpu.memory_space<vmem>>
        %dma_wait3A_60 = tpu.memref_squeeze %dma_wait3A_59 : memref<1x80xi32, #tpu.memory_space<vmem>> -> memref<80xi32, #tpu.memory_space<vmem>>
        %dma_wait3A_61 = arith.constant 0 : i32
        %dma_wait3A_62 = arith.constant 0 : i32
        %dma_wait3A_63 = tpu.memref_slice %arg2[%dma_wait3A_61, %dma_wait3A_62] : memref<10000x128xbf16, #tpu.memory_space<hbm>> -> memref<10000x128xbf16, #tpu.memory_space<hbm>>
        tpu.wait_indirect_dma semaphore(%arg11 : memref<!tpu.dma_semaphore, #tpu.memory_space<semaphore_mem>>) src(%dma_wait3A_63 : memref<10000x128xbf16, #tpu.memory_space<hbm>>) dst(%dma_wait3A_57 : memref<80x128xbf16, #tpu.memory_space<vmem>>)
        %run_scoped3A = arith.constant 0 : i32
        "tpu.region"() ({
          %run_scoped3A_76 = tpu.sem_alloc : memref<!tpu.dma_semaphore, #tpu.memory_space<semaphore_mem>>
          %dma_start3A_77 = arith.constant 0 : i32
          %dma_start3A_78 = arith.constant 0 : i32
          %dma_start3A_79 = tpu.memref_slice %arg9[%run_scoped3A, %dma_start3A_77, %dma_start3A_78] : memref<2x80x128xbf16, #tpu.memory_space<vmem>> -> memref<1x80x128xbf16, #tpu.memory_space<vmem>>
          %dma_start3A_80 = tpu.memref_squeeze %dma_start3A_79 : memref<1x80x128xbf16, #tpu.memory_space<vmem>> -> memref<80x128xbf16, #tpu.memory_space<vmem>>
          %dma_start3A_81 = arith.constant 0 : i32
          %dma_start3A_82 = tpu.memref_slice %arg5[%add3A_53, %dma_start3A_81] : memref<320000x128xbf16, #tpu.memory_space<hbm>> -> memref<80x128xbf16, #tpu.memory_space<hbm>>
          %dma_start3A_83 = arith.constant 0 : i32
          %dma_start3A_84 = tpu.memref_slice %arg5[%add3A_53, %dma_start3A_83] : memref<320000x128xbf16, #tpu.memory_space<hbm>> -> memref<80x128xbf16, #tpu.memory_space<hbm>>
          %dma_start3A_85 = arith.constant 0 : i32
          %dma_start3A_86 = arith.constant 0 : i32
          %dma_start3A_87 = tpu.memref_slice %arg9[%run_scoped3A, %dma_start3A_85, %dma_start3A_86] : memref<2x80x128xbf16, #tpu.memory_space<vmem>> -> memref<1x80x128xbf16, #tpu.memory_space<vmem>>
          %dma_start3A_88 = tpu.memref_squeeze %dma_start3A_87 : memref<1x80x128xbf16, #tpu.memory_space<vmem>> -> memref<80x128xbf16, #tpu.memory_space<vmem>>
          tpu.enqueue_dma source(%dma_start3A_88 : memref<80x128xbf16, #tpu.memory_space<vmem>>) target(%dma_start3A_84 : memref<80x128xbf16, #tpu.memory_space<hbm>>) target_semaphore(%run_scoped3A_76 : memref<!tpu.dma_semaphore, #tpu.memory_space<semaphore_mem>>)
          %dma_wait3A_89 = arith.constant 0 : i32
          %dma_wait3A_90 = arith.constant 0 : i32
          %dma_wait3A_91 = tpu.memref_slice %arg9[%run_scoped3A, %dma_wait3A_89, %dma_wait3A_90] : memref<2x80x128xbf16, #tpu.memory_space<vmem>> -> memref<1x80x128xbf16, #tpu.memory_space<vmem>>
          %dma_wait3A_92 = tpu.memref_squeeze %dma_wait3A_91 : memref<1x80x128xbf16, #tpu.memory_space<vmem>> -> memref<80x128xbf16, #tpu.memory_space<vmem>>
          %dma_wait3A_93 = arith.constant 0 : i32
          %dma_wait3A_94 = tpu.memref_slice %arg5[%add3A_53, %dma_wait3A_93] : memref<320000x128xbf16, #tpu.memory_space<hbm>> -> memref<80x128xbf16, #tpu.memory_space<hbm>>
          %dma_wait3A_95 = arith.constant 0 : i32
          %dma_wait3A_96 = tpu.memref_slice %arg5[%add3A_53, %dma_wait3A_95] : memref<320000x128xbf16, #tpu.memory_space<hbm>> -> memref<80x128xbf16, #tpu.memory_space<hbm>>
          %dma_wait3A_97 = arith.constant 0 : i32
          %dma_wait3A_98 = arith.constant 0 : i32
          %dma_wait3A_99 = tpu.memref_slice %arg9[%run_scoped3A, %dma_wait3A_97, %dma_wait3A_98] : memref<2x80x128xbf16, #tpu.memory_space<vmem>> -> memref<1x80x128xbf16, #tpu.memory_space<vmem>>
          %dma_wait3A_100 = tpu.memref_squeeze %dma_wait3A_99 : memref<1x80x128xbf16, #tpu.memory_space<vmem>> -> memref<80x128xbf16, #tpu.memory_space<vmem>>
          tpu.wait_dma2 semaphore(%run_scoped3A_76 : memref<!tpu.dma_semaphore, #tpu.memory_space<semaphore_mem>>) src(%dma_wait3A_100 : memref<80x128xbf16, #tpu.memory_space<vmem>>) dst(%dma_wait3A_96 : memref<80x128xbf16, #tpu.memory_space<hbm>>)
          tpu.yield
        }) : () -> ()
        %dma_wait3A_64 = arith.constant 0 : i32
        %dma_wait3A_65 = arith.constant 0 : i32
        %dma_wait3A_66 = arith.constant 0 : i32
        %dma_wait3A_67 = tpu.memref_slice %arg10[%dma_wait3A_64, %dma_wait3A_65, %dma_wait3A_66] : memref<2x80x128xbf16, #tpu.memory_space<vmem>> -> memref<1x80x128xbf16, #tpu.memory_space<vmem>>
        %dma_wait3A_68 = tpu.memref_squeeze %dma_wait3A_67 : memref<1x80x128xbf16, #tpu.memory_space<vmem>> -> memref<80x128xbf16, #tpu.memory_space<vmem>>
        %dma_wait3A_69 = arith.constant 0 : i32
        %dma_wait3A_70 = tpu.memref_slice %arg8[%scan3A_31, %dma_wait3A_69] : memref<125x80xi32, #tpu.memory_space<vmem>> -> memref<1x80xi32, #tpu.memory_space<vmem>>
        %dma_wait3A_71 = tpu.memref_squeeze %dma_wait3A_70 : memref<1x80xi32, #tpu.memory_space<vmem>> -> memref<80xi32, #tpu.memory_space<vmem>>
        %dma_wait3A_72 = arith.constant 0 : i32
        %dma_wait3A_73 = arith.constant 0 : i32
        %dma_wait3A_74 = tpu.memref_slice %arg2[%dma_wait3A_72, %dma_wait3A_73] : memref<10000x128xbf16, #tpu.memory_space<hbm>> -> memref<10000x128xbf16, #tpu.memory_space<hbm>>
        tpu.wait_indirect_dma semaphore(%arg12 : memref<!tpu.dma_semaphore, #tpu.memory_space<semaphore_mem>>) src(%dma_wait3A_74 : memref<10000x128xbf16, #tpu.memory_space<hbm>>) dst(%dma_wait3A_68 : memref<80x128xbf16, #tpu.memory_space<vmem>>)
        %run_scoped3A_75 = arith.constant 0 : i32
        "tpu.region"() ({
          %run_scoped3A_76 = tpu.sem_alloc : memref<!tpu.dma_semaphore, #tpu.memory_space<semaphore_mem>>
          %dma_start3A_77 = arith.constant 0 : i32
          %dma_start3A_78 = arith.constant 0 : i32
          %dma_start3A_79 = tpu.memref_slice %arg10[%run_scoped3A_75, %dma_start3A_77, %dma_start3A_78] : memref<2x80x128xbf16, #tpu.memory_space<vmem>> -> memref<1x80x128xbf16, #tpu.memory_space<vmem>>
          %dma_start3A_80 = tpu.memref_squeeze %dma_start3A_79 : memref<1x80x128xbf16, #tpu.memory_space<vmem>> -> memref<80x128xbf16, #tpu.memory_space<vmem>>
          %dma_start3A_81 = arith.constant 0 : i32
          %dma_start3A_82 = tpu.memref_slice %arg6[%add3A_53, %dma_start3A_81] : memref<320000x128xbf16, #tpu.memory_space<hbm>> -> memref<80x128xbf16, #tpu.memory_space<hbm>>
          %dma_start3A_83 = arith.constant 0 : i32
          %dma_start3A_84 = tpu.memref_slice %arg6[%add3A_53, %dma_start3A_83] : memref<320000x128xbf16, #tpu.memory_space<hbm>> -> memref<80x128xbf16, #tpu.memory_space<hbm>>
          %dma_start3A_85 = arith.constant 0 : i32
          %dma_start3A_86 = arith.constant 0 : i32
          %dma_start3A_87 = tpu.memref_slice %arg10[%run_scoped3A_75, %dma_start3A_85, %dma_start3A_86] : memref<2x80x128xbf16, #tpu.memory_space<vmem>> -> memref<1x80x128xbf16, #tpu.memory_space<vmem>>
          %dma_start3A_88 = tpu.memref_squeeze %dma_start3A_87 : memref<1x80x128xbf16, #tpu.memory_space<vmem>> -> memref<80x128xbf16, #tpu.memory_space<vmem>>
          tpu.enqueue_dma source(%dma_start3A_88 : memref<80x128xbf16, #tpu.memory_space<vmem>>) target(%dma_start3A_84 : memref<80x128xbf16, #tpu.memory_space<hbm>>) target_semaphore(%run_scoped3A_76 : memref<!tpu.dma_semaphore, #tpu.memory_space<semaphore_mem>>)
          %dma_wait3A_89 = arith.constant 0 : i32
          %dma_wait3A_90 = arith.constant 0 : i32
          %dma_wait3A_91 = tpu.memref_slice %arg10[%run_scoped3A_75, %dma_wait3A_89, %dma_wait3A_90] : memref<2x80x128xbf16, #tpu.memory_space<vmem>> -> memref<1x80x128xbf16, #tpu.memory_space<vmem>>
          %dma_wait3A_92 = tpu.memref_squeeze %dma_wait3A_91 : memref<1x80x128xbf16, #tpu.memory_space<vmem>> -> memref<80x128xbf16, #tpu.memory_space<vmem>>
          %dma_wait3A_93 = arith.constant 0 : i32
          %dma_wait3A_94 = tpu.memref_slice %arg6[%add3A_53, %dma_wait3A_93] : memref<320000x128xbf16, #tpu.memory_space<hbm>> -> memref<80x128xbf16, #tpu.memory_space<hbm>>
          %dma_wait3A_95 = arith.constant 0 : i32
          %dma_wait3A_96 = tpu.memref_slice %arg6[%add3A_53, %dma_wait3A_95] : memref<320000x128xbf16, #tpu.memory_space<hbm>> -> memref<80x128xbf16, #tpu.memory_space<hbm>>
          %dma_wait3A_97 = arith.constant 0 : i32
          %dma_wait3A_98 = arith.constant 0 : i32
          %dma_wait3A_99 = tpu.memref_slice %arg10[%run_scoped3A_75, %dma_wait3A_97, %dma_wait3A_98] : memref<2x80x128xbf16, #tpu.memory_space<vmem>> -> memref<1x80x128xbf16, #tpu.memory_space<vmem>>
          %dma_wait3A_100 = tpu.memref_squeeze %dma_wait3A_99 : memref<1x80x128xbf16, #tpu.memory_space<vmem>> -> memref<80x128xbf16, #tpu.memory_space<vmem>>
          tpu.wait_dma2 semaphore(%run_scoped3A_76 : memref<!tpu.dma_semaphore, #tpu.memory_space<semaphore_mem>>) src(%dma_wait3A_100 : memref<80x128xbf16, #tpu.memory_space<vmem>>) dst(%dma_wait3A_96 : memref<80x128xbf16, #tpu.memory_space<hbm>>)
          tpu.yield
        }) : () -> ()
      } else {
      }
      %not3A_46 = arith.constant true
      %not3A_47 = arith.xori %eq3A_33, %not3A_46 : i1
      %convert_element_type3A_48 = arith.extui %not3A_47 : i1 to i32
      %cond3A_49 = arith.constant 0 : i32
      %cond3A_50 = arith.cmpi ne, %convert_element_type3A_48, %cond3A_49 : i32
      scf.if %cond3A_50 {
        %mul3A_51 = arith.constant 80 : i32
        %mul3A_52 = arith.muli %scan3A_31, %mul3A_51 : i32
        %add3A_53 = arith.addi %mul3A_2, %mul3A_52 : i32
        %dma_wait3A = arith.constant 1 : i32
        %dma_wait3A_54 = arith.constant 0 : i32
        %dma_wait3A_55 = arith.constant 0 : i32
        %dma_wait3A_56 = tpu.memref_slice %arg9[%dma_wait3A, %dma_wait3A_54, %dma_wait3A_55] : memref<2x80x128xbf16, #tpu.memory_space<vmem>> -> memref<1x80x128xbf16, #tpu.memory_space<vmem>>
        %dma_wait3A_57 = tpu.memref_squeeze %dma_wait3A_56 : memref<1x80x128xbf16, #tpu.memory_space<vmem>> -> memref<80x128xbf16, #tpu.memory_space<vmem>>
        %dma_wait3A_58 = arith.constant 0 : i32
        %dma_wait3A_59 = tpu.memref_slice %arg7[%scan3A_31, %dma_wait3A_58] : memref<125x80xi32, #tpu.memory_space<vmem>> -> memref<1x80xi32, #tpu.memory_space<vmem>>
        %dma_wait3A_60 = tpu.memref_squeeze %dma_wait3A_59 : memref<1x80xi32, #tpu.memory_space<vmem>> -> memref<80xi32, #tpu.memory_space<vmem>>
        %dma_wait3A_61 = arith.constant 0 : i32
        %dma_wait3A_62 = arith.constant 0 : i32
        %dma_wait3A_63 = tpu.memref_slice %arg2[%dma_wait3A_61, %dma_wait3A_62] : memref<10000x128xbf16, #tpu.memory_space<hbm>> -> memref<10000x128xbf16, #tpu.memory_space<hbm>>
        tpu.wait_indirect_dma semaphore(%arg11 : memref<!tpu.dma_semaphore, #tpu.memory_space<semaphore_mem>>) src(%dma_wait3A_63 : memref<10000x128xbf16, #tpu.memory_space<hbm>>) dst(%dma_wait3A_57 : memref<80x128xbf16, #tpu.memory_space<vmem>>)
        %run_scoped3A = arith.constant 1 : i32
        "tpu.region"() ({
          %run_scoped3A_76 = tpu.sem_alloc : memref<!tpu.dma_semaphore, #tpu.memory_space<semaphore_mem>>
          %dma_start3A_77 = arith.constant 0 : i32
          %dma_start3A_78 = arith.constant 0 : i32
          %dma_start3A_79 = tpu.memref_slice %arg9[%run_scoped3A, %dma_start3A_77, %dma_start3A_78] : memref<2x80x128xbf16, #tpu.memory_space<vmem>> -> memref<1x80x128xbf16, #tpu.memory_space<vmem>>
          %dma_start3A_80 = tpu.memref_squeeze %dma_start3A_79 : memref<1x80x128xbf16, #tpu.memory_space<vmem>> -> memref<80x128xbf16, #tpu.memory_space<vmem>>
          %dma_start3A_81 = arith.constant 0 : i32
          %dma_start3A_82 = tpu.memref_slice %arg5[%add3A_53, %dma_start3A_81] : memref<320000x128xbf16, #tpu.memory_space<hbm>> -> memref<80x128xbf16, #tpu.memory_space<hbm>>
          %dma_start3A_83 = arith.constant 0 : i32
          %dma_start3A_84 = tpu.memref_slice %arg5[%add3A_53, %dma_start3A_83] : memref<320000x128xbf16, #tpu.memory_space<hbm>> -> memref<80x128xbf16, #tpu.memory_space<hbm>>
          %dma_start3A_85 = arith.constant 0 : i32
          %dma_start3A_86 = arith.constant 0 : i32
          %dma_start3A_87 = tpu.memref_slice %arg9[%run_scoped3A, %dma_start3A_85, %dma_start3A_86] : memref<2x80x128xbf16, #tpu.memory_space<vmem>> -> memref<1x80x128xbf16, #tpu.memory_space<vmem>>
          %dma_start3A_88 = tpu.memref_squeeze %dma_start3A_87 : memref<1x80x128xbf16, #tpu.memory_space<vmem>> -> memref<80x128xbf16, #tpu.memory_space<vmem>>
          tpu.enqueue_dma source(%dma_start3A_88 : memref<80x128xbf16, #tpu.memory_space<vmem>>) target(%dma_start3A_84 : memref<80x128xbf16, #tpu.memory_space<hbm>>) target_semaphore(%run_scoped3A_76 : memref<!tpu.dma_semaphore, #tpu.memory_space<semaphore_mem>>)
          %dma_wait3A_89 = arith.constant 0 : i32
          %dma_wait3A_90 = arith.constant 0 : i32
          %dma_wait3A_91 = tpu.memref_slice %arg9[%run_scoped3A, %dma_wait3A_89, %dma_wait3A_90] : memref<2x80x128xbf16, #tpu.memory_space<vmem>> -> memref<1x80x128xbf16, #tpu.memory_space<vmem>>
          %dma_wait3A_92 = tpu.memref_squeeze %dma_wait3A_91 : memref<1x80x128xbf16, #tpu.memory_space<vmem>> -> memref<80x128xbf16, #tpu.memory_space<vmem>>
          %dma_wait3A_93 = arith.constant 0 : i32
          %dma_wait3A_94 = tpu.memref_slice %arg5[%add3A_53, %dma_wait3A_93] : memref<320000x128xbf16, #tpu.memory_space<hbm>> -> memref<80x128xbf16, #tpu.memory_space<hbm>>
          %dma_wait3A_95 = arith.constant 0 : i32
          %dma_wait3A_96 = tpu.memref_slice %arg5[%add3A_53, %dma_wait3A_95] : memref<320000x128xbf16, #tpu.memory_space<hbm>> -> memref<80x128xbf16, #tpu.memory_space<hbm>>
          %dma_wait3A_97 = arith.constant 0 : i32
          %dma_wait3A_98 = arith.constant 0 : i32
          %dma_wait3A_99 = tpu.memref_slice %arg9[%run_scoped3A, %dma_wait3A_97, %dma_wait3A_98] : memref<2x80x128xbf16, #tpu.memory_space<vmem>> -> memref<1x80x128xbf16, #tpu.memory_space<vmem>>
          %dma_wait3A_100 = tpu.memref_squeeze %dma_wait3A_99 : memref<1x80x128xbf16, #tpu.memory_space<vmem>> -> memref<80x128xbf16, #tpu.memory_space<vmem>>
          tpu.wait_dma2 semaphore(%run_scoped3A_76 : memref<!tpu.dma_semaphore, #tpu.memory_space<semaphore_mem>>) src(%dma_wait3A_100 : memref<80x128xbf16, #tpu.memory_space<vmem>>) dst(%dma_wait3A_96 : memref<80x128xbf16, #tpu.memory_space<hbm>>)
          tpu.yield
        }) : () -> ()
        %dma_wait3A_64 = arith.constant 1 : i32
        %dma_wait3A_65 = arith.constant 0 : i32
        %dma_wait3A_66 = arith.constant 0 : i32
        %dma_wait3A_67 = tpu.memref_slice %arg10[%dma_wait3A_64, %dma_wait3A_65, %dma_wait3A_66] : memref<2x80x128xbf16, #tpu.memory_space<vmem>> -> memref<1x80x128xbf16, #tpu.memory_space<vmem>>
        %dma_wait3A_68 = tpu.memref_squeeze %dma_wait3A_67 : memref<1x80x128xbf16, #tpu.memory_space<vmem>> -> memref<80x128xbf16, #tpu.memory_space<vmem>>
        %dma_wait3A_69 = arith.constant 0 : i32
        %dma_wait3A_70 = tpu.memref_slice %arg8[%scan3A_31, %dma_wait3A_69] : memref<125x80xi32, #tpu.memory_space<vmem>> -> memref<1x80xi32, #tpu.memory_space<vmem>>
        %dma_wait3A_71 = tpu.memref_squeeze %dma_wait3A_70 : memref<1x80xi32, #tpu.memory_space<vmem>> -> memref<80xi32, #tpu.memory_space<vmem>>
        %dma_wait3A_72 = arith.constant 0 : i32
        %dma_wait3A_73 = arith.constant 0 : i32
        %dma_wait3A_74 = tpu.memref_slice %arg2[%dma_wait3A_72, %dma_wait3A_73] : memref<10000x128xbf16, #tpu.memory_space<hbm>> -> memref<10000x128xbf16, #tpu.memory_space<hbm>>
        tpu.wait_indirect_dma semaphore(%arg12 : memref<!tpu.dma_semaphore, #tpu.memory_space<semaphore_mem>>) src(%dma_wait3A_74 : memref<10000x128xbf16, #tpu.memory_space<hbm>>) dst(%dma_wait3A_68 : memref<80x128xbf16, #tpu.memory_space<vmem>>)
        %run_scoped3A_75 = arith.constant 1 : i32
        "tpu.region"() ({
          %run_scoped3A_76 = tpu.sem_alloc : memref<!tpu.dma_semaphore, #tpu.memory_space<semaphore_mem>>
          %dma_start3A_77 = arith.constant 0 : i32
          %dma_start3A_78 = arith.constant 0 : i32
          %dma_start3A_79 = tpu.memref_slice %arg10[%run_scoped3A_75, %dma_start3A_77, %dma_start3A_78] : memref<2x80x128xbf16, #tpu.memory_space<vmem>> -> memref<1x80x128xbf16, #tpu.memory_space<vmem>>
          %dma_start3A_80 = tpu.memref_squeeze %dma_start3A_79 : memref<1x80x128xbf16, #tpu.memory_space<vmem>> -> memref<80x128xbf16, #tpu.memory_space<vmem>>
          %dma_start3A_81 = arith.constant 0 : i32
          %dma_start3A_82 = tpu.memref_slice %arg6[%add3A_53, %dma_start3A_81] : memref<320000x128xbf16, #tpu.memory_space<hbm>> -> memref<80x128xbf16, #tpu.memory_space<hbm>>
          %dma_start3A_83 = arith.constant 0 : i32
          %dma_start3A_84 = tpu.memref_slice %arg6[%add3A_53, %dma_start3A_83] : memref<320000x128xbf16, #tpu.memory_space<hbm>> -> memref<80x128xbf16, #tpu.memory_space<hbm>>
          %dma_start3A_85 = arith.constant 0 : i32
          %dma_start3A_86 = arith.constant 0 : i32
          %dma_start3A_87 = tpu.memref_slice %arg10[%run_scoped3A_75, %dma_start3A_85, %dma_start3A_86] : memref<2x80x128xbf16, #tpu.memory_space<vmem>> -> memref<1x80x128xbf16, #tpu.memory_space<vmem>>
          %dma_start3A_88 = tpu.memref_squeeze %dma_start3A_87 : memref<1x80x128xbf16, #tpu.memory_space<vmem>> -> memref<80x128xbf16, #tpu.memory_space<vmem>>
          tpu.enqueue_dma source(%dma_start3A_88 : memref<80x128xbf16, #tpu.memory_space<vmem>>) target(%dma_start3A_84 : memref<80x128xbf16, #tpu.memory_space<hbm>>) target_semaphore(%run_scoped3A_76 : memref<!tpu.dma_semaphore, #tpu.memory_space<semaphore_mem>>)
          %dma_wait3A_89 = arith.constant 0 : i32
          %dma_wait3A_90 = arith.constant 0 : i32
          %dma_wait3A_91 = tpu.memref_slice %arg10[%run_scoped3A_75, %dma_wait3A_89, %dma_wait3A_90] : memref<2x80x128xbf16, #tpu.memory_space<vmem>> -> memref<1x80x128xbf16, #tpu.memory_space<vmem>>
          %dma_wait3A_92 = tpu.memref_squeeze %dma_wait3A_91 : memref<1x80x128xbf16, #tpu.memory_space<vmem>> -> memref<80x128xbf16, #tpu.memory_space<vmem>>
          %dma_wait3A_93 = arith.constant 0 : i32
          %dma_wait3A_94 = tpu.memref_slice %arg6[%add3A_53, %dma_wait3A_93] : memref<320000x128xbf16, #tpu.memory_space<hbm>> -> memref<80x128xbf16, #tpu.memory_space<hbm>>
          %dma_wait3A_95 = arith.constant 0 : i32
          %dma_wait3A_96 = tpu.memref_slice %arg6[%add3A_53, %dma_wait3A_95] : memref<320000x128xbf16, #tpu.memory_space<hbm>> -> memref<80x128xbf16, #tpu.memory_space<hbm>>
          %dma_wait3A_97 = arith.constant 0 : i32
          %dma_wait3A_98 = arith.constant 0 : i32
          %dma_wait3A_99 = tpu.memref_slice %arg10[%run_scoped3A_75, %dma_wait3A_97, %dma_wait3A_98] : memref<2x80x128xbf16, #tpu.memory_space<vmem>> -> memref<1x80x128xbf16, #tpu.memory_space<vmem>>
          %dma_wait3A_100 = tpu.memref_squeeze %dma_wait3A_99 : memref<1x80x128xbf16, #tpu.memory_space<vmem>> -> memref<80x128xbf16, #tpu.memory_space<vmem>>
          tpu.wait_dma2 semaphore(%run_scoped3A_76 : memref<!tpu.dma_semaphore, #tpu.memory_space<semaphore_mem>>) src(%dma_wait3A_100 : memref<80x128xbf16, #tpu.memory_space<vmem>>) dst(%dma_wait3A_96 : memref<80x128xbf16, #tpu.memory_space<hbm>>)
          tpu.yield
        }) : () -> ()
      } else {
      }
    }
    %scan3A_30 = arith.constant 125 : i32
    return
  }
}

#map = affine_map<(d0, d1) -> (0, 0)>
#map1 = affine_map<(d0, d1) -> (0, 0, 0)>
module attributes {stable_mosaic.version = 14 : i64} {
  func.func @sc_kernel(%arg0: i32, %arg1: i32, %arg2: memref<10000x128xbf16, #tpu.memory_space<hbm>>, %arg3: memref<32x125x80xi32, #tpu.memory_space<hbm>>, %arg4: memref<32x125x80xi32, #tpu.memory_space<hbm>>, %arg5: memref<320000x128xbf16, #tpu.memory_space<hbm>>, %arg6: memref<320000x128xbf16, #tpu.memory_space<hbm>>, %arg7: memref<125x80xi32, #tpu.memory_space<vmem>>, %arg8: memref<125x80xi32, #tpu.memory_space<vmem>>, %arg9: memref<2x80x128xbf16, #tpu.memory_space<vmem>>, %arg10: memref<2x80x128xbf16, #tpu.memory_space<vmem>>, %arg11: memref<!tpu.dma_semaphore, #tpu.memory_space<semaphore_mem>>, %arg12: memref<!tpu.dma_semaphore, #tpu.memory_space<semaphore_mem>>) attributes {dimension_semantics = [#tpu.dimension_semantics<core_parallel>, #tpu.dimension_semantics<subcore_parallel>], iteration_bounds = array<i64: 2, 16>, scalar_prefetch = 0 : i64, scratch_operands = 6 : i64, tpu.core_type = #tpu.core_type<sc_vector_subcore>, window_params = [{transform_indices = #map}, {transform_indices = #map1}, {transform_indices = #map1}, {transform_indices = #map}, {transform_indices = #map}]} {
    %mul3A = arith.constant 2 : i32
    %mul3A_0 = arith.muli %arg1, %mul3A : i32
    %add3A = arith.addi %mul3A_0, %arg0 : i32
    "tpu.region"() ({
      %run_scoped3A = tpu.sem_alloc : memref<!tpu.dma_semaphore, #tpu.memory_space<semaphore_mem>>
      %dma_start3A_31 = arith.constant 0 : i32
      %dma_start3A_32 = arith.constant 0 : i32
      %dma_start3A_33 = tpu.memref_slice %arg3[%add3A, %dma_start3A_31, %dma_start3A_32] : memref<32x125x80xi32, #tpu.memory_space<hbm>> -> memref<1x125x80xi32, #tpu.memory_space<hbm>>
      %dma_start3A_34 = tpu.memref_squeeze %dma_start3A_33 : memref<1x125x80xi32, #tpu.memory_space<hbm>> -> memref<125x80xi32, #tpu.memory_space<hbm>>
      %dma_start3A_35 = arith.constant 0 : i32
      %dma_start3A_36 = arith.constant 0 : i32
      %dma_start3A_37 = tpu.memref_slice %arg3[%add3A, %dma_start3A_35, %dma_start3A_36] : memref<32x125x80xi32, #tpu.memory_space<hbm>> -> memref<1x125x80xi32, #tpu.memory_space<hbm>>
      %dma_start3A_38 = tpu.memref_squeeze %dma_start3A_37 : memref<1x125x80xi32, #tpu.memory_space<hbm>> -> memref<125x80xi32, #tpu.memory_space<hbm>>
      tpu.enqueue_dma source(%dma_start3A_38 : memref<125x80xi32, #tpu.memory_space<hbm>>) target(%arg7 : memref<125x80xi32, #tpu.memory_space<vmem>>) target_semaphore(%run_scoped3A : memref<!tpu.dma_semaphore, #tpu.memory_space<semaphore_mem>>)
      %dma_wait3A = arith.constant 0 : i32
      %dma_wait3A_39 = arith.constant 0 : i32
      %dma_wait3A_40 = tpu.memref_slice %arg3[%add3A, %dma_wait3A, %dma_wait3A_39] : memref<32x125x80xi32, #tpu.memory_space<hbm>> -> memref<1x125x80xi32, #tpu.memory_space<hbm>>
      %dma_wait3A_41 = tpu.memref_squeeze %dma_wait3A_40 : memref<1x125x80xi32, #tpu.memory_space<hbm>> -> memref<125x80xi32, #tpu.memory_space<hbm>>
      %dma_wait3A_42 = arith.constant 0 : i32
      %dma_wait3A_43 = arith.constant 0 : i32
      %dma_wait3A_44 = tpu.memref_slice %arg3[%add3A, %dma_wait3A_42, %dma_wait3A_43] : memref<32x125x80xi32, #tpu.memory_space<hbm>> -> memref<1x125x80xi32, #tpu.memory_space<hbm>>
      %dma_wait3A_45 = tpu.memref_squeeze %dma_wait3A_44 : memref<1x125x80xi32, #tpu.memory_space<hbm>> -> memref<125x80xi32, #tpu.memory_space<hbm>>
      tpu.wait_dma2 semaphore(%run_scoped3A : memref<!tpu.dma_semaphore, #tpu.memory_space<semaphore_mem>>) src(%dma_wait3A_45 : memref<125x80xi32, #tpu.memory_space<hbm>>) dst(%arg7 : memref<125x80xi32, #tpu.memory_space<vmem>>)
      tpu.yield
    }) : () -> ()
    "tpu.region"() ({
      %run_scoped3A = tpu.sem_alloc : memref<!tpu.dma_semaphore, #tpu.memory_space<semaphore_mem>>
      %dma_start3A_31 = arith.constant 0 : i32
      %dma_start3A_32 = arith.constant 0 : i32
      %dma_start3A_33 = tpu.memref_slice %arg4[%add3A, %dma_start3A_31, %dma_start3A_32] : memref<32x125x80xi32, #tpu.memory_space<hbm>> -> memref<1x125x80xi32, #tpu.memory_space<hbm>>
      %dma_start3A_34 = tpu.memref_squeeze %dma_start3A_33 : memref<1x125x80xi32, #tpu.memory_space<hbm>> -> memref<125x80xi32, #tpu.memory_space<hbm>>
      %dma_start3A_35 = arith.constant 0 : i32
      %dma_start3A_36 = arith.constant 0 : i32
      %dma_start3A_37 = tpu.memref_slice %arg4[%add3A, %dma_start3A_35, %dma_start3A_36] : memref<32x125x80xi32, #tpu.memory_space<hbm>> -> memref<1x125x80xi32, #tpu.memory_space<hbm>>
      %dma_start3A_38 = tpu.memref_squeeze %dma_start3A_37 : memref<1x125x80xi32, #tpu.memory_space<hbm>> -> memref<125x80xi32, #tpu.memory_space<hbm>>
      tpu.enqueue_dma source(%dma_start3A_38 : memref<125x80xi32, #tpu.memory_space<hbm>>) target(%arg8 : memref<125x80xi32, #tpu.memory_space<vmem>>) target_semaphore(%run_scoped3A : memref<!tpu.dma_semaphore, #tpu.memory_space<semaphore_mem>>)
      %dma_wait3A = arith.constant 0 : i32
      %dma_wait3A_39 = arith.constant 0 : i32
      %dma_wait3A_40 = tpu.memref_slice %arg4[%add3A, %dma_wait3A, %dma_wait3A_39] : memref<32x125x80xi32, #tpu.memory_space<hbm>> -> memref<1x125x80xi32, #tpu.memory_space<hbm>>
      %dma_wait3A_41 = tpu.memref_squeeze %dma_wait3A_40 : memref<1x125x80xi32, #tpu.memory_space<hbm>> -> memref<125x80xi32, #tpu.memory_space<hbm>>
      %dma_wait3A_42 = arith.constant 0 : i32
      %dma_wait3A_43 = arith.constant 0 : i32
      %dma_wait3A_44 = tpu.memref_slice %arg4[%add3A, %dma_wait3A_42, %dma_wait3A_43] : memref<32x125x80xi32, #tpu.memory_space<hbm>> -> memref<1x125x80xi32, #tpu.memory_space<hbm>>
      %dma_wait3A_45 = tpu.memref_squeeze %dma_wait3A_44 : memref<1x125x80xi32, #tpu.memory_space<hbm>> -> memref<125x80xi32, #tpu.memory_space<hbm>>
      tpu.wait_dma2 semaphore(%run_scoped3A : memref<!tpu.dma_semaphore, #tpu.memory_space<semaphore_mem>>) src(%dma_wait3A_45 : memref<125x80xi32, #tpu.memory_space<hbm>>) dst(%arg8 : memref<125x80xi32, #tpu.memory_space<vmem>>)
      tpu.yield
    }) : () -> ()
    %mul3A_1 = arith.constant 10000 : i32
    %mul3A_2 = arith.muli %add3A, %mul3A_1 : i32
    %dma_start3A = arith.constant 0 : i32
    %dma_start3A_3 = arith.constant 0 : i32
    %dma_start3A_4 = arith.constant 0 : i32
    %dma_start3A_5 = arith.constant 0 : i32
    %dma_start3A_6 = tpu.memref_slice %arg9[%dma_start3A_3, %dma_start3A_4, %dma_start3A_5] : memref<2x80x128xbf16, #tpu.memory_space<vmem>> -> memref<1x80x128xbf16, #tpu.memory_space<vmem>>
    %dma_start3A_7 = tpu.memref_squeeze %dma_start3A_6 : memref<1x80x128xbf16, #tpu.memory_space<vmem>> -> memref<80x128xbf16, #tpu.memory_space<vmem>>
    %dma_start3A_8 = arith.constant 0 : i32
    %dma_start3A_9 = tpu.memref_slice %arg7[%dma_start3A, %dma_start3A_8] : memref<125x80xi32, #tpu.memory_space<vmem>> -> memref<1x80xi32, #tpu.memory_space<vmem>>
    %dma_start3A_10 = tpu.memref_squeeze %dma_start3A_9 : memref<1x80xi32, #tpu.memory_space<vmem>> -> memref<80xi32, #tpu.memory_space<vmem>>
    %dma_start3A_11 = arith.constant 0 : i32
    %dma_start3A_12 = arith.constant 0 : i32
    %dma_start3A_13 = tpu.memref_slice %arg2[%dma_start3A_11, %dma_start3A_12] : memref<10000x128xbf16, #tpu.memory_space<hbm>> -> memref<10000x128xbf16, #tpu.memory_space<hbm>>
    tpu.enqueue_indirect_dma source(%dma_start3A_13 : memref<10000x128xbf16, #tpu.memory_space<hbm>>) target(%dma_start3A_7 : memref<80x128xbf16, #tpu.memory_space<vmem>>) offsets(%dma_start3A_10 : memref<80xi32, #tpu.memory_space<vmem>>) semaphore(%arg11 : memref<!tpu.dma_semaphore, #tpu.memory_space<semaphore_mem>>)
    %dma_start3A_14 = arith.constant 0 : i32
    %dma_start3A_15 = arith.constant 0 : i32
    %dma_start3A_16 = arith.constant 0 : i32
    %dma_start3A_17 = arith.constant 0 : i32
    %dma_start3A_18 = tpu.memref_slice %arg10[%dma_start3A_15, %dma_start3A_16, %dma_start3A_17] : memref<2x80x128xbf16, #tpu.memory_space<vmem>> -> memref<1x80x128xbf16, #tpu.memory_space<vmem>>
    %dma_start3A_19 = tpu.memref_squeeze %dma_start3A_18 : memref<1x80x128xbf16, #tpu.memory_space<vmem>> -> memref<80x128xbf16, #tpu.memory_space<vmem>>
    %dma_start3A_20 = arith.constant 0 : i32
    %dma_start3A_21 = tpu.memref_slice %arg8[%dma_start3A_14, %dma_start3A_20] : memref<125x80xi32, #tpu.memory_space<vmem>> -> memref<1x80xi32, #tpu.memory_space<vmem>>
    %dma_start3A_22 = tpu.memref_squeeze %dma_start3A_21 : memref<1x80xi32, #tpu.memory_space<vmem>> -> memref<80xi32, #tpu.memory_space<vmem>>
    %dma_start3A_23 = arith.constant 0 : i32
    %dma_start3A_24 = arith.constant 0 : i32
    %dma_start3A_25 = tpu.memref_slice %arg2[%dma_start3A_23, %dma_start3A_24] : memref<10000x128xbf16, #tpu.memory_space<hbm>> -> memref<10000x128xbf16, #tpu.memory_space<hbm>>
    tpu.enqueue_indirect_dma source(%dma_start3A_25 : memref<10000x128xbf16, #tpu.memory_space<hbm>>) target(%dma_start3A_19 : memref<80x128xbf16, #tpu.memory_space<vmem>>) offsets(%dma_start3A_22 : memref<80xi32, #tpu.memory_space<vmem>>) semaphore(%arg12 : memref<!tpu.dma_semaphore, #tpu.memory_space<semaphore_mem>>)
    %scan3A = arith.constant 0 : i32
    %scan3A_26 = arith.constant 0 : i32
    %scan3A_27 = arith.constant 125 : i32
    %scan3A_28 = arith.addi %scan3A_26, %scan3A_27 : i32
    %scan3A_29 = arith.constant 1 : i32
    scf.for %scan3A_31 = %scan3A_26 to %scan3A_28 step %scan3A_29  : i32 {
      %rem3A = arith.constant 2 : i32
      %rem3A_32 = arith.remsi %scan3A_31, %rem3A : i32
      %eq3A = arith.constant 0 : i32
      %eq3A_33 = arith.cmpi eq, %rem3A_32, %eq3A : i32
      %add3A_34 = arith.constant 1 : i32
      %add3A_35 = arith.addi %scan3A_31, %add3A_34 : i32
      %lt3A = arith.constant 125 : i32
      %lt3A_36 = arith.cmpi slt, %add3A_35, %lt3A : i32
      %and3A = arith.andi %eq3A_33, %lt3A_36 : i1
      %convert_element_type3A = arith.extui %and3A : i1 to i32
      %cond3A = arith.constant 0 : i32
      %cond3A_37 = arith.cmpi ne, %convert_element_type3A, %cond3A : i32
      scf.if %cond3A_37 {
        %add3A_51 = arith.constant 1 : i32
        %add3A_52 = arith.addi %scan3A_31, %add3A_51 : i32
        %dma_start3A_53 = arith.constant 1 : i32
        %dma_start3A_54 = arith.constant 0 : i32
        %dma_start3A_55 = arith.constant 0 : i32
        %dma_start3A_56 = tpu.memref_slice %arg9[%dma_start3A_53, %dma_start3A_54, %dma_start3A_55] : memref<2x80x128xbf16, #tpu.memory_space<vmem>> -> memref<1x80x128xbf16, #tpu.memory_space<vmem>>
        %dma_start3A_57 = tpu.memref_squeeze %dma_start3A_56 : memref<1x80x128xbf16, #tpu.memory_space<vmem>> -> memref<80x128xbf16, #tpu.memory_space<vmem>>
        %dma_start3A_58 = arith.constant 0 : i32
        %dma_start3A_59 = tpu.memref_slice %arg7[%add3A_52, %dma_start3A_58] : memref<125x80xi32, #tpu.memory_space<vmem>> -> memref<1x80xi32, #tpu.memory_space<vmem>>
        %dma_start3A_60 = tpu.memref_squeeze %dma_start3A_59 : memref<1x80xi32, #tpu.memory_space<vmem>> -> memref<80xi32, #tpu.memory_space<vmem>>
        %dma_start3A_61 = arith.constant 0 : i32
        %dma_start3A_62 = arith.constant 0 : i32
        %dma_start3A_63 = tpu.memref_slice %arg2[%dma_start3A_61, %dma_start3A_62] : memref<10000x128xbf16, #tpu.memory_space<hbm>> -> memref<10000x128xbf16, #tpu.memory_space<hbm>>
        tpu.enqueue_indirect_dma source(%dma_start3A_63 : memref<10000x128xbf16, #tpu.memory_space<hbm>>) target(%dma_start3A_57 : memref<80x128xbf16, #tpu.memory_space<vmem>>) offsets(%dma_start3A_60 : memref<80xi32, #tpu.memory_space<vmem>>) semaphore(%arg11 : memref<!tpu.dma_semaphore, #tpu.memory_space<semaphore_mem>>)
        %dma_start3A_64 = arith.constant 1 : i32
        %dma_start3A_65 = arith.constant 0 : i32
        %dma_start3A_66 = arith.constant 0 : i32
        %dma_start3A_67 = tpu.memref_slice %arg10[%dma_start3A_64, %dma_start3A_65, %dma_start3A_66] : memref<2x80x128xbf16, #tpu.memory_space<vmem>> -> memref<1x80x128xbf16, #tpu.memory_space<vmem>>
        %dma_start3A_68 = tpu.memref_squeeze %dma_start3A_67 : memref<1x80x128xbf16, #tpu.memory_space<vmem>> -> memref<80x128xbf16, #tpu.memory_space<vmem>>
        %dma_start3A_69 = arith.constant 0 : i32
        %dma_start3A_70 = tpu.memref_slice %arg8[%add3A_52, %dma_start3A_69] : memref<125x80xi32, #tpu.memory_space<vmem>> -> memref<1x80xi32, #tpu.memory_space<vmem>>
        %dma_start3A_71 = tpu.memref_squeeze %dma_start3A_70 : memref<1x80xi32, #tpu.memory_space<vmem>> -> memref<80xi32, #tpu.memory_space<vmem>>
        %dma_start3A_72 = arith.constant 0 : i32
        %dma_start3A_73 = arith.constant 0 : i32
        %dma_start3A_74 = tpu.memref_slice %arg2[%dma_start3A_72, %dma_start3A_73] : memref<10000x128xbf16, #tpu.memory_space<hbm>> -> memref<10000x128xbf16, #tpu.memory_space<hbm>>
        tpu.enqueue_indirect_dma source(%dma_start3A_74 : memref<10000x128xbf16, #tpu.memory_space<hbm>>) target(%dma_start3A_68 : memref<80x128xbf16, #tpu.memory_space<vmem>>) offsets(%dma_start3A_71 : memref<80xi32, #tpu.memory_space<vmem>>) semaphore(%arg12 : memref<!tpu.dma_semaphore, #tpu.memory_space<semaphore_mem>>)
      } else {
      }
      %not3A = arith.constant true
      %not3A_38 = arith.xori %eq3A_33, %not3A : i1
      %and3A_39 = arith.andi %not3A_38, %lt3A_36 : i1
      %convert_element_type3A_40 = arith.extui %and3A_39 : i1 to i32
      %cond3A_41 = arith.constant 0 : i32
      %cond3A_42 = arith.cmpi ne, %convert_element_type3A_40, %cond3A_41 : i32
      scf.if %cond3A_42 {
        %add3A_51 = arith.constant 1 : i32
        %add3A_52 = arith.addi %scan3A_31, %add3A_51 : i32
        %dma_start3A_53 = arith.constant 0 : i32
        %dma_start3A_54 = arith.constant 0 : i32
        %dma_start3A_55 = arith.constant 0 : i32
        %dma_start3A_56 = tpu.memref_slice %arg9[%dma_start3A_53, %dma_start3A_54, %dma_start3A_55] : memref<2x80x128xbf16, #tpu.memory_space<vmem>> -> memref<1x80x128xbf16, #tpu.memory_space<vmem>>
        %dma_start3A_57 = tpu.memref_squeeze %dma_start3A_56 : memref<1x80x128xbf16, #tpu.memory_space<vmem>> -> memref<80x128xbf16, #tpu.memory_space<vmem>>
        %dma_start3A_58 = arith.constant 0 : i32
        %dma_start3A_59 = tpu.memref_slice %arg7[%add3A_52, %dma_start3A_58] : memref<125x80xi32, #tpu.memory_space<vmem>> -> memref<1x80xi32, #tpu.memory_space<vmem>>
        %dma_start3A_60 = tpu.memref_squeeze %dma_start3A_59 : memref<1x80xi32, #tpu.memory_space<vmem>> -> memref<80xi32, #tpu.memory_space<vmem>>
        %dma_start3A_61 = arith.constant 0 : i32
        %dma_start3A_62 = arith.constant 0 : i32
        %dma_start3A_63 = tpu.memref_slice %arg2[%dma_start3A_61, %dma_start3A_62] : memref<10000x128xbf16, #tpu.memory_space<hbm>> -> memref<10000x128xbf16, #tpu.memory_space<hbm>>
        tpu.enqueue_indirect_dma source(%dma_start3A_63 : memref<10000x128xbf16, #tpu.memory_space<hbm>>) target(%dma_start3A_57 : memref<80x128xbf16, #tpu.memory_space<vmem>>) offsets(%dma_start3A_60 : memref<80xi32, #tpu.memory_space<vmem>>) semaphore(%arg11 : memref<!tpu.dma_semaphore, #tpu.memory_space<semaphore_mem>>)
        %dma_start3A_64 = arith.constant 0 : i32
        %dma_start3A_65 = arith.constant 0 : i32
        %dma_start3A_66 = arith.constant 0 : i32
        %dma_start3A_67 = tpu.memref_slice %arg10[%dma_start3A_64, %dma_start3A_65, %dma_start3A_66] : memref<2x80x128xbf16, #tpu.memory_space<vmem>> -> memref<1x80x128xbf16, #tpu.memory_space<vmem>>
        %dma_start3A_68 = tpu.memref_squeeze %dma_start3A_67 : memref<1x80x128xbf16, #tpu.memory_space<vmem>> -> memref<80x128xbf16, #tpu.memory_space<vmem>>
        %dma_start3A_69 = arith.constant 0 : i32
        %dma_start3A_70 = tpu.memref_slice %arg8[%add3A_52, %dma_start3A_69] : memref<125x80xi32, #tpu.memory_space<vmem>> -> memref<1x80xi32, #tpu.memory_space<vmem>>
        %dma_start3A_71 = tpu.memref_squeeze %dma_start3A_70 : memref<1x80xi32, #tpu.memory_space<vmem>> -> memref<80xi32, #tpu.memory_space<vmem>>
        %dma_start3A_72 = arith.constant 0 : i32
        %dma_start3A_73 = arith.constant 0 : i32
        %dma_start3A_74 = tpu.memref_slice %arg2[%dma_start3A_72, %dma_start3A_73] : memref<10000x128xbf16, #tpu.memory_space<hbm>> -> memref<10000x128xbf16, #tpu.memory_space<hbm>>
        tpu.enqueue_indirect_dma source(%dma_start3A_74 : memref<10000x128xbf16, #tpu.memory_space<hbm>>) target(%dma_start3A_68 : memref<80x128xbf16, #tpu.memory_space<vmem>>) offsets(%dma_start3A_71 : memref<80xi32, #tpu.memory_space<vmem>>) semaphore(%arg12 : memref<!tpu.dma_semaphore, #tpu.memory_space<semaphore_mem>>)
      } else {
      }
      %convert_element_type3A_43 = arith.extui %eq3A_33 : i1 to i32
      %cond3A_44 = arith.constant 0 : i32
      %cond3A_45 = arith.cmpi ne, %convert_element_type3A_43, %cond3A_44 : i32
      scf.if %cond3A_45 {
        %mul3A_51 = arith.constant 80 : i32
        %mul3A_52 = arith.muli %scan3A_31, %mul3A_51 : i32
        %add3A_53 = arith.addi %mul3A_2, %mul3A_52 : i32
        %dma_wait3A = arith.constant 0 : i32
        %dma_wait3A_54 = arith.constant 0 : i32
        %dma_wait3A_55 = arith.constant 0 : i32
        %dma_wait3A_56 = tpu.memref_slice %arg9[%dma_wait3A, %dma_wait3A_54, %dma_wait3A_55] : memref<2x80x128xbf16, #tpu.memory_space<vmem>> -> memref<1x80x128xbf16, #tpu.memory_space<vmem>>
        %dma_wait3A_57 = tpu.memref_squeeze %dma_wait3A_56 : memref<1x80x128xbf16, #tpu.memory_space<vmem>> -> memref<80x128xbf16, #tpu.memory_space<vmem>>
        %dma_wait3A_58 = arith.constant 0 : i32
        %dma_wait3A_59 = tpu.memref_slice %arg7[%scan3A_31, %dma_wait3A_58] : memref<125x80xi32, #tpu.memory_space<vmem>> -> memref<1x80xi32, #tpu.memory_space<vmem>>
        %dma_wait3A_60 = tpu.memref_squeeze %dma_wait3A_59 : memref<1x80xi32, #tpu.memory_space<vmem>> -> memref<80xi32, #tpu.memory_space<vmem>>
        %dma_wait3A_61 = arith.constant 0 : i32
        %dma_wait3A_62 = arith.constant 0 : i32
        %dma_wait3A_63 = tpu.memref_slice %arg2[%dma_wait3A_61, %dma_wait3A_62] : memref<10000x128xbf16, #tpu.memory_space<hbm>> -> memref<10000x128xbf16, #tpu.memory_space<hbm>>
        tpu.wait_indirect_dma semaphore(%arg11 : memref<!tpu.dma_semaphore, #tpu.memory_space<semaphore_mem>>) src(%dma_wait3A_63 : memref<10000x128xbf16, #tpu.memory_space<hbm>>) dst(%dma_wait3A_57 : memref<80x128xbf16, #tpu.memory_space<vmem>>)
        %run_scoped3A = arith.constant 0 : i32
        "tpu.region"() ({
          %run_scoped3A_76 = tpu.sem_alloc : memref<!tpu.dma_semaphore, #tpu.memory_space<semaphore_mem>>
          %dma_start3A_77 = arith.constant 0 : i32
          %dma_start3A_78 = arith.constant 0 : i32
          %dma_start3A_79 = tpu.memref_slice %arg9[%run_scoped3A, %dma_start3A_77, %dma_start3A_78] : memref<2x80x128xbf16, #tpu.memory_space<vmem>> -> memref<1x80x128xbf16, #tpu.memory_space<vmem>>
          %dma_start3A_80 = tpu.memref_squeeze %dma_start3A_79 : memref<1x80x128xbf16, #tpu.memory_space<vmem>> -> memref<80x128xbf16, #tpu.memory_space<vmem>>
          %dma_start3A_81 = arith.constant 0 : i32
          %dma_start3A_82 = tpu.memref_slice %arg5[%add3A_53, %dma_start3A_81] : memref<320000x128xbf16, #tpu.memory_space<hbm>> -> memref<80x128xbf16, #tpu.memory_space<hbm>>
          %dma_start3A_83 = arith.constant 0 : i32
          %dma_start3A_84 = tpu.memref_slice %arg5[%add3A_53, %dma_start3A_83] : memref<320000x128xbf16, #tpu.memory_space<hbm>> -> memref<80x128xbf16, #tpu.memory_space<hbm>>
          %dma_start3A_85 = arith.constant 0 : i32
          %dma_start3A_86 = arith.constant 0 : i32
          %dma_start3A_87 = tpu.memref_slice %arg9[%run_scoped3A, %dma_start3A_85, %dma_start3A_86] : memref<2x80x128xbf16, #tpu.memory_space<vmem>> -> memref<1x80x128xbf16, #tpu.memory_space<vmem>>
          %dma_start3A_88 = tpu.memref_squeeze %dma_start3A_87 : memref<1x80x128xbf16, #tpu.memory_space<vmem>> -> memref<80x128xbf16, #tpu.memory_space<vmem>>
          tpu.enqueue_dma source(%dma_start3A_88 : memref<80x128xbf16, #tpu.memory_space<vmem>>) target(%dma_start3A_84 : memref<80x128xbf16, #tpu.memory_space<hbm>>) target_semaphore(%run_scoped3A_76 : memref<!tpu.dma_semaphore, #tpu.memory_space<semaphore_mem>>)
          %dma_wait3A_89 = arith.constant 0 : i32
          %dma_wait3A_90 = arith.constant 0 : i32
          %dma_wait3A_91 = tpu.memref_slice %arg9[%run_scoped3A, %dma_wait3A_89, %dma_wait3A_90] : memref<2x80x128xbf16, #tpu.memory_space<vmem>> -> memref<1x80x128xbf16, #tpu.memory_space<vmem>>
          %dma_wait3A_92 = tpu.memref_squeeze %dma_wait3A_91 : memref<1x80x128xbf16, #tpu.memory_space<vmem>> -> memref<80x128xbf16, #tpu.memory_space<vmem>>
          %dma_wait3A_93 = arith.constant 0 : i32
          %dma_wait3A_94 = tpu.memref_slice %arg5[%add3A_53, %dma_wait3A_93] : memref<320000x128xbf16, #tpu.memory_space<hbm>> -> memref<80x128xbf16, #tpu.memory_space<hbm>>
          %dma_wait3A_95 = arith.constant 0 : i32
          %dma_wait3A_96 = tpu.memref_slice %arg5[%add3A_53, %dma_wait3A_95] : memref<320000x128xbf16, #tpu.memory_space<hbm>> -> memref<80x128xbf16, #tpu.memory_space<hbm>>
          %dma_wait3A_97 = arith.constant 0 : i32
          %dma_wait3A_98 = arith.constant 0 : i32
          %dma_wait3A_99 = tpu.memref_slice %arg9[%run_scoped3A, %dma_wait3A_97, %dma_wait3A_98] : memref<2x80x128xbf16, #tpu.memory_space<vmem>> -> memref<1x80x128xbf16, #tpu.memory_space<vmem>>
          %dma_wait3A_100 = tpu.memref_squeeze %dma_wait3A_99 : memref<1x80x128xbf16, #tpu.memory_space<vmem>> -> memref<80x128xbf16, #tpu.memory_space<vmem>>
          tpu.wait_dma2 semaphore(%run_scoped3A_76 : memref<!tpu.dma_semaphore, #tpu.memory_space<semaphore_mem>>) src(%dma_wait3A_100 : memref<80x128xbf16, #tpu.memory_space<vmem>>) dst(%dma_wait3A_96 : memref<80x128xbf16, #tpu.memory_space<hbm>>)
          tpu.yield
        }) : () -> ()
        %dma_wait3A_64 = arith.constant 0 : i32
        %dma_wait3A_65 = arith.constant 0 : i32
        %dma_wait3A_66 = arith.constant 0 : i32
        %dma_wait3A_67 = tpu.memref_slice %arg10[%dma_wait3A_64, %dma_wait3A_65, %dma_wait3A_66] : memref<2x80x128xbf16, #tpu.memory_space<vmem>> -> memref<1x80x128xbf16, #tpu.memory_space<vmem>>
        %dma_wait3A_68 = tpu.memref_squeeze %dma_wait3A_67 : memref<1x80x128xbf16, #tpu.memory_space<vmem>> -> memref<80x128xbf16, #tpu.memory_space<vmem>>
        %dma_wait3A_69 = arith.constant 0 : i32
        %dma_wait3A_70 = tpu.memref_slice %arg8[%scan3A_31, %dma_wait3A_69] : memref<125x80xi32, #tpu.memory_space<vmem>> -> memref<1x80xi32, #tpu.memory_space<vmem>>
        %dma_wait3A_71 = tpu.memref_squeeze %dma_wait3A_70 : memref<1x80xi32, #tpu.memory_space<vmem>> -> memref<80xi32, #tpu.memory_space<vmem>>
        %dma_wait3A_72 = arith.constant 0 : i32
        %dma_wait3A_73 = arith.constant 0 : i32
        %dma_wait3A_74 = tpu.memref_slice %arg2[%dma_wait3A_72, %dma_wait3A_73] : memref<10000x128xbf16, #tpu.memory_space<hbm>> -> memref<10000x128xbf16, #tpu.memory_space<hbm>>
        tpu.wait_indirect_dma semaphore(%arg12 : memref<!tpu.dma_semaphore, #tpu.memory_space<semaphore_mem>>) src(%dma_wait3A_74 : memref<10000x128xbf16, #tpu.memory_space<hbm>>) dst(%dma_wait3A_68 : memref<80x128xbf16, #tpu.memory_space<vmem>>)
        %run_scoped3A_75 = arith.constant 0 : i32
        "tpu.region"() ({
          %run_scoped3A_76 = tpu.sem_alloc : memref<!tpu.dma_semaphore, #tpu.memory_space<semaphore_mem>>
          %dma_start3A_77 = arith.constant 0 : i32
          %dma_start3A_78 = arith.constant 0 : i32
          %dma_start3A_79 = tpu.memref_slice %arg10[%run_scoped3A_75, %dma_start3A_77, %dma_start3A_78] : memref<2x80x128xbf16, #tpu.memory_space<vmem>> -> memref<1x80x128xbf16, #tpu.memory_space<vmem>>
          %dma_start3A_80 = tpu.memref_squeeze %dma_start3A_79 : memref<1x80x128xbf16, #tpu.memory_space<vmem>> -> memref<80x128xbf16, #tpu.memory_space<vmem>>
          %dma_start3A_81 = arith.constant 0 : i32
          %dma_start3A_82 = tpu.memref_slice %arg6[%add3A_53, %dma_start3A_81] : memref<320000x128xbf16, #tpu.memory_space<hbm>> -> memref<80x128xbf16, #tpu.memory_space<hbm>>
          %dma_start3A_83 = arith.constant 0 : i32
          %dma_start3A_84 = tpu.memref_slice %arg6[%add3A_53, %dma_start3A_83] : memref<320000x128xbf16, #tpu.memory_space<hbm>> -> memref<80x128xbf16, #tpu.memory_space<hbm>>
          %dma_start3A_85 = arith.constant 0 : i32
          %dma_start3A_86 = arith.constant 0 : i32
          %dma_start3A_87 = tpu.memref_slice %arg10[%run_scoped3A_75, %dma_start3A_85, %dma_start3A_86] : memref<2x80x128xbf16, #tpu.memory_space<vmem>> -> memref<1x80x128xbf16, #tpu.memory_space<vmem>>
          %dma_start3A_88 = tpu.memref_squeeze %dma_start3A_87 : memref<1x80x128xbf16, #tpu.memory_space<vmem>> -> memref<80x128xbf16, #tpu.memory_space<vmem>>
          tpu.enqueue_dma source(%dma_start3A_88 : memref<80x128xbf16, #tpu.memory_space<vmem>>) target(%dma_start3A_84 : memref<80x128xbf16, #tpu.memory_space<hbm>>) target_semaphore(%run_scoped3A_76 : memref<!tpu.dma_semaphore, #tpu.memory_space<semaphore_mem>>)
          %dma_wait3A_89 = arith.constant 0 : i32
          %dma_wait3A_90 = arith.constant 0 : i32
          %dma_wait3A_91 = tpu.memref_slice %arg10[%run_scoped3A_75, %dma_wait3A_89, %dma_wait3A_90] : memref<2x80x128xbf16, #tpu.memory_space<vmem>> -> memref<1x80x128xbf16, #tpu.memory_space<vmem>>
          %dma_wait3A_92 = tpu.memref_squeeze %dma_wait3A_91 : memref<1x80x128xbf16, #tpu.memory_space<vmem>> -> memref<80x128xbf16, #tpu.memory_space<vmem>>
          %dma_wait3A_93 = arith.constant 0 : i32
          %dma_wait3A_94 = tpu.memref_slice %arg6[%add3A_53, %dma_wait3A_93] : memref<320000x128xbf16, #tpu.memory_space<hbm>> -> memref<80x128xbf16, #tpu.memory_space<hbm>>
          %dma_wait3A_95 = arith.constant 0 : i32
          %dma_wait3A_96 = tpu.memref_slice %arg6[%add3A_53, %dma_wait3A_95] : memref<320000x128xbf16, #tpu.memory_space<hbm>> -> memref<80x128xbf16, #tpu.memory_space<hbm>>
          %dma_wait3A_97 = arith.constant 0 : i32
          %dma_wait3A_98 = arith.constant 0 : i32
          %dma_wait3A_99 = tpu.memref_slice %arg10[%run_scoped3A_75, %dma_wait3A_97, %dma_wait3A_98] : memref<2x80x128xbf16, #tpu.memory_space<vmem>> -> memref<1x80x128xbf16, #tpu.memory_space<vmem>>
          %dma_wait3A_100 = tpu.memref_squeeze %dma_wait3A_99 : memref<1x80x128xbf16, #tpu.memory_space<vmem>> -> memref<80x128xbf16, #tpu.memory_space<vmem>>
          tpu.wait_dma2 semaphore(%run_scoped3A_76 : memref<!tpu.dma_semaphore, #tpu.memory_space<semaphore_mem>>) src(%dma_wait3A_100 : memref<80x128xbf16, #tpu.memory_space<vmem>>) dst(%dma_wait3A_96 : memref<80x128xbf16, #tpu.memory_space<hbm>>)
          tpu.yield
        }) : () -> ()
      } else {
      }
      %not3A_46 = arith.constant true
      %not3A_47 = arith.xori %eq3A_33, %not3A_46 : i1
      %convert_element_type3A_48 = arith.extui %not3A_47 : i1 to i32
      %cond3A_49 = arith.constant 0 : i32
      %cond3A_50 = arith.cmpi ne, %convert_element_type3A_48, %cond3A_49 : i32
      scf.if %cond3A_50 {
        %mul3A_51 = arith.constant 80 : i32
        %mul3A_52 = arith.muli %scan3A_31, %mul3A_51 : i32
        %add3A_53 = arith.addi %mul3A_2, %mul3A_52 : i32
        %dma_wait3A = arith.constant 1 : i32
        %dma_wait3A_54 = arith.constant 0 : i32
        %dma_wait3A_55 = arith.constant 0 : i32
        %dma_wait3A_56 = tpu.memref_slice %arg9[%dma_wait3A, %dma_wait3A_54, %dma_wait3A_55] : memref<2x80x128xbf16, #tpu.memory_space<vmem>> -> memref<1x80x128xbf16, #tpu.memory_space<vmem>>
        %dma_wait3A_57 = tpu.memref_squeeze %dma_wait3A_56 : memref<1x80x128xbf16, #tpu.memory_space<vmem>> -> memref<80x128xbf16, #tpu.memory_space<vmem>>
        %dma_wait3A_58 = arith.constant 0 : i32
        %dma_wait3A_59 = tpu.memref_slice %arg7[%scan3A_31, %dma_wait3A_58] : memref<125x80xi32, #tpu.memory_space<vmem>> -> memref<1x80xi32, #tpu.memory_space<vmem>>
        %dma_wait3A_60 = tpu.memref_squeeze %dma_wait3A_59 : memref<1x80xi32, #tpu.memory_space<vmem>> -> memref<80xi32, #tpu.memory_space<vmem>>
        %dma_wait3A_61 = arith.constant 0 : i32
        %dma_wait3A_62 = arith.constant 0 : i32
        %dma_wait3A_63 = tpu.memref_slice %arg2[%dma_wait3A_61, %dma_wait3A_62] : memref<10000x128xbf16, #tpu.memory_space<hbm>> -> memref<10000x128xbf16, #tpu.memory_space<hbm>>
        tpu.wait_indirect_dma semaphore(%arg11 : memref<!tpu.dma_semaphore, #tpu.memory_space<semaphore_mem>>) src(%dma_wait3A_63 : memref<10000x128xbf16, #tpu.memory_space<hbm>>) dst(%dma_wait3A_57 : memref<80x128xbf16, #tpu.memory_space<vmem>>)
        %run_scoped3A = arith.constant 1 : i32
        "tpu.region"() ({
          %run_scoped3A_76 = tpu.sem_alloc : memref<!tpu.dma_semaphore, #tpu.memory_space<semaphore_mem>>
          %dma_start3A_77 = arith.constant 0 : i32
          %dma_start3A_78 = arith.constant 0 : i32
          %dma_start3A_79 = tpu.memref_slice %arg9[%run_scoped3A, %dma_start3A_77, %dma_start3A_78] : memref<2x80x128xbf16, #tpu.memory_space<vmem>> -> memref<1x80x128xbf16, #tpu.memory_space<vmem>>
          %dma_start3A_80 = tpu.memref_squeeze %dma_start3A_79 : memref<1x80x128xbf16, #tpu.memory_space<vmem>> -> memref<80x128xbf16, #tpu.memory_space<vmem>>
          %dma_start3A_81 = arith.constant 0 : i32
          %dma_start3A_82 = tpu.memref_slice %arg5[%add3A_53, %dma_start3A_81] : memref<320000x128xbf16, #tpu.memory_space<hbm>> -> memref<80x128xbf16, #tpu.memory_space<hbm>>
          %dma_start3A_83 = arith.constant 0 : i32
          %dma_start3A_84 = tpu.memref_slice %arg5[%add3A_53, %dma_start3A_83] : memref<320000x128xbf16, #tpu.memory_space<hbm>> -> memref<80x128xbf16, #tpu.memory_space<hbm>>
          %dma_start3A_85 = arith.constant 0 : i32
          %dma_start3A_86 = arith.constant 0 : i32
          %dma_start3A_87 = tpu.memref_slice %arg9[%run_scoped3A, %dma_start3A_85, %dma_start3A_86] : memref<2x80x128xbf16, #tpu.memory_space<vmem>> -> memref<1x80x128xbf16, #tpu.memory_space<vmem>>
          %dma_start3A_88 = tpu.memref_squeeze %dma_start3A_87 : memref<1x80x128xbf16, #tpu.memory_space<vmem>> -> memref<80x128xbf16, #tpu.memory_space<vmem>>
          tpu.enqueue_dma source(%dma_start3A_88 : memref<80x128xbf16, #tpu.memory_space<vmem>>) target(%dma_start3A_84 : memref<80x128xbf16, #tpu.memory_space<hbm>>) target_semaphore(%run_scoped3A_76 : memref<!tpu.dma_semaphore, #tpu.memory_space<semaphore_mem>>)
          %dma_wait3A_89 = arith.constant 0 : i32
          %dma_wait3A_90 = arith.constant 0 : i32
          %dma_wait3A_91 = tpu.memref_slice %arg9[%run_scoped3A, %dma_wait3A_89, %dma_wait3A_90] : memref<2x80x128xbf16, #tpu.memory_space<vmem>> -> memref<1x80x128xbf16, #tpu.memory_space<vmem>>
          %dma_wait3A_92 = tpu.memref_squeeze %dma_wait3A_91 : memref<1x80x128xbf16, #tpu.memory_space<vmem>> -> memref<80x128xbf16, #tpu.memory_space<vmem>>
          %dma_wait3A_93 = arith.constant 0 : i32
          %dma_wait3A_94 = tpu.memref_slice %arg5[%add3A_53, %dma_wait3A_93] : memref<320000x128xbf16, #tpu.memory_space<hbm>> -> memref<80x128xbf16, #tpu.memory_space<hbm>>
          %dma_wait3A_95 = arith.constant 0 : i32
          %dma_wait3A_96 = tpu.memref_slice %arg5[%add3A_53, %dma_wait3A_95] : memref<320000x128xbf16, #tpu.memory_space<hbm>> -> memref<80x128xbf16, #tpu.memory_space<hbm>>
          %dma_wait3A_97 = arith.constant 0 : i32
          %dma_wait3A_98 = arith.constant 0 : i32
          %dma_wait3A_99 = tpu.memref_slice %arg9[%run_scoped3A, %dma_wait3A_97, %dma_wait3A_98] : memref<2x80x128xbf16, #tpu.memory_space<vmem>> -> memref<1x80x128xbf16, #tpu.memory_space<vmem>>
          %dma_wait3A_100 = tpu.memref_squeeze %dma_wait3A_99 : memref<1x80x128xbf16, #tpu.memory_space<vmem>> -> memref<80x128xbf16, #tpu.memory_space<vmem>>
          tpu.wait_dma2 semaphore(%run_scoped3A_76 : memref<!tpu.dma_semaphore, #tpu.memory_space<semaphore_mem>>) src(%dma_wait3A_100 : memref<80x128xbf16, #tpu.memory_space<vmem>>) dst(%dma_wait3A_96 : memref<80x128xbf16, #tpu.memory_space<hbm>>)
          tpu.yield
        }) : () -> ()
        %dma_wait3A_64 = arith.constant 1 : i32
        %dma_wait3A_65 = arith.constant 0 : i32
        %dma_wait3A_66 = arith.constant 0 : i32
        %dma_wait3A_67 = tpu.memref_slice %arg10[%dma_wait3A_64, %dma_wait3A_65, %dma_wait3A_66] : memref<2x80x128xbf16, #tpu.memory_space<vmem>> -> memref<1x80x128xbf16, #tpu.memory_space<vmem>>
        %dma_wait3A_68 = tpu.memref_squeeze %dma_wait3A_67 : memref<1x80x128xbf16, #tpu.memory_space<vmem>> -> memref<80x128xbf16, #tpu.memory_space<vmem>>
        %dma_wait3A_69 = arith.constant 0 : i32
        %dma_wait3A_70 = tpu.memref_slice %arg8[%scan3A_31, %dma_wait3A_69] : memref<125x80xi32, #tpu.memory_space<vmem>> -> memref<1x80xi32, #tpu.memory_space<vmem>>
        %dma_wait3A_71 = tpu.memref_squeeze %dma_wait3A_70 : memref<1x80xi32, #tpu.memory_space<vmem>> -> memref<80xi32, #tpu.memory_space<vmem>>
        %dma_wait3A_72 = arith.constant 0 : i32
        %dma_wait3A_73 = arith.constant 0 : i32
        %dma_wait3A_74 = tpu.memref_slice %arg2[%dma_wait3A_72, %dma_wait3A_73] : memref<10000x128xbf16, #tpu.memory_space<hbm>> -> memref<10000x128xbf16, #tpu.memory_space<hbm>>
        tpu.wait_indirect_dma semaphore(%arg12 : memref<!tpu.dma_semaphore, #tpu.memory_space<semaphore_mem>>) src(%dma_wait3A_74 : memref<10000x128xbf16, #tpu.memory_space<hbm>>) dst(%dma_wait3A_68 : memref<80x128xbf16, #tpu.memory_space<vmem>>)
        %run_scoped3A_75 = arith.constant 1 : i32
        "tpu.region"() ({
          %run_scoped3A_76 = tpu.sem_alloc : memref<!tpu.dma_semaphore, #tpu.memory_space<semaphore_mem>>
          %dma_start3A_77 = arith.constant 0 : i32
          %dma_start3A_78 = arith.constant 0 : i32
          %dma_start3A_79 = tpu.memref_slice %arg10[%run_scoped3A_75, %dma_start3A_77, %dma_start3A_78] : memref<2x80x128xbf16, #tpu.memory_space<vmem>> -> memref<1x80x128xbf16, #tpu.memory_space<vmem>>
          %dma_start3A_80 = tpu.memref_squeeze %dma_start3A_79 : memref<1x80x128xbf16, #tpu.memory_space<vmem>> -> memref<80x128xbf16, #tpu.memory_space<vmem>>
          %dma_start3A_81 = arith.constant 0 : i32
          %dma_start3A_82 = tpu.memref_slice %arg6[%add3A_53, %dma_start3A_81] : memref<320000x128xbf16, #tpu.memory_space<hbm>> -> memref<80x128xbf16, #tpu.memory_space<hbm>>
          %dma_start3A_83 = arith.constant 0 : i32
          %dma_start3A_84 = tpu.memref_slice %arg6[%add3A_53, %dma_start3A_83] : memref<320000x128xbf16, #tpu.memory_space<hbm>> -> memref<80x128xbf16, #tpu.memory_space<hbm>>
          %dma_start3A_85 = arith.constant 0 : i32
          %dma_start3A_86 = arith.constant 0 : i32
          %dma_start3A_87 = tpu.memref_slice %arg10[%run_scoped3A_75, %dma_start3A_85, %dma_start3A_86] : memref<2x80x128xbf16, #tpu.memory_space<vmem>> -> memref<1x80x128xbf16, #tpu.memory_space<vmem>>
          %dma_start3A_88 = tpu.memref_squeeze %dma_start3A_87 : memref<1x80x128xbf16, #tpu.memory_space<vmem>> -> memref<80x128xbf16, #tpu.memory_space<vmem>>
          tpu.enqueue_dma source(%dma_start3A_88 : memref<80x128xbf16, #tpu.memory_space<vmem>>) target(%dma_start3A_84 : memref<80x128xbf16, #tpu.memory_space<hbm>>) target_semaphore(%run_scoped3A_76 : memref<!tpu.dma_semaphore, #tpu.memory_space<semaphore_mem>>)
          %dma_wait3A_89 = arith.constant 0 : i32
          %dma_wait3A_90 = arith.constant 0 : i32
          %dma_wait3A_91 = tpu.memref_slice %arg10[%run_scoped3A_75, %dma_wait3A_89, %dma_wait3A_90] : memref<2x80x128xbf16, #tpu.memory_space<vmem>> -> memref<1x80x128xbf16, #tpu.memory_space<vmem>>
          %dma_wait3A_92 = tpu.memref_squeeze %dma_wait3A_91 : memref<1x80x128xbf16, #tpu.memory_space<vmem>> -> memref<80x128xbf16, #tpu.memory_space<vmem>>
          %dma_wait3A_93 = arith.constant 0 : i32
          %dma_wait3A_94 = tpu.memref_slice %arg6[%add3A_53, %dma_wait3A_93] : memref<320000x128xbf16, #tpu.memory_space<hbm>> -> memref<80x128xbf16, #tpu.memory_space<hbm>>
          %dma_wait3A_95 = arith.constant 0 : i32
          %dma_wait3A_96 = tpu.memref_slice %arg6[%add3A_53, %dma_wait3A_95] : memref<320000x128xbf16, #tpu.memory_space<hbm>> -> memref<80x128xbf16, #tpu.memory_space<hbm>>
          %dma_wait3A_97 = arith.constant 0 : i32
          %dma_wait3A_98 = arith.constant 0 : i32
          %dma_wait3A_99 = tpu.memref_slice %arg10[%run_scoped3A_75, %dma_wait3A_97, %dma_wait3A_98] : memref<2x80x128xbf16, #tpu.memory_space<vmem>> -> memref<1x80x128xbf16, #tpu.memory_space<vmem>>
          %dma_wait3A_100 = tpu.memref_squeeze %dma_wait3A_99 : memref<1x80x128xbf16, #tpu.memory_space<vmem>> -> memref<80x128xbf16, #tpu.memory_space<vmem>>
          tpu.wait_dma2 semaphore(%run_scoped3A_76 : memref<!tpu.dma_semaphore, #tpu.memory_space<semaphore_mem>>) src(%dma_wait3A_100 : memref<80x128xbf16, #tpu.memory_space<vmem>>) dst(%dma_wait3A_96 : memref<80x128xbf16, #tpu.memory_space<hbm>>)
          tpu.yield
        }) : () -> ()
      } else {
      }
    }
    %scan3A_30 = arith.constant 125 : i32
    return
  }
}

#map = affine_map<(d0, d1) -> (0, 0)>
#map1 = affine_map<(d0, d1) -> (0, 0, 0)>
module attributes {stable_mosaic.version = 14 : i64} {
  func.func @sc_kernel(%arg0: i32, %arg1: i32, %arg2: memref<320000x128xf32, #tpu.memory_space<hbm>>, %arg3: memref<32x125x80xi32, #tpu.memory_space<hbm>>, %arg4: memref<10112x128xf32, #tpu.memory_space<hbm>>, %arg5: memref<2x10112x128xf32, #tpu.memory_space<hbm>>, %arg6: memref<10112x128xf32, #tpu.memory_space<vmem_shared>>, %arg7: memref<125x80xi32, #tpu.memory_space<vmem>>, %arg8: memref<2x80x128xf32, #tpu.memory_space<vmem>>, %arg9: memref<!tpu.dma_semaphore, #tpu.memory_space<semaphore_mem>>) attributes {dimension_semantics = [#tpu.dimension_semantics<core_parallel>, #tpu.dimension_semantics<subcore_parallel>], iteration_bounds = array<i64: 2, 16>, scalar_prefetch = 0 : i64, scratch_operands = 4 : i64, tpu.core_type = #tpu.core_type<sc_vector_subcore>, window_params = [{transform_indices = #map}, {transform_indices = #map1}, {transform_indices = #map}, {transform_indices = #map1}]} {
    %mul3A = arith.constant 2 : i32
    %mul3A_0 = arith.muli %arg1, %mul3A : i32
    %add3A = arith.addi %mul3A_0, %arg0 : i32
    %mul3A_1 = arith.constant 632 : i32
    %mul3A_2 = arith.muli %arg1, %mul3A_1 : i32
    "tpu.region"() ({
      %run_scoped3A = tpu.sem_alloc : memref<!tpu.dma_semaphore, #tpu.memory_space<semaphore_mem>>
      %dma_start3A_25 = arith.constant 0 : i32
      %dma_start3A_26 = tpu.memref_slice %arg6[%mul3A_2, %dma_start3A_25] : memref<10112x128xf32, #tpu.memory_space<vmem_shared>> -> memref<632x128xf32, #tpu.memory_space<vmem_shared>>
      %dma_start3A_27 = arith.constant 0 : i32
      %dma_start3A_28 = tpu.memref_slice %arg4[%mul3A_2, %dma_start3A_27] : memref<10112x128xf32, #tpu.memory_space<hbm>> -> memref<632x128xf32, #tpu.memory_space<hbm>>
      tpu.enqueue_dma source(%dma_start3A_28 : memref<632x128xf32, #tpu.memory_space<hbm>>) target(%dma_start3A_26 : memref<632x128xf32, #tpu.memory_space<vmem_shared>>) target_semaphore(%run_scoped3A : memref<!tpu.dma_semaphore, #tpu.memory_space<semaphore_mem>>)
      %dma_wait3A = arith.constant 0 : i32
      %dma_wait3A_29 = tpu.memref_slice %arg6[%mul3A_2, %dma_wait3A] : memref<10112x128xf32, #tpu.memory_space<vmem_shared>> -> memref<632x128xf32, #tpu.memory_space<vmem_shared>>
      %dma_wait3A_30 = arith.constant 0 : i32
      %dma_wait3A_31 = tpu.memref_slice %arg4[%mul3A_2, %dma_wait3A_30] : memref<10112x128xf32, #tpu.memory_space<hbm>> -> memref<632x128xf32, #tpu.memory_space<hbm>>
      tpu.wait_dma2 semaphore(%run_scoped3A : memref<!tpu.dma_semaphore, #tpu.memory_space<semaphore_mem>>) src(%dma_wait3A_31 : memref<632x128xf32, #tpu.memory_space<hbm>>) dst(%dma_wait3A_29 : memref<632x128xf32, #tpu.memory_space<vmem_shared>>)
      tpu.yield
    }) : () -> ()
    "tpu.region"() ({
      %run_scoped3A = tpu.sem_alloc : memref<!tpu.dma_semaphore, #tpu.memory_space<semaphore_mem>>
      %dma_start3A_25 = arith.constant 0 : i32
      %dma_start3A_26 = arith.constant 0 : i32
      %dma_start3A_27 = tpu.memref_slice %arg3[%add3A, %dma_start3A_25, %dma_start3A_26] : memref<32x125x80xi32, #tpu.memory_space<hbm>> -> memref<1x125x80xi32, #tpu.memory_space<hbm>>
      %dma_start3A_28 = tpu.memref_squeeze %dma_start3A_27 : memref<1x125x80xi32, #tpu.memory_space<hbm>> -> memref<125x80xi32, #tpu.memory_space<hbm>>
      %dma_start3A_29 = arith.constant 0 : i32
      %dma_start3A_30 = arith.constant 0 : i32
      %dma_start3A_31 = tpu.memref_slice %arg3[%add3A, %dma_start3A_29, %dma_start3A_30] : memref<32x125x80xi32, #tpu.memory_space<hbm>> -> memref<1x125x80xi32, #tpu.memory_space<hbm>>
      %dma_start3A_32 = tpu.memref_squeeze %dma_start3A_31 : memref<1x125x80xi32, #tpu.memory_space<hbm>> -> memref<125x80xi32, #tpu.memory_space<hbm>>
      tpu.enqueue_dma source(%dma_start3A_32 : memref<125x80xi32, #tpu.memory_space<hbm>>) target(%arg7 : memref<125x80xi32, #tpu.memory_space<vmem>>) target_semaphore(%run_scoped3A : memref<!tpu.dma_semaphore, #tpu.memory_space<semaphore_mem>>)
      %dma_wait3A = arith.constant 0 : i32
      %dma_wait3A_33 = arith.constant 0 : i32
      %dma_wait3A_34 = tpu.memref_slice %arg3[%add3A, %dma_wait3A, %dma_wait3A_33] : memref<32x125x80xi32, #tpu.memory_space<hbm>> -> memref<1x125x80xi32, #tpu.memory_space<hbm>>
      %dma_wait3A_35 = tpu.memref_squeeze %dma_wait3A_34 : memref<1x125x80xi32, #tpu.memory_space<hbm>> -> memref<125x80xi32, #tpu.memory_space<hbm>>
      %dma_wait3A_36 = arith.constant 0 : i32
      %dma_wait3A_37 = arith.constant 0 : i32
      %dma_wait3A_38 = tpu.memref_slice %arg3[%add3A, %dma_wait3A_36, %dma_wait3A_37] : memref<32x125x80xi32, #tpu.memory_space<hbm>> -> memref<1x125x80xi32, #tpu.memory_space<hbm>>
      %dma_wait3A_39 = tpu.memref_squeeze %dma_wait3A_38 : memref<1x125x80xi32, #tpu.memory_space<hbm>> -> memref<125x80xi32, #tpu.memory_space<hbm>>
      tpu.wait_dma2 semaphore(%run_scoped3A : memref<!tpu.dma_semaphore, #tpu.memory_space<semaphore_mem>>) src(%dma_wait3A_39 : memref<125x80xi32, #tpu.memory_space<hbm>>) dst(%arg7 : memref<125x80xi32, #tpu.memory_space<vmem>>)
      tpu.yield
    }) : () -> ()
    %barrier3A = arith.constant 0 : index
    tpu.barrier barrier_id(%barrier3A)
    %mul3A_3 = arith.constant 10000 : i32
    %mul3A_4 = arith.muli %add3A, %mul3A_3 : i32
    %add3A_5 = arith.constant 0 : i32
    %add3A_6 = arith.addi %mul3A_4, %add3A_5 : i32
    %dma_start3A = arith.constant 0 : i32
    %dma_start3A_7 = arith.constant 0 : i32
    %dma_start3A_8 = arith.constant 0 : i32
    %dma_start3A_9 = tpu.memref_slice %arg8[%dma_start3A, %dma_start3A_7, %dma_start3A_8] : memref<2x80x128xf32, #tpu.memory_space<vmem>> -> memref<1x80x128xf32, #tpu.memory_space<vmem>>
    %dma_start3A_10 = tpu.memref_squeeze %dma_start3A_9 : memref<1x80x128xf32, #tpu.memory_space<vmem>> -> memref<80x128xf32, #tpu.memory_space<vmem>>
    %dma_start3A_11 = arith.constant 0 : i32
    %dma_start3A_12 = tpu.memref_slice %arg2[%add3A_6, %dma_start3A_11] : memref<320000x128xf32, #tpu.memory_space<hbm>> -> memref<80x128xf32, #tpu.memory_space<hbm>>
    %dma_start3A_13 = arith.constant 0 : i32
    %dma_start3A_14 = arith.constant 0 : i32
    %dma_start3A_15 = tpu.memref_slice %arg8[%dma_start3A, %dma_start3A_13, %dma_start3A_14] : memref<2x80x128xf32, #tpu.memory_space<vmem>> -> memref<1x80x128xf32, #tpu.memory_space<vmem>>
    %dma_start3A_16 = tpu.memref_squeeze %dma_start3A_15 : memref<1x80x128xf32, #tpu.memory_space<vmem>> -> memref<80x128xf32, #tpu.memory_space<vmem>>
    %dma_start3A_17 = arith.constant 0 : i32
    %dma_start3A_18 = tpu.memref_slice %arg2[%add3A_6, %dma_start3A_17] : memref<320000x128xf32, #tpu.memory_space<hbm>> -> memref<80x128xf32, #tpu.memory_space<hbm>>
    tpu.enqueue_dma source(%dma_start3A_18 : memref<80x128xf32, #tpu.memory_space<hbm>>) target(%dma_start3A_16 : memref<80x128xf32, #tpu.memory_space<vmem>>) target_semaphore(%arg9 : memref<!tpu.dma_semaphore, #tpu.memory_space<semaphore_mem>>)
    %scan3A = arith.constant 0 : i32
    %scan3A_19 = arith.constant 0 : i32
    %scan3A_20 = arith.constant 125 : i32
    %scan3A_21 = arith.addi %scan3A_19, %scan3A_20 : i32
    %scan3A_22 = arith.constant 1 : i32
    scf.for %scan3A_25 = %scan3A_19 to %scan3A_21 step %scan3A_22  : i32 {
      %rem3A = arith.constant 2 : i32
      %rem3A_26 = arith.remsi %scan3A_25, %rem3A : i32
      %eq3A = arith.constant 0 : i32
      %eq3A_27 = arith.cmpi eq, %rem3A_26, %eq3A : i32
      %add3A_28 = arith.constant 1 : i32
      %add3A_29 = arith.addi %scan3A_25, %add3A_28 : i32
      %lt3A = arith.constant 125 : i32
      %lt3A_30 = arith.cmpi slt, %add3A_29, %lt3A : i32
      %and3A = arith.andi %eq3A_27, %lt3A_30 : i1
      %convert_element_type3A = arith.extui %and3A : i1 to i32
      %cond3A = arith.constant 0 : i32
      %cond3A_31 = arith.cmpi ne, %convert_element_type3A, %cond3A : i32
      scf.if %cond3A_31 {
        %add3A_45 = arith.constant 1 : i32
        %add3A_46 = arith.addi %scan3A_25, %add3A_45 : i32
        %mul3A_47 = arith.constant 80 : i32
        %mul3A_48 = arith.muli %add3A_46, %mul3A_47 : i32
        %add3A_49 = arith.addi %mul3A_4, %mul3A_48 : i32
        %dma_start3A_50 = arith.constant 1 : i32
        %dma_start3A_51 = arith.constant 0 : i32
        %dma_start3A_52 = arith.constant 0 : i32
        %dma_start3A_53 = tpu.memref_slice %arg8[%dma_start3A_50, %dma_start3A_51, %dma_start3A_52] : memref<2x80x128xf32, #tpu.memory_space<vmem>> -> memref<1x80x128xf32, #tpu.memory_space<vmem>>
        %dma_start3A_54 = tpu.memref_squeeze %dma_start3A_53 : memref<1x80x128xf32, #tpu.memory_space<vmem>> -> memref<80x128xf32, #tpu.memory_space<vmem>>
        %dma_start3A_55 = arith.constant 0 : i32
        %dma_start3A_56 = tpu.memref_slice %arg2[%add3A_49, %dma_start3A_55] : memref<320000x128xf32, #tpu.memory_space<hbm>> -> memref<80x128xf32, #tpu.memory_space<hbm>>
        %dma_start3A_57 = arith.constant 0 : i32
        %dma_start3A_58 = arith.constant 0 : i32
        %dma_start3A_59 = tpu.memref_slice %arg8[%dma_start3A_50, %dma_start3A_57, %dma_start3A_58] : memref<2x80x128xf32, #tpu.memory_space<vmem>> -> memref<1x80x128xf32, #tpu.memory_space<vmem>>
        %dma_start3A_60 = tpu.memref_squeeze %dma_start3A_59 : memref<1x80x128xf32, #tpu.memory_space<vmem>> -> memref<80x128xf32, #tpu.memory_space<vmem>>
        %dma_start3A_61 = arith.constant 0 : i32
        %dma_start3A_62 = tpu.memref_slice %arg2[%add3A_49, %dma_start3A_61] : memref<320000x128xf32, #tpu.memory_space<hbm>> -> memref<80x128xf32, #tpu.memory_space<hbm>>
        tpu.enqueue_dma source(%dma_start3A_62 : memref<80x128xf32, #tpu.memory_space<hbm>>) target(%dma_start3A_60 : memref<80x128xf32, #tpu.memory_space<vmem>>) target_semaphore(%arg9 : memref<!tpu.dma_semaphore, #tpu.memory_space<semaphore_mem>>)
      } else {
      }
      %not3A = arith.constant true
      %not3A_32 = arith.xori %eq3A_27, %not3A : i1
      %and3A_33 = arith.andi %not3A_32, %lt3A_30 : i1
      %convert_element_type3A_34 = arith.extui %and3A_33 : i1 to i32
      %cond3A_35 = arith.constant 0 : i32
      %cond3A_36 = arith.cmpi ne, %convert_element_type3A_34, %cond3A_35 : i32
      scf.if %cond3A_36 {
        %add3A_45 = arith.constant 1 : i32
        %add3A_46 = arith.addi %scan3A_25, %add3A_45 : i32
        %mul3A_47 = arith.constant 80 : i32
        %mul3A_48 = arith.muli %add3A_46, %mul3A_47 : i32
        %add3A_49 = arith.addi %mul3A_4, %mul3A_48 : i32
        %dma_start3A_50 = arith.constant 0 : i32
        %dma_start3A_51 = arith.constant 0 : i32
        %dma_start3A_52 = arith.constant 0 : i32
        %dma_start3A_53 = tpu.memref_slice %arg8[%dma_start3A_50, %dma_start3A_51, %dma_start3A_52] : memref<2x80x128xf32, #tpu.memory_space<vmem>> -> memref<1x80x128xf32, #tpu.memory_space<vmem>>
        %dma_start3A_54 = tpu.memref_squeeze %dma_start3A_53 : memref<1x80x128xf32, #tpu.memory_space<vmem>> -> memref<80x128xf32, #tpu.memory_space<vmem>>
        %dma_start3A_55 = arith.constant 0 : i32
        %dma_start3A_56 = tpu.memref_slice %arg2[%add3A_49, %dma_start3A_55] : memref<320000x128xf32, #tpu.memory_space<hbm>> -> memref<80x128xf32, #tpu.memory_space<hbm>>
        %dma_start3A_57 = arith.constant 0 : i32
        %dma_start3A_58 = arith.constant 0 : i32
        %dma_start3A_59 = tpu.memref_slice %arg8[%dma_start3A_50, %dma_start3A_57, %dma_start3A_58] : memref<2x80x128xf32, #tpu.memory_space<vmem>> -> memref<1x80x128xf32, #tpu.memory_space<vmem>>
        %dma_start3A_60 = tpu.memref_squeeze %dma_start3A_59 : memref<1x80x128xf32, #tpu.memory_space<vmem>> -> memref<80x128xf32, #tpu.memory_space<vmem>>
        %dma_start3A_61 = arith.constant 0 : i32
        %dma_start3A_62 = tpu.memref_slice %arg2[%add3A_49, %dma_start3A_61] : memref<320000x128xf32, #tpu.memory_space<hbm>> -> memref<80x128xf32, #tpu.memory_space<hbm>>
        tpu.enqueue_dma source(%dma_start3A_62 : memref<80x128xf32, #tpu.memory_space<hbm>>) target(%dma_start3A_60 : memref<80x128xf32, #tpu.memory_space<vmem>>) target_semaphore(%arg9 : memref<!tpu.dma_semaphore, #tpu.memory_space<semaphore_mem>>)
      } else {
      }
      %convert_element_type3A_37 = arith.extui %eq3A_27 : i1 to i32
      %cond3A_38 = arith.constant 0 : i32
      %cond3A_39 = arith.cmpi ne, %convert_element_type3A_37, %cond3A_38 : i32
      scf.if %cond3A_39 {
        %mul3A_45 = arith.constant 80 : i32
        %mul3A_46 = arith.muli %scan3A_25, %mul3A_45 : i32
        %add3A_47 = arith.addi %mul3A_4, %mul3A_46 : i32
        %dma_wait3A = arith.constant 0 : i32
        %dma_wait3A_48 = arith.constant 0 : i32
        %dma_wait3A_49 = arith.constant 0 : i32
        %dma_wait3A_50 = tpu.memref_slice %arg8[%dma_wait3A, %dma_wait3A_48, %dma_wait3A_49] : memref<2x80x128xf32, #tpu.memory_space<vmem>> -> memref<1x80x128xf32, #tpu.memory_space<vmem>>
        %dma_wait3A_51 = tpu.memref_squeeze %dma_wait3A_50 : memref<1x80x128xf32, #tpu.memory_space<vmem>> -> memref<80x128xf32, #tpu.memory_space<vmem>>
        %dma_wait3A_52 = arith.constant 0 : i32
        %dma_wait3A_53 = tpu.memref_slice %arg2[%add3A_47, %dma_wait3A_52] : memref<320000x128xf32, #tpu.memory_space<hbm>> -> memref<80x128xf32, #tpu.memory_space<hbm>>
        %dma_wait3A_54 = arith.constant 0 : i32
        %dma_wait3A_55 = arith.constant 0 : i32
        %dma_wait3A_56 = tpu.memref_slice %arg8[%dma_wait3A, %dma_wait3A_54, %dma_wait3A_55] : memref<2x80x128xf32, #tpu.memory_space<vmem>> -> memref<1x80x128xf32, #tpu.memory_space<vmem>>
        %dma_wait3A_57 = tpu.memref_squeeze %dma_wait3A_56 : memref<1x80x128xf32, #tpu.memory_space<vmem>> -> memref<80x128xf32, #tpu.memory_space<vmem>>
        %dma_wait3A_58 = arith.constant 0 : i32
        %dma_wait3A_59 = tpu.memref_slice %arg2[%add3A_47, %dma_wait3A_58] : memref<320000x128xf32, #tpu.memory_space<hbm>> -> memref<80x128xf32, #tpu.memory_space<hbm>>
        tpu.wait_dma2 semaphore(%arg9 : memref<!tpu.dma_semaphore, #tpu.memory_space<semaphore_mem>>) src(%dma_wait3A_59 : memref<80x128xf32, #tpu.memory_space<hbm>>) dst(%dma_wait3A_57 : memref<80x128xf32, #tpu.memory_space<vmem>>)
        %run_scoped3A = arith.constant 0 : i32
        "tpu.region"() ({
          %run_scoped3A_60 = tpu.sem_alloc : memref<!tpu.dma_semaphore, #tpu.memory_space<semaphore_mem>>
          %dma_start3A_61 = arith.constant 0 : i32
          %dma_start3A_62 = arith.constant 0 : i32
          %dma_start3A_63 = tpu.memref_slice %arg8[%run_scoped3A, %dma_start3A_61, %dma_start3A_62] : memref<2x80x128xf32, #tpu.memory_space<vmem>> -> memref<1x80x128xf32, #tpu.memory_space<vmem>>
          %dma_start3A_64 = tpu.memref_squeeze %dma_start3A_63 : memref<1x80x128xf32, #tpu.memory_space<vmem>> -> memref<80x128xf32, #tpu.memory_space<vmem>>
          %dma_start3A_65 = arith.constant 0 : i32
          %dma_start3A_66 = tpu.memref_slice %arg7[%scan3A_25, %dma_start3A_65] : memref<125x80xi32, #tpu.memory_space<vmem>> -> memref<1x80xi32, #tpu.memory_space<vmem>>
          %dma_start3A_67 = tpu.memref_squeeze %dma_start3A_66 : memref<1x80xi32, #tpu.memory_space<vmem>> -> memref<80xi32, #tpu.memory_space<vmem>>
          %dma_start3A_68 = arith.constant 0 : i32
          %dma_start3A_69 = arith.constant 0 : i32
          %dma_start3A_70 = tpu.memref_slice %arg6[%dma_start3A_68, %dma_start3A_69] : memref<10112x128xf32, #tpu.memory_space<vmem_shared>> -> memref<10112x128xf32, #tpu.memory_space<vmem_shared>>
          tpu.enqueue_indirect_dma source(%dma_start3A_64 : memref<80x128xf32, #tpu.memory_space<vmem>>) target(%dma_start3A_70 : memref<10112x128xf32, #tpu.memory_space<vmem_shared>>) offsets(%dma_start3A_67 : memref<80xi32, #tpu.memory_space<vmem>>) semaphore(%run_scoped3A_60 : memref<!tpu.dma_semaphore, #tpu.memory_space<semaphore_mem>>) {add = true}
          %dma_wait3A_71 = arith.constant 0 : i32
          %dma_wait3A_72 = arith.constant 0 : i32
          %dma_wait3A_73 = tpu.memref_slice %arg8[%run_scoped3A, %dma_wait3A_71, %dma_wait3A_72] : memref<2x80x128xf32, #tpu.memory_space<vmem>> -> memref<1x80x128xf32, #tpu.memory_space<vmem>>
          %dma_wait3A_74 = tpu.memref_squeeze %dma_wait3A_73 : memref<1x80x128xf32, #tpu.memory_space<vmem>> -> memref<80x128xf32, #tpu.memory_space<vmem>>
          %dma_wait3A_75 = arith.constant 0 : i32
          %dma_wait3A_76 = tpu.memref_slice %arg7[%scan3A_25, %dma_wait3A_75] : memref<125x80xi32, #tpu.memory_space<vmem>> -> memref<1x80xi32, #tpu.memory_space<vmem>>
          %dma_wait3A_77 = tpu.memref_squeeze %dma_wait3A_76 : memref<1x80xi32, #tpu.memory_space<vmem>> -> memref<80xi32, #tpu.memory_space<vmem>>
          %dma_wait3A_78 = arith.constant 0 : i32
          %dma_wait3A_79 = arith.constant 0 : i32
          %dma_wait3A_80 = tpu.memref_slice %arg6[%dma_wait3A_78, %dma_wait3A_79] : memref<10112x128xf32, #tpu.memory_space<vmem_shared>> -> memref<10112x128xf32, #tpu.memory_space<vmem_shared>>
          tpu.wait_indirect_dma semaphore(%run_scoped3A_60 : memref<!tpu.dma_semaphore, #tpu.memory_space<semaphore_mem>>) src(%dma_wait3A_74 : memref<80x128xf32, #tpu.memory_space<vmem>>) dst(%dma_wait3A_80 : memref<10112x128xf32, #tpu.memory_space<vmem_shared>>)
          tpu.yield
        }) : () -> ()
      } else {
      }
      %not3A_40 = arith.constant true
      %not3A_41 = arith.xori %eq3A_27, %not3A_40 : i1
      %convert_element_type3A_42 = arith.extui %not3A_41 : i1 to i32
      %cond3A_43 = arith.constant 0 : i32
      %cond3A_44 = arith.cmpi ne, %convert_element_type3A_42, %cond3A_43 : i32
      scf.if %cond3A_44 {
        %mul3A_45 = arith.constant 80 : i32
        %mul3A_46 = arith.muli %scan3A_25, %mul3A_45 : i32
        %add3A_47 = arith.addi %mul3A_4, %mul3A_46 : i32
        %dma_wait3A = arith.constant 1 : i32
        %dma_wait3A_48 = arith.constant 0 : i32
        %dma_wait3A_49 = arith.constant 0 : i32
        %dma_wait3A_50 = tpu.memref_slice %arg8[%dma_wait3A, %dma_wait3A_48, %dma_wait3A_49] : memref<2x80x128xf32, #tpu.memory_space<vmem>> -> memref<1x80x128xf32, #tpu.memory_space<vmem>>
        %dma_wait3A_51 = tpu.memref_squeeze %dma_wait3A_50 : memref<1x80x128xf32, #tpu.memory_space<vmem>> -> memref<80x128xf32, #tpu.memory_space<vmem>>
        %dma_wait3A_52 = arith.constant 0 : i32
        %dma_wait3A_53 = tpu.memref_slice %arg2[%add3A_47, %dma_wait3A_52] : memref<320000x128xf32, #tpu.memory_space<hbm>> -> memref<80x128xf32, #tpu.memory_space<hbm>>
        %dma_wait3A_54 = arith.constant 0 : i32
        %dma_wait3A_55 = arith.constant 0 : i32
        %dma_wait3A_56 = tpu.memref_slice %arg8[%dma_wait3A, %dma_wait3A_54, %dma_wait3A_55] : memref<2x80x128xf32, #tpu.memory_space<vmem>> -> memref<1x80x128xf32, #tpu.memory_space<vmem>>
        %dma_wait3A_57 = tpu.memref_squeeze %dma_wait3A_56 : memref<1x80x128xf32, #tpu.memory_space<vmem>> -> memref<80x128xf32, #tpu.memory_space<vmem>>
        %dma_wait3A_58 = arith.constant 0 : i32
        %dma_wait3A_59 = tpu.memref_slice %arg2[%add3A_47, %dma_wait3A_58] : memref<320000x128xf32, #tpu.memory_space<hbm>> -> memref<80x128xf32, #tpu.memory_space<hbm>>
        tpu.wait_dma2 semaphore(%arg9 : memref<!tpu.dma_semaphore, #tpu.memory_space<semaphore_mem>>) src(%dma_wait3A_59 : memref<80x128xf32, #tpu.memory_space<hbm>>) dst(%dma_wait3A_57 : memref<80x128xf32, #tpu.memory_space<vmem>>)
        %run_scoped3A = arith.constant 1 : i32
        "tpu.region"() ({
          %run_scoped3A_60 = tpu.sem_alloc : memref<!tpu.dma_semaphore, #tpu.memory_space<semaphore_mem>>
          %dma_start3A_61 = arith.constant 0 : i32
          %dma_start3A_62 = arith.constant 0 : i32
          %dma_start3A_63 = tpu.memref_slice %arg8[%run_scoped3A, %dma_start3A_61, %dma_start3A_62] : memref<2x80x128xf32, #tpu.memory_space<vmem>> -> memref<1x80x128xf32, #tpu.memory_space<vmem>>
          %dma_start3A_64 = tpu.memref_squeeze %dma_start3A_63 : memref<1x80x128xf32, #tpu.memory_space<vmem>> -> memref<80x128xf32, #tpu.memory_space<vmem>>
          %dma_start3A_65 = arith.constant 0 : i32
          %dma_start3A_66 = tpu.memref_slice %arg7[%scan3A_25, %dma_start3A_65] : memref<125x80xi32, #tpu.memory_space<vmem>> -> memref<1x80xi32, #tpu.memory_space<vmem>>
          %dma_start3A_67 = tpu.memref_squeeze %dma_start3A_66 : memref<1x80xi32, #tpu.memory_space<vmem>> -> memref<80xi32, #tpu.memory_space<vmem>>
          %dma_start3A_68 = arith.constant 0 : i32
          %dma_start3A_69 = arith.constant 0 : i32
          %dma_start3A_70 = tpu.memref_slice %arg6[%dma_start3A_68, %dma_start3A_69] : memref<10112x128xf32, #tpu.memory_space<vmem_shared>> -> memref<10112x128xf32, #tpu.memory_space<vmem_shared>>
          tpu.enqueue_indirect_dma source(%dma_start3A_64 : memref<80x128xf32, #tpu.memory_space<vmem>>) target(%dma_start3A_70 : memref<10112x128xf32, #tpu.memory_space<vmem_shared>>) offsets(%dma_start3A_67 : memref<80xi32, #tpu.memory_space<vmem>>) semaphore(%run_scoped3A_60 : memref<!tpu.dma_semaphore, #tpu.memory_space<semaphore_mem>>) {add = true}
          %dma_wait3A_71 = arith.constant 0 : i32
          %dma_wait3A_72 = arith.constant 0 : i32
          %dma_wait3A_73 = tpu.memref_slice %arg8[%run_scoped3A, %dma_wait3A_71, %dma_wait3A_72] : memref<2x80x128xf32, #tpu.memory_space<vmem>> -> memref<1x80x128xf32, #tpu.memory_space<vmem>>
          %dma_wait3A_74 = tpu.memref_squeeze %dma_wait3A_73 : memref<1x80x128xf32, #tpu.memory_space<vmem>> -> memref<80x128xf32, #tpu.memory_space<vmem>>
          %dma_wait3A_75 = arith.constant 0 : i32
          %dma_wait3A_76 = tpu.memref_slice %arg7[%scan3A_25, %dma_wait3A_75] : memref<125x80xi32, #tpu.memory_space<vmem>> -> memref<1x80xi32, #tpu.memory_space<vmem>>
          %dma_wait3A_77 = tpu.memref_squeeze %dma_wait3A_76 : memref<1x80xi32, #tpu.memory_space<vmem>> -> memref<80xi32, #tpu.memory_space<vmem>>
          %dma_wait3A_78 = arith.constant 0 : i32
          %dma_wait3A_79 = arith.constant 0 : i32
          %dma_wait3A_80 = tpu.memref_slice %arg6[%dma_wait3A_78, %dma_wait3A_79] : memref<10112x128xf32, #tpu.memory_space<vmem_shared>> -> memref<10112x128xf32, #tpu.memory_space<vmem_shared>>
          tpu.wait_indirect_dma semaphore(%run_scoped3A_60 : memref<!tpu.dma_semaphore, #tpu.memory_space<semaphore_mem>>) src(%dma_wait3A_74 : memref<80x128xf32, #tpu.memory_space<vmem>>) dst(%dma_wait3A_80 : memref<10112x128xf32, #tpu.memory_space<vmem_shared>>)
          tpu.yield
        }) : () -> ()
      } else {
      }
    }
    %scan3A_23 = arith.constant 125 : i32
    %barrier3A_24 = arith.constant 0 : index
    tpu.barrier barrier_id(%barrier3A_24)
    "tpu.region"() ({
      %run_scoped3A = tpu.sem_alloc : memref<!tpu.dma_semaphore, #tpu.memory_space<semaphore_mem>>
      %dma_start3A_25 = arith.constant 0 : i32
      %dma_start3A_26 = tpu.memref_slice %arg5[%arg0, %mul3A_2, %dma_start3A_25] : memref<2x10112x128xf32, #tpu.memory_space<hbm>> -> memref<1x632x128xf32, #tpu.memory_space<hbm>>
      %dma_start3A_27 = tpu.memref_squeeze %dma_start3A_26 : memref<1x632x128xf32, #tpu.memory_space<hbm>> -> memref<632x128xf32, #tpu.memory_space<hbm>>
      %dma_start3A_28 = arith.constant 0 : i32
      %dma_start3A_29 = tpu.memref_slice %arg6[%mul3A_2, %dma_start3A_28] : memref<10112x128xf32, #tpu.memory_space<vmem_shared>> -> memref<632x128xf32, #tpu.memory_space<vmem_shared>>
      tpu.enqueue_dma source(%dma_start3A_29 : memref<632x128xf32, #tpu.memory_space<vmem_shared>>) target(%dma_start3A_27 : memref<632x128xf32, #tpu.memory_space<hbm>>) target_semaphore(%run_scoped3A : memref<!tpu.dma_semaphore, #tpu.memory_space<semaphore_mem>>)
      %dma_wait3A = arith.constant 0 : i32
      %dma_wait3A_30 = tpu.memref_slice %arg5[%arg0, %mul3A_2, %dma_wait3A] : memref<2x10112x128xf32, #tpu.memory_space<hbm>> -> memref<1x632x128xf32, #tpu.memory_space<hbm>>
      %dma_wait3A_31 = tpu.memref_squeeze %dma_wait3A_30 : memref<1x632x128xf32, #tpu.memory_space<hbm>> -> memref<632x128xf32, #tpu.memory_space<hbm>>
      %dma_wait3A_32 = arith.constant 0 : i32
      %dma_wait3A_33 = tpu.memref_slice %arg6[%mul3A_2, %dma_wait3A_32] : memref<10112x128xf32, #tpu.memory_space<vmem_shared>> -> memref<632x128xf32, #tpu.memory_space<vmem_shared>>
      tpu.wait_dma2 semaphore(%run_scoped3A : memref<!tpu.dma_semaphore, #tpu.memory_space<semaphore_mem>>) src(%dma_wait3A_33 : memref<632x128xf32, #tpu.memory_space<vmem_shared>>) dst(%dma_wait3A_31 : memref<632x128xf32, #tpu.memory_space<hbm>>)
      tpu.yield
    }) : () -> ()
    return
  }
}

#map = affine_map<(d0, d1) -> (0, 0)>
#map1 = affine_map<(d0, d1) -> (0, 0, 0)>
module attributes {stable_mosaic.version = 14 : i64} {
  func.func @sc_kernel(%arg0: i32, %arg1: i32, %arg2: memref<320000x128xf32, #tpu.memory_space<hbm>>, %arg3: memref<32x125x80xi32, #tpu.memory_space<hbm>>, %arg4: memref<10112x128xf32, #tpu.memory_space<hbm>>, %arg5: memref<2x10112x128xf32, #tpu.memory_space<hbm>>, %arg6: memref<10112x128xf32, #tpu.memory_space<vmem_shared>>, %arg7: memref<125x80xi32, #tpu.memory_space<vmem>>, %arg8: memref<2x80x128xf32, #tpu.memory_space<vmem>>, %arg9: memref<!tpu.dma_semaphore, #tpu.memory_space<semaphore_mem>>) attributes {dimension_semantics = [#tpu.dimension_semantics<core_parallel>, #tpu.dimension_semantics<subcore_parallel>], iteration_bounds = array<i64: 2, 16>, scalar_prefetch = 0 : i64, scratch_operands = 4 : i64, tpu.core_type = #tpu.core_type<sc_vector_subcore>, window_params = [{transform_indices = #map}, {transform_indices = #map1}, {transform_indices = #map}, {transform_indices = #map1}]} {
    %mul3A = arith.constant 2 : i32
    %mul3A_0 = arith.muli %arg1, %mul3A : i32
    %add3A = arith.addi %mul3A_0, %arg0 : i32
    %mul3A_1 = arith.constant 632 : i32
    %mul3A_2 = arith.muli %arg1, %mul3A_1 : i32
    "tpu.region"() ({
      %run_scoped3A = tpu.sem_alloc : memref<!tpu.dma_semaphore, #tpu.memory_space<semaphore_mem>>
      %dma_start3A_25 = arith.constant 0 : i32
      %dma_start3A_26 = tpu.memref_slice %arg6[%mul3A_2, %dma_start3A_25] : memref<10112x128xf32, #tpu.memory_space<vmem_shared>> -> memref<632x128xf32, #tpu.memory_space<vmem_shared>>
      %dma_start3A_27 = arith.constant 0 : i32
      %dma_start3A_28 = tpu.memref_slice %arg4[%mul3A_2, %dma_start3A_27] : memref<10112x128xf32, #tpu.memory_space<hbm>> -> memref<632x128xf32, #tpu.memory_space<hbm>>
      tpu.enqueue_dma source(%dma_start3A_28 : memref<632x128xf32, #tpu.memory_space<hbm>>) target(%dma_start3A_26 : memref<632x128xf32, #tpu.memory_space<vmem_shared>>) target_semaphore(%run_scoped3A : memref<!tpu.dma_semaphore, #tpu.memory_space<semaphore_mem>>)
      %dma_wait3A = arith.constant 0 : i32
      %dma_wait3A_29 = tpu.memref_slice %arg6[%mul3A_2, %dma_wait3A] : memref<10112x128xf32, #tpu.memory_space<vmem_shared>> -> memref<632x128xf32, #tpu.memory_space<vmem_shared>>
      %dma_wait3A_30 = arith.constant 0 : i32
      %dma_wait3A_31 = tpu.memref_slice %arg4[%mul3A_2, %dma_wait3A_30] : memref<10112x128xf32, #tpu.memory_space<hbm>> -> memref<632x128xf32, #tpu.memory_space<hbm>>
      tpu.wait_dma2 semaphore(%run_scoped3A : memref<!tpu.dma_semaphore, #tpu.memory_space<semaphore_mem>>) src(%dma_wait3A_31 : memref<632x128xf32, #tpu.memory_space<hbm>>) dst(%dma_wait3A_29 : memref<632x128xf32, #tpu.memory_space<vmem_shared>>)
      tpu.yield
    }) : () -> ()
    "tpu.region"() ({
      %run_scoped3A = tpu.sem_alloc : memref<!tpu.dma_semaphore, #tpu.memory_space<semaphore_mem>>
      %dma_start3A_25 = arith.constant 0 : i32
      %dma_start3A_26 = arith.constant 0 : i32
      %dma_start3A_27 = tpu.memref_slice %arg3[%add3A, %dma_start3A_25, %dma_start3A_26] : memref<32x125x80xi32, #tpu.memory_space<hbm>> -> memref<1x125x80xi32, #tpu.memory_space<hbm>>
      %dma_start3A_28 = tpu.memref_squeeze %dma_start3A_27 : memref<1x125x80xi32, #tpu.memory_space<hbm>> -> memref<125x80xi32, #tpu.memory_space<hbm>>
      %dma_start3A_29 = arith.constant 0 : i32
      %dma_start3A_30 = arith.constant 0 : i32
      %dma_start3A_31 = tpu.memref_slice %arg3[%add3A, %dma_start3A_29, %dma_start3A_30] : memref<32x125x80xi32, #tpu.memory_space<hbm>> -> memref<1x125x80xi32, #tpu.memory_space<hbm>>
      %dma_start3A_32 = tpu.memref_squeeze %dma_start3A_31 : memref<1x125x80xi32, #tpu.memory_space<hbm>> -> memref<125x80xi32, #tpu.memory_space<hbm>>
      tpu.enqueue_dma source(%dma_start3A_32 : memref<125x80xi32, #tpu.memory_space<hbm>>) target(%arg7 : memref<125x80xi32, #tpu.memory_space<vmem>>) target_semaphore(%run_scoped3A : memref<!tpu.dma_semaphore, #tpu.memory_space<semaphore_mem>>)
      %dma_wait3A = arith.constant 0 : i32
      %dma_wait3A_33 = arith.constant 0 : i32
      %dma_wait3A_34 = tpu.memref_slice %arg3[%add3A, %dma_wait3A, %dma_wait3A_33] : memref<32x125x80xi32, #tpu.memory_space<hbm>> -> memref<1x125x80xi32, #tpu.memory_space<hbm>>
      %dma_wait3A_35 = tpu.memref_squeeze %dma_wait3A_34 : memref<1x125x80xi32, #tpu.memory_space<hbm>> -> memref<125x80xi32, #tpu.memory_space<hbm>>
      %dma_wait3A_36 = arith.constant 0 : i32
      %dma_wait3A_37 = arith.constant 0 : i32
      %dma_wait3A_38 = tpu.memref_slice %arg3[%add3A, %dma_wait3A_36, %dma_wait3A_37] : memref<32x125x80xi32, #tpu.memory_space<hbm>> -> memref<1x125x80xi32, #tpu.memory_space<hbm>>
      %dma_wait3A_39 = tpu.memref_squeeze %dma_wait3A_38 : memref<1x125x80xi32, #tpu.memory_space<hbm>> -> memref<125x80xi32, #tpu.memory_space<hbm>>
      tpu.wait_dma2 semaphore(%run_scoped3A : memref<!tpu.dma_semaphore, #tpu.memory_space<semaphore_mem>>) src(%dma_wait3A_39 : memref<125x80xi32, #tpu.memory_space<hbm>>) dst(%arg7 : memref<125x80xi32, #tpu.memory_space<vmem>>)
      tpu.yield
    }) : () -> ()
    %barrier3A = arith.constant 0 : index
    tpu.barrier barrier_id(%barrier3A)
    %mul3A_3 = arith.constant 10000 : i32
    %mul3A_4 = arith.muli %add3A, %mul3A_3 : i32
    %add3A_5 = arith.constant 0 : i32
    %add3A_6 = arith.addi %mul3A_4, %add3A_5 : i32
    %dma_start3A = arith.constant 0 : i32
    %dma_start3A_7 = arith.constant 0 : i32
    %dma_start3A_8 = arith.constant 0 : i32
    %dma_start3A_9 = tpu.memref_slice %arg8[%dma_start3A, %dma_start3A_7, %dma_start3A_8] : memref<2x80x128xf32, #tpu.memory_space<vmem>> -> memref<1x80x128xf32, #tpu.memory_space<vmem>>
    %dma_start3A_10 = tpu.memref_squeeze %dma_start3A_9 : memref<1x80x128xf32, #tpu.memory_space<vmem>> -> memref<80x128xf32, #tpu.memory_space<vmem>>
    %dma_start3A_11 = arith.constant 0 : i32
    %dma_start3A_12 = tpu.memref_slice %arg2[%add3A_6, %dma_start3A_11] : memref<320000x128xf32, #tpu.memory_space<hbm>> -> memref<80x128xf32, #tpu.memory_space<hbm>>
    %dma_start3A_13 = arith.constant 0 : i32
    %dma_start3A_14 = arith.constant 0 : i32
    %dma_start3A_15 = tpu.memref_slice %arg8[%dma_start3A, %dma_start3A_13, %dma_start3A_14] : memref<2x80x128xf32, #tpu.memory_space<vmem>> -> memref<1x80x128xf32, #tpu.memory_space<vmem>>
    %dma_start3A_16 = tpu.memref_squeeze %dma_start3A_15 : memref<1x80x128xf32, #tpu.memory_space<vmem>> -> memref<80x128xf32, #tpu.memory_space<vmem>>
    %dma_start3A_17 = arith.constant 0 : i32
    %dma_start3A_18 = tpu.memref_slice %arg2[%add3A_6, %dma_start3A_17] : memref<320000x128xf32, #tpu.memory_space<hbm>> -> memref<80x128xf32, #tpu.memory_space<hbm>>
    tpu.enqueue_dma source(%dma_start3A_18 : memref<80x128xf32, #tpu.memory_space<hbm>>) target(%dma_start3A_16 : memref<80x128xf32, #tpu.memory_space<vmem>>) target_semaphore(%arg9 : memref<!tpu.dma_semaphore, #tpu.memory_space<semaphore_mem>>)
    %scan3A = arith.constant 0 : i32
    %scan3A_19 = arith.constant 0 : i32
    %scan3A_20 = arith.constant 125 : i32
    %scan3A_21 = arith.addi %scan3A_19, %scan3A_20 : i32
    %scan3A_22 = arith.constant 1 : i32
    scf.for %scan3A_25 = %scan3A_19 to %scan3A_21 step %scan3A_22  : i32 {
      %rem3A = arith.constant 2 : i32
      %rem3A_26 = arith.remsi %scan3A_25, %rem3A : i32
      %eq3A = arith.constant 0 : i32
      %eq3A_27 = arith.cmpi eq, %rem3A_26, %eq3A : i32
      %add3A_28 = arith.constant 1 : i32
      %add3A_29 = arith.addi %scan3A_25, %add3A_28 : i32
      %lt3A = arith.constant 125 : i32
      %lt3A_30 = arith.cmpi slt, %add3A_29, %lt3A : i32
      %and3A = arith.andi %eq3A_27, %lt3A_30 : i1
      %convert_element_type3A = arith.extui %and3A : i1 to i32
      %cond3A = arith.constant 0 : i32
      %cond3A_31 = arith.cmpi ne, %convert_element_type3A, %cond3A : i32
      scf.if %cond3A_31 {
        %add3A_45 = arith.constant 1 : i32
        %add3A_46 = arith.addi %scan3A_25, %add3A_45 : i32
        %mul3A_47 = arith.constant 80 : i32
        %mul3A_48 = arith.muli %add3A_46, %mul3A_47 : i32
        %add3A_49 = arith.addi %mul3A_4, %mul3A_48 : i32
        %dma_start3A_50 = arith.constant 1 : i32
        %dma_start3A_51 = arith.constant 0 : i32
        %dma_start3A_52 = arith.constant 0 : i32
        %dma_start3A_53 = tpu.memref_slice %arg8[%dma_start3A_50, %dma_start3A_51, %dma_start3A_52] : memref<2x80x128xf32, #tpu.memory_space<vmem>> -> memref<1x80x128xf32, #tpu.memory_space<vmem>>
        %dma_start3A_54 = tpu.memref_squeeze %dma_start3A_53 : memref<1x80x128xf32, #tpu.memory_space<vmem>> -> memref<80x128xf32, #tpu.memory_space<vmem>>
        %dma_start3A_55 = arith.constant 0 : i32
        %dma_start3A_56 = tpu.memref_slice %arg2[%add3A_49, %dma_start3A_55] : memref<320000x128xf32, #tpu.memory_space<hbm>> -> memref<80x128xf32, #tpu.memory_space<hbm>>
        %dma_start3A_57 = arith.constant 0 : i32
        %dma_start3A_58 = arith.constant 0 : i32
        %dma_start3A_59 = tpu.memref_slice %arg8[%dma_start3A_50, %dma_start3A_57, %dma_start3A_58] : memref<2x80x128xf32, #tpu.memory_space<vmem>> -> memref<1x80x128xf32, #tpu.memory_space<vmem>>
        %dma_start3A_60 = tpu.memref_squeeze %dma_start3A_59 : memref<1x80x128xf32, #tpu.memory_space<vmem>> -> memref<80x128xf32, #tpu.memory_space<vmem>>
        %dma_start3A_61 = arith.constant 0 : i32
        %dma_start3A_62 = tpu.memref_slice %arg2[%add3A_49, %dma_start3A_61] : memref<320000x128xf32, #tpu.memory_space<hbm>> -> memref<80x128xf32, #tpu.memory_space<hbm>>
        tpu.enqueue_dma source(%dma_start3A_62 : memref<80x128xf32, #tpu.memory_space<hbm>>) target(%dma_start3A_60 : memref<80x128xf32, #tpu.memory_space<vmem>>) target_semaphore(%arg9 : memref<!tpu.dma_semaphore, #tpu.memory_space<semaphore_mem>>)
      } else {
      }
      %not3A = arith.constant true
      %not3A_32 = arith.xori %eq3A_27, %not3A : i1
      %and3A_33 = arith.andi %not3A_32, %lt3A_30 : i1
      %convert_element_type3A_34 = arith.extui %and3A_33 : i1 to i32
      %cond3A_35 = arith.constant 0 : i32
      %cond3A_36 = arith.cmpi ne, %convert_element_type3A_34, %cond3A_35 : i32
      scf.if %cond3A_36 {
        %add3A_45 = arith.constant 1 : i32
        %add3A_46 = arith.addi %scan3A_25, %add3A_45 : i32
        %mul3A_47 = arith.constant 80 : i32
        %mul3A_48 = arith.muli %add3A_46, %mul3A_47 : i32
        %add3A_49 = arith.addi %mul3A_4, %mul3A_48 : i32
        %dma_start3A_50 = arith.constant 0 : i32
        %dma_start3A_51 = arith.constant 0 : i32
        %dma_start3A_52 = arith.constant 0 : i32
        %dma_start3A_53 = tpu.memref_slice %arg8[%dma_start3A_50, %dma_start3A_51, %dma_start3A_52] : memref<2x80x128xf32, #tpu.memory_space<vmem>> -> memref<1x80x128xf32, #tpu.memory_space<vmem>>
        %dma_start3A_54 = tpu.memref_squeeze %dma_start3A_53 : memref<1x80x128xf32, #tpu.memory_space<vmem>> -> memref<80x128xf32, #tpu.memory_space<vmem>>
        %dma_start3A_55 = arith.constant 0 : i32
        %dma_start3A_56 = tpu.memref_slice %arg2[%add3A_49, %dma_start3A_55] : memref<320000x128xf32, #tpu.memory_space<hbm>> -> memref<80x128xf32, #tpu.memory_space<hbm>>
        %dma_start3A_57 = arith.constant 0 : i32
        %dma_start3A_58 = arith.constant 0 : i32
        %dma_start3A_59 = tpu.memref_slice %arg8[%dma_start3A_50, %dma_start3A_57, %dma_start3A_58] : memref<2x80x128xf32, #tpu.memory_space<vmem>> -> memref<1x80x128xf32, #tpu.memory_space<vmem>>
        %dma_start3A_60 = tpu.memref_squeeze %dma_start3A_59 : memref<1x80x128xf32, #tpu.memory_space<vmem>> -> memref<80x128xf32, #tpu.memory_space<vmem>>
        %dma_start3A_61 = arith.constant 0 : i32
        %dma_start3A_62 = tpu.memref_slice %arg2[%add3A_49, %dma_start3A_61] : memref<320000x128xf32, #tpu.memory_space<hbm>> -> memref<80x128xf32, #tpu.memory_space<hbm>>
        tpu.enqueue_dma source(%dma_start3A_62 : memref<80x128xf32, #tpu.memory_space<hbm>>) target(%dma_start3A_60 : memref<80x128xf32, #tpu.memory_space<vmem>>) target_semaphore(%arg9 : memref<!tpu.dma_semaphore, #tpu.memory_space<semaphore_mem>>)
      } else {
      }
      %convert_element_type3A_37 = arith.extui %eq3A_27 : i1 to i32
      %cond3A_38 = arith.constant 0 : i32
      %cond3A_39 = arith.cmpi ne, %convert_element_type3A_37, %cond3A_38 : i32
      scf.if %cond3A_39 {
        %mul3A_45 = arith.constant 80 : i32
        %mul3A_46 = arith.muli %scan3A_25, %mul3A_45 : i32
        %add3A_47 = arith.addi %mul3A_4, %mul3A_46 : i32
        %dma_wait3A = arith.constant 0 : i32
        %dma_wait3A_48 = arith.constant 0 : i32
        %dma_wait3A_49 = arith.constant 0 : i32
        %dma_wait3A_50 = tpu.memref_slice %arg8[%dma_wait3A, %dma_wait3A_48, %dma_wait3A_49] : memref<2x80x128xf32, #tpu.memory_space<vmem>> -> memref<1x80x128xf32, #tpu.memory_space<vmem>>
        %dma_wait3A_51 = tpu.memref_squeeze %dma_wait3A_50 : memref<1x80x128xf32, #tpu.memory_space<vmem>> -> memref<80x128xf32, #tpu.memory_space<vmem>>
        %dma_wait3A_52 = arith.constant 0 : i32
        %dma_wait3A_53 = tpu.memref_slice %arg2[%add3A_47, %dma_wait3A_52] : memref<320000x128xf32, #tpu.memory_space<hbm>> -> memref<80x128xf32, #tpu.memory_space<hbm>>
        %dma_wait3A_54 = arith.constant 0 : i32
        %dma_wait3A_55 = arith.constant 0 : i32
        %dma_wait3A_56 = tpu.memref_slice %arg8[%dma_wait3A, %dma_wait3A_54, %dma_wait3A_55] : memref<2x80x128xf32, #tpu.memory_space<vmem>> -> memref<1x80x128xf32, #tpu.memory_space<vmem>>
        %dma_wait3A_57 = tpu.memref_squeeze %dma_wait3A_56 : memref<1x80x128xf32, #tpu.memory_space<vmem>> -> memref<80x128xf32, #tpu.memory_space<vmem>>
        %dma_wait3A_58 = arith.constant 0 : i32
        %dma_wait3A_59 = tpu.memref_slice %arg2[%add3A_47, %dma_wait3A_58] : memref<320000x128xf32, #tpu.memory_space<hbm>> -> memref<80x128xf32, #tpu.memory_space<hbm>>
        tpu.wait_dma2 semaphore(%arg9 : memref<!tpu.dma_semaphore, #tpu.memory_space<semaphore_mem>>) src(%dma_wait3A_59 : memref<80x128xf32, #tpu.memory_space<hbm>>) dst(%dma_wait3A_57 : memref<80x128xf32, #tpu.memory_space<vmem>>)
        %run_scoped3A = arith.constant 0 : i32
        "tpu.region"() ({
          %run_scoped3A_60 = tpu.sem_alloc : memref<!tpu.dma_semaphore, #tpu.memory_space<semaphore_mem>>
          %dma_start3A_61 = arith.constant 0 : i32
          %dma_start3A_62 = arith.constant 0 : i32
          %dma_start3A_63 = tpu.memref_slice %arg8[%run_scoped3A, %dma_start3A_61, %dma_start3A_62] : memref<2x80x128xf32, #tpu.memory_space<vmem>> -> memref<1x80x128xf32, #tpu.memory_space<vmem>>
          %dma_start3A_64 = tpu.memref_squeeze %dma_start3A_63 : memref<1x80x128xf32, #tpu.memory_space<vmem>> -> memref<80x128xf32, #tpu.memory_space<vmem>>
          %dma_start3A_65 = arith.constant 0 : i32
          %dma_start3A_66 = tpu.memref_slice %arg7[%scan3A_25, %dma_start3A_65] : memref<125x80xi32, #tpu.memory_space<vmem>> -> memref<1x80xi32, #tpu.memory_space<vmem>>
          %dma_start3A_67 = tpu.memref_squeeze %dma_start3A_66 : memref<1x80xi32, #tpu.memory_space<vmem>> -> memref<80xi32, #tpu.memory_space<vmem>>
          %dma_start3A_68 = arith.constant 0 : i32
          %dma_start3A_69 = arith.constant 0 : i32
          %dma_start3A_70 = tpu.memref_slice %arg6[%dma_start3A_68, %dma_start3A_69] : memref<10112x128xf32, #tpu.memory_space<vmem_shared>> -> memref<10112x128xf32, #tpu.memory_space<vmem_shared>>
          tpu.enqueue_indirect_dma source(%dma_start3A_64 : memref<80x128xf32, #tpu.memory_space<vmem>>) target(%dma_start3A_70 : memref<10112x128xf32, #tpu.memory_space<vmem_shared>>) offsets(%dma_start3A_67 : memref<80xi32, #tpu.memory_space<vmem>>) semaphore(%run_scoped3A_60 : memref<!tpu.dma_semaphore, #tpu.memory_space<semaphore_mem>>) {add = true}
          %dma_wait3A_71 = arith.constant 0 : i32
          %dma_wait3A_72 = arith.constant 0 : i32
          %dma_wait3A_73 = tpu.memref_slice %arg8[%run_scoped3A, %dma_wait3A_71, %dma_wait3A_72] : memref<2x80x128xf32, #tpu.memory_space<vmem>> -> memref<1x80x128xf32, #tpu.memory_space<vmem>>
          %dma_wait3A_74 = tpu.memref_squeeze %dma_wait3A_73 : memref<1x80x128xf32, #tpu.memory_space<vmem>> -> memref<80x128xf32, #tpu.memory_space<vmem>>
          %dma_wait3A_75 = arith.constant 0 : i32
          %dma_wait3A_76 = tpu.memref_slice %arg7[%scan3A_25, %dma_wait3A_75] : memref<125x80xi32, #tpu.memory_space<vmem>> -> memref<1x80xi32, #tpu.memory_space<vmem>>
          %dma_wait3A_77 = tpu.memref_squeeze %dma_wait3A_76 : memref<1x80xi32, #tpu.memory_space<vmem>> -> memref<80xi32, #tpu.memory_space<vmem>>
          %dma_wait3A_78 = arith.constant 0 : i32
          %dma_wait3A_79 = arith.constant 0 : i32
          %dma_wait3A_80 = tpu.memref_slice %arg6[%dma_wait3A_78, %dma_wait3A_79] : memref<10112x128xf32, #tpu.memory_space<vmem_shared>> -> memref<10112x128xf32, #tpu.memory_space<vmem_shared>>
          tpu.wait_indirect_dma semaphore(%run_scoped3A_60 : memref<!tpu.dma_semaphore, #tpu.memory_space<semaphore_mem>>) src(%dma_wait3A_74 : memref<80x128xf32, #tpu.memory_space<vmem>>) dst(%dma_wait3A_80 : memref<10112x128xf32, #tpu.memory_space<vmem_shared>>)
          tpu.yield
        }) : () -> ()
      } else {
      }
      %not3A_40 = arith.constant true
      %not3A_41 = arith.xori %eq3A_27, %not3A_40 : i1
      %convert_element_type3A_42 = arith.extui %not3A_41 : i1 to i32
      %cond3A_43 = arith.constant 0 : i32
      %cond3A_44 = arith.cmpi ne, %convert_element_type3A_42, %cond3A_43 : i32
      scf.if %cond3A_44 {
        %mul3A_45 = arith.constant 80 : i32
        %mul3A_46 = arith.muli %scan3A_25, %mul3A_45 : i32
        %add3A_47 = arith.addi %mul3A_4, %mul3A_46 : i32
        %dma_wait3A = arith.constant 1 : i32
        %dma_wait3A_48 = arith.constant 0 : i32
        %dma_wait3A_49 = arith.constant 0 : i32
        %dma_wait3A_50 = tpu.memref_slice %arg8[%dma_wait3A, %dma_wait3A_48, %dma_wait3A_49] : memref<2x80x128xf32, #tpu.memory_space<vmem>> -> memref<1x80x128xf32, #tpu.memory_space<vmem>>
        %dma_wait3A_51 = tpu.memref_squeeze %dma_wait3A_50 : memref<1x80x128xf32, #tpu.memory_space<vmem>> -> memref<80x128xf32, #tpu.memory_space<vmem>>
        %dma_wait3A_52 = arith.constant 0 : i32
        %dma_wait3A_53 = tpu.memref_slice %arg2[%add3A_47, %dma_wait3A_52] : memref<320000x128xf32, #tpu.memory_space<hbm>> -> memref<80x128xf32, #tpu.memory_space<hbm>>
        %dma_wait3A_54 = arith.constant 0 : i32
        %dma_wait3A_55 = arith.constant 0 : i32
        %dma_wait3A_56 = tpu.memref_slice %arg8[%dma_wait3A, %dma_wait3A_54, %dma_wait3A_55] : memref<2x80x128xf32, #tpu.memory_space<vmem>> -> memref<1x80x128xf32, #tpu.memory_space<vmem>>
        %dma_wait3A_57 = tpu.memref_squeeze %dma_wait3A_56 : memref<1x80x128xf32, #tpu.memory_space<vmem>> -> memref<80x128xf32, #tpu.memory_space<vmem>>
        %dma_wait3A_58 = arith.constant 0 : i32
        %dma_wait3A_59 = tpu.memref_slice %arg2[%add3A_47, %dma_wait3A_58] : memref<320000x128xf32, #tpu.memory_space<hbm>> -> memref<80x128xf32, #tpu.memory_space<hbm>>
        tpu.wait_dma2 semaphore(%arg9 : memref<!tpu.dma_semaphore, #tpu.memory_space<semaphore_mem>>) src(%dma_wait3A_59 : memref<80x128xf32, #tpu.memory_space<hbm>>) dst(%dma_wait3A_57 : memref<80x128xf32, #tpu.memory_space<vmem>>)
        %run_scoped3A = arith.constant 1 : i32
        "tpu.region"() ({
          %run_scoped3A_60 = tpu.sem_alloc : memref<!tpu.dma_semaphore, #tpu.memory_space<semaphore_mem>>
          %dma_start3A_61 = arith.constant 0 : i32
          %dma_start3A_62 = arith.constant 0 : i32
          %dma_start3A_63 = tpu.memref_slice %arg8[%run_scoped3A, %dma_start3A_61, %dma_start3A_62] : memref<2x80x128xf32, #tpu.memory_space<vmem>> -> memref<1x80x128xf32, #tpu.memory_space<vmem>>
          %dma_start3A_64 = tpu.memref_squeeze %dma_start3A_63 : memref<1x80x128xf32, #tpu.memory_space<vmem>> -> memref<80x128xf32, #tpu.memory_space<vmem>>
          %dma_start3A_65 = arith.constant 0 : i32
          %dma_start3A_66 = tpu.memref_slice %arg7[%scan3A_25, %dma_start3A_65] : memref<125x80xi32, #tpu.memory_space<vmem>> -> memref<1x80xi32, #tpu.memory_space<vmem>>
          %dma_start3A_67 = tpu.memref_squeeze %dma_start3A_66 : memref<1x80xi32, #tpu.memory_space<vmem>> -> memref<80xi32, #tpu.memory_space<vmem>>
          %dma_start3A_68 = arith.constant 0 : i32
          %dma_start3A_69 = arith.constant 0 : i32
          %dma_start3A_70 = tpu.memref_slice %arg6[%dma_start3A_68, %dma_start3A_69] : memref<10112x128xf32, #tpu.memory_space<vmem_shared>> -> memref<10112x128xf32, #tpu.memory_space<vmem_shared>>
          tpu.enqueue_indirect_dma source(%dma_start3A_64 : memref<80x128xf32, #tpu.memory_space<vmem>>) target(%dma_start3A_70 : memref<10112x128xf32, #tpu.memory_space<vmem_shared>>) offsets(%dma_start3A_67 : memref<80xi32, #tpu.memory_space<vmem>>) semaphore(%run_scoped3A_60 : memref<!tpu.dma_semaphore, #tpu.memory_space<semaphore_mem>>) {add = true}
          %dma_wait3A_71 = arith.constant 0 : i32
          %dma_wait3A_72 = arith.constant 0 : i32
          %dma_wait3A_73 = tpu.memref_slice %arg8[%run_scoped3A, %dma_wait3A_71, %dma_wait3A_72] : memref<2x80x128xf32, #tpu.memory_space<vmem>> -> memref<1x80x128xf32, #tpu.memory_space<vmem>>
          %dma_wait3A_74 = tpu.memref_squeeze %dma_wait3A_73 : memref<1x80x128xf32, #tpu.memory_space<vmem>> -> memref<80x128xf32, #tpu.memory_space<vmem>>
          %dma_wait3A_75 = arith.constant 0 : i32
          %dma_wait3A_76 = tpu.memref_slice %arg7[%scan3A_25, %dma_wait3A_75] : memref<125x80xi32, #tpu.memory_space<vmem>> -> memref<1x80xi32, #tpu.memory_space<vmem>>
          %dma_wait3A_77 = tpu.memref_squeeze %dma_wait3A_76 : memref<1x80xi32, #tpu.memory_space<vmem>> -> memref<80xi32, #tpu.memory_space<vmem>>
          %dma_wait3A_78 = arith.constant 0 : i32
          %dma_wait3A_79 = arith.constant 0 : i32
          %dma_wait3A_80 = tpu.memref_slice %arg6[%dma_wait3A_78, %dma_wait3A_79] : memref<10112x128xf32, #tpu.memory_space<vmem_shared>> -> memref<10112x128xf32, #tpu.memory_space<vmem_shared>>
          tpu.wait_indirect_dma semaphore(%run_scoped3A_60 : memref<!tpu.dma_semaphore, #tpu.memory_space<semaphore_mem>>) src(%dma_wait3A_74 : memref<80x128xf32, #tpu.memory_space<vmem>>) dst(%dma_wait3A_80 : memref<10112x128xf32, #tpu.memory_space<vmem_shared>>)
          tpu.yield
        }) : () -> ()
      } else {
      }
    }
    %scan3A_23 = arith.constant 125 : i32
    %barrier3A_24 = arith.constant 0 : index
    tpu.barrier barrier_id(%barrier3A_24)
    "tpu.region"() ({
      %run_scoped3A = tpu.sem_alloc : memref<!tpu.dma_semaphore, #tpu.memory_space<semaphore_mem>>
      %dma_start3A_25 = arith.constant 0 : i32
      %dma_start3A_26 = tpu.memref_slice %arg5[%arg0, %mul3A_2, %dma_start3A_25] : memref<2x10112x128xf32, #tpu.memory_space<hbm>> -> memref<1x632x128xf32, #tpu.memory_space<hbm>>
      %dma_start3A_27 = tpu.memref_squeeze %dma_start3A_26 : memref<1x632x128xf32, #tpu.memory_space<hbm>> -> memref<632x128xf32, #tpu.memory_space<hbm>>
      %dma_start3A_28 = arith.constant 0 : i32
      %dma_start3A_29 = tpu.memref_slice %arg6[%mul3A_2, %dma_start3A_28] : memref<10112x128xf32, #tpu.memory_space<vmem_shared>> -> memref<632x128xf32, #tpu.memory_space<vmem_shared>>
      tpu.enqueue_dma source(%dma_start3A_29 : memref<632x128xf32, #tpu.memory_space<vmem_shared>>) target(%dma_start3A_27 : memref<632x128xf32, #tpu.memory_space<hbm>>) target_semaphore(%run_scoped3A : memref<!tpu.dma_semaphore, #tpu.memory_space<semaphore_mem>>)
      %dma_wait3A = arith.constant 0 : i32
      %dma_wait3A_30 = tpu.memref_slice %arg5[%arg0, %mul3A_2, %dma_wait3A] : memref<2x10112x128xf32, #tpu.memory_space<hbm>> -> memref<1x632x128xf32, #tpu.memory_space<hbm>>
      %dma_wait3A_31 = tpu.memref_squeeze %dma_wait3A_30 : memref<1x632x128xf32, #tpu.memory_space<hbm>> -> memref<632x128xf32, #tpu.memory_space<hbm>>
      %dma_wait3A_32 = arith.constant 0 : i32
      %dma_wait3A_33 = tpu.memref_slice %arg6[%mul3A_2, %dma_wait3A_32] : memref<10112x128xf32, #tpu.memory_space<vmem_shared>> -> memref<632x128xf32, #tpu.memory_space<vmem_shared>>
      tpu.wait_dma2 semaphore(%run_scoped3A : memref<!tpu.dma_semaphore, #tpu.memory_space<semaphore_mem>>) src(%dma_wait3A_33 : memref<632x128xf32, #tpu.memory_space<vmem_shared>>) dst(%dma_wait3A_31 : memref<632x128xf32, #tpu.memory_space<hbm>>)
      tpu.yield
    }) : () -> ()
    return
  }
}

#map = affine_map<(d0, d1) -> (0, 0)>
#map1 = affine_map<(d0, d1) -> (0, 0, 0)>
module attributes {stable_mosaic.version = 14 : i64} {
  func.func @sc_kernel(%arg0: i32, %arg1: i32, %arg2: memref<10000x128xbf16, #tpu.memory_space<hbm>>, %arg3: memref<32x125x80xi32, #tpu.memory_space<hbm>>, %arg4: memref<32x125x80xi32, #tpu.memory_space<hbm>>, %arg5: memref<320000x128xbf16, #tpu.memory_space<hbm>>, %arg6: memref<320000x128xbf16, #tpu.memory_space<hbm>>, %arg7: memref<125x80xi32, #tpu.memory_space<vmem>>, %arg8: memref<125x80xi32, #tpu.memory_space<vmem>>, %arg9: memref<2x80x128xbf16, #tpu.memory_space<vmem>>, %arg10: memref<2x80x128xbf16, #tpu.memory_space<vmem>>, %arg11: memref<!tpu.dma_semaphore, #tpu.memory_space<semaphore_mem>>, %arg12: memref<!tpu.dma_semaphore, #tpu.memory_space<semaphore_mem>>) attributes {dimension_semantics = [#tpu.dimension_semantics<core_parallel>, #tpu.dimension_semantics<subcore_parallel>], iteration_bounds = array<i64: 2, 16>, scalar_prefetch = 0 : i64, scratch_operands = 6 : i64, tpu.core_type = #tpu.core_type<sc_vector_subcore>, window_params = [{transform_indices = #map}, {transform_indices = #map1}, {transform_indices = #map1}, {transform_indices = #map}, {transform_indices = #map}]} {
    %mul3A = arith.constant 2 : i32
    %mul3A_0 = arith.muli %arg1, %mul3A : i32
    %add3A = arith.addi %mul3A_0, %arg0 : i32
    "tpu.region"() ({
      %run_scoped3A = tpu.sem_alloc : memref<!tpu.dma_semaphore, #tpu.memory_space<semaphore_mem>>
      %dma_start3A_31 = arith.constant 0 : i32
      %dma_start3A_32 = arith.constant 0 : i32
      %dma_start3A_33 = tpu.memref_slice %arg3[%add3A, %dma_start3A_31, %dma_start3A_32] : memref<32x125x80xi32, #tpu.memory_space<hbm>> -> memref<1x125x80xi32, #tpu.memory_space<hbm>>
      %dma_start3A_34 = tpu.memref_squeeze %dma_start3A_33 : memref<1x125x80xi32, #tpu.memory_space<hbm>> -> memref<125x80xi32, #tpu.memory_space<hbm>>
      %dma_start3A_35 = arith.constant 0 : i32
      %dma_start3A_36 = arith.constant 0 : i32
      %dma_start3A_37 = tpu.memref_slice %arg3[%add3A, %dma_start3A_35, %dma_start3A_36] : memref<32x125x80xi32, #tpu.memory_space<hbm>> -> memref<1x125x80xi32, #tpu.memory_space<hbm>>
      %dma_start3A_38 = tpu.memref_squeeze %dma_start3A_37 : memref<1x125x80xi32, #tpu.memory_space<hbm>> -> memref<125x80xi32, #tpu.memory_space<hbm>>
      tpu.enqueue_dma source(%dma_start3A_38 : memref<125x80xi32, #tpu.memory_space<hbm>>) target(%arg7 : memref<125x80xi32, #tpu.memory_space<vmem>>) target_semaphore(%run_scoped3A : memref<!tpu.dma_semaphore, #tpu.memory_space<semaphore_mem>>)
      %dma_wait3A = arith.constant 0 : i32
      %dma_wait3A_39 = arith.constant 0 : i32
      %dma_wait3A_40 = tpu.memref_slice %arg3[%add3A, %dma_wait3A, %dma_wait3A_39] : memref<32x125x80xi32, #tpu.memory_space<hbm>> -> memref<1x125x80xi32, #tpu.memory_space<hbm>>
      %dma_wait3A_41 = tpu.memref_squeeze %dma_wait3A_40 : memref<1x125x80xi32, #tpu.memory_space<hbm>> -> memref<125x80xi32, #tpu.memory_space<hbm>>
      %dma_wait3A_42 = arith.constant 0 : i32
      %dma_wait3A_43 = arith.constant 0 : i32
      %dma_wait3A_44 = tpu.memref_slice %arg3[%add3A, %dma_wait3A_42, %dma_wait3A_43] : memref<32x125x80xi32, #tpu.memory_space<hbm>> -> memref<1x125x80xi32, #tpu.memory_space<hbm>>
      %dma_wait3A_45 = tpu.memref_squeeze %dma_wait3A_44 : memref<1x125x80xi32, #tpu.memory_space<hbm>> -> memref<125x80xi32, #tpu.memory_space<hbm>>
      tpu.wait_dma2 semaphore(%run_scoped3A : memref<!tpu.dma_semaphore, #tpu.memory_space<semaphore_mem>>) src(%dma_wait3A_45 : memref<125x80xi32, #tpu.memory_space<hbm>>) dst(%arg7 : memref<125x80xi32, #tpu.memory_space<vmem>>)
      tpu.yield
    }) : () -> ()
    "tpu.region"() ({
      %run_scoped3A = tpu.sem_alloc : memref<!tpu.dma_semaphore, #tpu.memory_space<semaphore_mem>>
      %dma_start3A_31 = arith.constant 0 : i32
      %dma_start3A_32 = arith.constant 0 : i32
      %dma_start3A_33 = tpu.memref_slice %arg4[%add3A, %dma_start3A_31, %dma_start3A_32] : memref<32x125x80xi32, #tpu.memory_space<hbm>> -> memref<1x125x80xi32, #tpu.memory_space<hbm>>
      %dma_start3A_34 = tpu.memref_squeeze %dma_start3A_33 : memref<1x125x80xi32, #tpu.memory_space<hbm>> -> memref<125x80xi32, #tpu.memory_space<hbm>>
      %dma_start3A_35 = arith.constant 0 : i32
      %dma_start3A_36 = arith.constant 0 : i32
      %dma_start3A_37 = tpu.memref_slice %arg4[%add3A, %dma_start3A_35, %dma_start3A_36] : memref<32x125x80xi32, #tpu.memory_space<hbm>> -> memref<1x125x80xi32, #tpu.memory_space<hbm>>
      %dma_start3A_38 = tpu.memref_squeeze %dma_start3A_37 : memref<1x125x80xi32, #tpu.memory_space<hbm>> -> memref<125x80xi32, #tpu.memory_space<hbm>>
      tpu.enqueue_dma source(%dma_start3A_38 : memref<125x80xi32, #tpu.memory_space<hbm>>) target(%arg8 : memref<125x80xi32, #tpu.memory_space<vmem>>) target_semaphore(%run_scoped3A : memref<!tpu.dma_semaphore, #tpu.memory_space<semaphore_mem>>)
      %dma_wait3A = arith.constant 0 : i32
      %dma_wait3A_39 = arith.constant 0 : i32
      %dma_wait3A_40 = tpu.memref_slice %arg4[%add3A, %dma_wait3A, %dma_wait3A_39] : memref<32x125x80xi32, #tpu.memory_space<hbm>> -> memref<1x125x80xi32, #tpu.memory_space<hbm>>
      %dma_wait3A_41 = tpu.memref_squeeze %dma_wait3A_40 : memref<1x125x80xi32, #tpu.memory_space<hbm>> -> memref<125x80xi32, #tpu.memory_space<hbm>>
      %dma_wait3A_42 = arith.constant 0 : i32
      %dma_wait3A_43 = arith.constant 0 : i32
      %dma_wait3A_44 = tpu.memref_slice %arg4[%add3A, %dma_wait3A_42, %dma_wait3A_43] : memref<32x125x80xi32, #tpu.memory_space<hbm>> -> memref<1x125x80xi32, #tpu.memory_space<hbm>>
      %dma_wait3A_45 = tpu.memref_squeeze %dma_wait3A_44 : memref<1x125x80xi32, #tpu.memory_space<hbm>> -> memref<125x80xi32, #tpu.memory_space<hbm>>
      tpu.wait_dma2 semaphore(%run_scoped3A : memref<!tpu.dma_semaphore, #tpu.memory_space<semaphore_mem>>) src(%dma_wait3A_45 : memref<125x80xi32, #tpu.memory_space<hbm>>) dst(%arg8 : memref<125x80xi32, #tpu.memory_space<vmem>>)
      tpu.yield
    }) : () -> ()
    %mul3A_1 = arith.constant 10000 : i32
    %mul3A_2 = arith.muli %add3A, %mul3A_1 : i32
    %dma_start3A = arith.constant 0 : i32
    %dma_start3A_3 = arith.constant 0 : i32
    %dma_start3A_4 = arith.constant 0 : i32
    %dma_start3A_5 = arith.constant 0 : i32
    %dma_start3A_6 = tpu.memref_slice %arg9[%dma_start3A_3, %dma_start3A_4, %dma_start3A_5] : memref<2x80x128xbf16, #tpu.memory_space<vmem>> -> memref<1x80x128xbf16, #tpu.memory_space<vmem>>
    %dma_start3A_7 = tpu.memref_squeeze %dma_start3A_6 : memref<1x80x128xbf16, #tpu.memory_space<vmem>> -> memref<80x128xbf16, #tpu.memory_space<vmem>>
    %dma_start3A_8 = arith.constant 0 : i32
    %dma_start3A_9 = tpu.memref_slice %arg7[%dma_start3A, %dma_start3A_8] : memref<125x80xi32, #tpu.memory_space<vmem>> -> memref<1x80xi32, #tpu.memory_space<vmem>>
    %dma_start3A_10 = tpu.memref_squeeze %dma_start3A_9 : memref<1x80xi32, #tpu.memory_space<vmem>> -> memref<80xi32, #tpu.memory_space<vmem>>
    %dma_start3A_11 = arith.constant 0 : i32
    %dma_start3A_12 = arith.constant 0 : i32
    %dma_start3A_13 = tpu.memref_slice %arg2[%dma_start3A_11, %dma_start3A_12] : memref<10000x128xbf16, #tpu.memory_space<hbm>> -> memref<10000x128xbf16, #tpu.memory_space<hbm>>
    tpu.enqueue_indirect_dma source(%dma_start3A_13 : memref<10000x128xbf16, #tpu.memory_space<hbm>>) target(%dma_start3A_7 : memref<80x128xbf16, #tpu.memory_space<vmem>>) offsets(%dma_start3A_10 : memref<80xi32, #tpu.memory_space<vmem>>) semaphore(%arg11 : memref<!tpu.dma_semaphore, #tpu.memory_space<semaphore_mem>>)
    %dma_start3A_14 = arith.constant 0 : i32
    %dma_start3A_15 = arith.constant 0 : i32
    %dma_start3A_16 = arith.constant 0 : i32
    %dma_start3A_17 = arith.constant 0 : i32
    %dma_start3A_18 = tpu.memref_slice %arg10[%dma_start3A_15, %dma_start3A_16, %dma_start3A_17] : memref<2x80x128xbf16, #tpu.memory_space<vmem>> -> memref<1x80x128xbf16, #tpu.memory_space<vmem>>
    %dma_start3A_19 = tpu.memref_squeeze %dma_start3A_18 : memref<1x80x128xbf16, #tpu.memory_space<vmem>> -> memref<80x128xbf16, #tpu.memory_space<vmem>>
    %dma_start3A_20 = arith.constant 0 : i32
    %dma_start3A_21 = tpu.memref_slice %arg8[%dma_start3A_14, %dma_start3A_20] : memref<125x80xi32, #tpu.memory_space<vmem>> -> memref<1x80xi32, #tpu.memory_space<vmem>>
    %dma_start3A_22 = tpu.memref_squeeze %dma_start3A_21 : memref<1x80xi32, #tpu.memory_space<vmem>> -> memref<80xi32, #tpu.memory_space<vmem>>
    %dma_start3A_23 = arith.constant 0 : i32
    %dma_start3A_24 = arith.constant 0 : i32
    %dma_start3A_25 = tpu.memref_slice %arg2[%dma_start3A_23, %dma_start3A_24] : memref<10000x128xbf16, #tpu.memory_space<hbm>> -> memref<10000x128xbf16, #tpu.memory_space<hbm>>
    tpu.enqueue_indirect_dma source(%dma_start3A_25 : memref<10000x128xbf16, #tpu.memory_space<hbm>>) target(%dma_start3A_19 : memref<80x128xbf16, #tpu.memory_space<vmem>>) offsets(%dma_start3A_22 : memref<80xi32, #tpu.memory_space<vmem>>) semaphore(%arg12 : memref<!tpu.dma_semaphore, #tpu.memory_space<semaphore_mem>>)
    %scan3A = arith.constant 0 : i32
    %scan3A_26 = arith.constant 0 : i32
    %scan3A_27 = arith.constant 125 : i32
    %scan3A_28 = arith.addi %scan3A_26, %scan3A_27 : i32
    %scan3A_29 = arith.constant 1 : i32
    scf.for %scan3A_31 = %scan3A_26 to %scan3A_28 step %scan3A_29  : i32 {
      %rem3A = arith.constant 2 : i32
      %rem3A_32 = arith.remsi %scan3A_31, %rem3A : i32
      %eq3A = arith.constant 0 : i32
      %eq3A_33 = arith.cmpi eq, %rem3A_32, %eq3A : i32
      %add3A_34 = arith.constant 1 : i32
      %add3A_35 = arith.addi %scan3A_31, %add3A_34 : i32
      %lt3A = arith.constant 125 : i32
      %lt3A_36 = arith.cmpi slt, %add3A_35, %lt3A : i32
      %and3A = arith.andi %eq3A_33, %lt3A_36 : i1
      %convert_element_type3A = arith.extui %and3A : i1 to i32
      %cond3A = arith.constant 0 : i32
      %cond3A_37 = arith.cmpi ne, %convert_element_type3A, %cond3A : i32
      scf.if %cond3A_37 {
        %add3A_51 = arith.constant 1 : i32
        %add3A_52 = arith.addi %scan3A_31, %add3A_51 : i32
        %dma_start3A_53 = arith.constant 1 : i32
        %dma_start3A_54 = arith.constant 0 : i32
        %dma_start3A_55 = arith.constant 0 : i32
        %dma_start3A_56 = tpu.memref_slice %arg9[%dma_start3A_53, %dma_start3A_54, %dma_start3A_55] : memref<2x80x128xbf16, #tpu.memory_space<vmem>> -> memref<1x80x128xbf16, #tpu.memory_space<vmem>>
        %dma_start3A_57 = tpu.memref_squeeze %dma_start3A_56 : memref<1x80x128xbf16, #tpu.memory_space<vmem>> -> memref<80x128xbf16, #tpu.memory_space<vmem>>
        %dma_start3A_58 = arith.constant 0 : i32
        %dma_start3A_59 = tpu.memref_slice %arg7[%add3A_52, %dma_start3A_58] : memref<125x80xi32, #tpu.memory_space<vmem>> -> memref<1x80xi32, #tpu.memory_space<vmem>>
        %dma_start3A_60 = tpu.memref_squeeze %dma_start3A_59 : memref<1x80xi32, #tpu.memory_space<vmem>> -> memref<80xi32, #tpu.memory_space<vmem>>
        %dma_start3A_61 = arith.constant 0 : i32
        %dma_start3A_62 = arith.constant 0 : i32
        %dma_start3A_63 = tpu.memref_slice %arg2[%dma_start3A_61, %dma_start3A_62] : memref<10000x128xbf16, #tpu.memory_space<hbm>> -> memref<10000x128xbf16, #tpu.memory_space<hbm>>
        tpu.enqueue_indirect_dma source(%dma_start3A_63 : memref<10000x128xbf16, #tpu.memory_space<hbm>>) target(%dma_start3A_57 : memref<80x128xbf16, #tpu.memory_space<vmem>>) offsets(%dma_start3A_60 : memref<80xi32, #tpu.memory_space<vmem>>) semaphore(%arg11 : memref<!tpu.dma_semaphore, #tpu.memory_space<semaphore_mem>>)
        %dma_start3A_64 = arith.constant 1 : i32
        %dma_start3A_65 = arith.constant 0 : i32
        %dma_start3A_66 = arith.constant 0 : i32
        %dma_start3A_67 = tpu.memref_slice %arg10[%dma_start3A_64, %dma_start3A_65, %dma_start3A_66] : memref<2x80x128xbf16, #tpu.memory_space<vmem>> -> memref<1x80x128xbf16, #tpu.memory_space<vmem>>
        %dma_start3A_68 = tpu.memref_squeeze %dma_start3A_67 : memref<1x80x128xbf16, #tpu.memory_space<vmem>> -> memref<80x128xbf16, #tpu.memory_space<vmem>>
        %dma_start3A_69 = arith.constant 0 : i32
        %dma_start3A_70 = tpu.memref_slice %arg8[%add3A_52, %dma_start3A_69] : memref<125x80xi32, #tpu.memory_space<vmem>> -> memref<1x80xi32, #tpu.memory_space<vmem>>
        %dma_start3A_71 = tpu.memref_squeeze %dma_start3A_70 : memref<1x80xi32, #tpu.memory_space<vmem>> -> memref<80xi32, #tpu.memory_space<vmem>>
        %dma_start3A_72 = arith.constant 0 : i32
        %dma_start3A_73 = arith.constant 0 : i32
        %dma_start3A_74 = tpu.memref_slice %arg2[%dma_start3A_72, %dma_start3A_73] : memref<10000x128xbf16, #tpu.memory_space<hbm>> -> memref<10000x128xbf16, #tpu.memory_space<hbm>>
        tpu.enqueue_indirect_dma source(%dma_start3A_74 : memref<10000x128xbf16, #tpu.memory_space<hbm>>) target(%dma_start3A_68 : memref<80x128xbf16, #tpu.memory_space<vmem>>) offsets(%dma_start3A_71 : memref<80xi32, #tpu.memory_space<vmem>>) semaphore(%arg12 : memref<!tpu.dma_semaphore, #tpu.memory_space<semaphore_mem>>)
      } else {
      }
      %not3A = arith.constant true
      %not3A_38 = arith.xori %eq3A_33, %not3A : i1
      %and3A_39 = arith.andi %not3A_38, %lt3A_36 : i1
      %convert_element_type3A_40 = arith.extui %and3A_39 : i1 to i32
      %cond3A_41 = arith.constant 0 : i32
      %cond3A_42 = arith.cmpi ne, %convert_element_type3A_40, %cond3A_41 : i32
      scf.if %cond3A_42 {
        %add3A_51 = arith.constant 1 : i32
        %add3A_52 = arith.addi %scan3A_31, %add3A_51 : i32
        %dma_start3A_53 = arith.constant 0 : i32
        %dma_start3A_54 = arith.constant 0 : i32
        %dma_start3A_55 = arith.constant 0 : i32
        %dma_start3A_56 = tpu.memref_slice %arg9[%dma_start3A_53, %dma_start3A_54, %dma_start3A_55] : memref<2x80x128xbf16, #tpu.memory_space<vmem>> -> memref<1x80x128xbf16, #tpu.memory_space<vmem>>
        %dma_start3A_57 = tpu.memref_squeeze %dma_start3A_56 : memref<1x80x128xbf16, #tpu.memory_space<vmem>> -> memref<80x128xbf16, #tpu.memory_space<vmem>>
        %dma_start3A_58 = arith.constant 0 : i32
        %dma_start3A_59 = tpu.memref_slice %arg7[%add3A_52, %dma_start3A_58] : memref<125x80xi32, #tpu.memory_space<vmem>> -> memref<1x80xi32, #tpu.memory_space<vmem>>
        %dma_start3A_60 = tpu.memref_squeeze %dma_start3A_59 : memref<1x80xi32, #tpu.memory_space<vmem>> -> memref<80xi32, #tpu.memory_space<vmem>>
        %dma_start3A_61 = arith.constant 0 : i32
        %dma_start3A_62 = arith.constant 0 : i32
        %dma_start3A_63 = tpu.memref_slice %arg2[%dma_start3A_61, %dma_start3A_62] : memref<10000x128xbf16, #tpu.memory_space<hbm>> -> memref<10000x128xbf16, #tpu.memory_space<hbm>>
        tpu.enqueue_indirect_dma source(%dma_start3A_63 : memref<10000x128xbf16, #tpu.memory_space<hbm>>) target(%dma_start3A_57 : memref<80x128xbf16, #tpu.memory_space<vmem>>) offsets(%dma_start3A_60 : memref<80xi32, #tpu.memory_space<vmem>>) semaphore(%arg11 : memref<!tpu.dma_semaphore, #tpu.memory_space<semaphore_mem>>)
        %dma_start3A_64 = arith.constant 0 : i32
        %dma_start3A_65 = arith.constant 0 : i32
        %dma_start3A_66 = arith.constant 0 : i32
        %dma_start3A_67 = tpu.memref_slice %arg10[%dma_start3A_64, %dma_start3A_65, %dma_start3A_66] : memref<2x80x128xbf16, #tpu.memory_space<vmem>> -> memref<1x80x128xbf16, #tpu.memory_space<vmem>>
        %dma_start3A_68 = tpu.memref_squeeze %dma_start3A_67 : memref<1x80x128xbf16, #tpu.memory_space<vmem>> -> memref<80x128xbf16, #tpu.memory_space<vmem>>
        %dma_start3A_69 = arith.constant 0 : i32
        %dma_start3A_70 = tpu.memref_slice %arg8[%add3A_52, %dma_start3A_69] : memref<125x80xi32, #tpu.memory_space<vmem>> -> memref<1x80xi32, #tpu.memory_space<vmem>>
        %dma_start3A_71 = tpu.memref_squeeze %dma_start3A_70 : memref<1x80xi32, #tpu.memory_space<vmem>> -> memref<80xi32, #tpu.memory_space<vmem>>
        %dma_start3A_72 = arith.constant 0 : i32
        %dma_start3A_73 = arith.constant 0 : i32
        %dma_start3A_74 = tpu.memref_slice %arg2[%dma_start3A_72, %dma_start3A_73] : memref<10000x128xbf16, #tpu.memory_space<hbm>> -> memref<10000x128xbf16, #tpu.memory_space<hbm>>
        tpu.enqueue_indirect_dma source(%dma_start3A_74 : memref<10000x128xbf16, #tpu.memory_space<hbm>>) target(%dma_start3A_68 : memref<80x128xbf16, #tpu.memory_space<vmem>>) offsets(%dma_start3A_71 : memref<80xi32, #tpu.memory_space<vmem>>) semaphore(%arg12 : memref<!tpu.dma_semaphore, #tpu.memory_space<semaphore_mem>>)
      } else {
      }
      %convert_element_type3A_43 = arith.extui %eq3A_33 : i1 to i32
      %cond3A_44 = arith.constant 0 : i32
      %cond3A_45 = arith.cmpi ne, %convert_element_type3A_43, %cond3A_44 : i32
      scf.if %cond3A_45 {
        %mul3A_51 = arith.constant 80 : i32
        %mul3A_52 = arith.muli %scan3A_31, %mul3A_51 : i32
        %add3A_53 = arith.addi %mul3A_2, %mul3A_52 : i32
        %dma_wait3A = arith.constant 0 : i32
        %dma_wait3A_54 = arith.constant 0 : i32
        %dma_wait3A_55 = arith.constant 0 : i32
        %dma_wait3A_56 = tpu.memref_slice %arg9[%dma_wait3A, %dma_wait3A_54, %dma_wait3A_55] : memref<2x80x128xbf16, #tpu.memory_space<vmem>> -> memref<1x80x128xbf16, #tpu.memory_space<vmem>>
        %dma_wait3A_57 = tpu.memref_squeeze %dma_wait3A_56 : memref<1x80x128xbf16, #tpu.memory_space<vmem>> -> memref<80x128xbf16, #tpu.memory_space<vmem>>
        %dma_wait3A_58 = arith.constant 0 : i32
        %dma_wait3A_59 = tpu.memref_slice %arg7[%scan3A_31, %dma_wait3A_58] : memref<125x80xi32, #tpu.memory_space<vmem>> -> memref<1x80xi32, #tpu.memory_space<vmem>>
        %dma_wait3A_60 = tpu.memref_squeeze %dma_wait3A_59 : memref<1x80xi32, #tpu.memory_space<vmem>> -> memref<80xi32, #tpu.memory_space<vmem>>
        %dma_wait3A_61 = arith.constant 0 : i32
        %dma_wait3A_62 = arith.constant 0 : i32
        %dma_wait3A_63 = tpu.memref_slice %arg2[%dma_wait3A_61, %dma_wait3A_62] : memref<10000x128xbf16, #tpu.memory_space<hbm>> -> memref<10000x128xbf16, #tpu.memory_space<hbm>>
        tpu.wait_indirect_dma semaphore(%arg11 : memref<!tpu.dma_semaphore, #tpu.memory_space<semaphore_mem>>) src(%dma_wait3A_63 : memref<10000x128xbf16, #tpu.memory_space<hbm>>) dst(%dma_wait3A_57 : memref<80x128xbf16, #tpu.memory_space<vmem>>)
        %run_scoped3A = arith.constant 0 : i32
        "tpu.region"() ({
          %run_scoped3A_76 = tpu.sem_alloc : memref<!tpu.dma_semaphore, #tpu.memory_space<semaphore_mem>>
          %dma_start3A_77 = arith.constant 0 : i32
          %dma_start3A_78 = arith.constant 0 : i32
          %dma_start3A_79 = tpu.memref_slice %arg9[%run_scoped3A, %dma_start3A_77, %dma_start3A_78] : memref<2x80x128xbf16, #tpu.memory_space<vmem>> -> memref<1x80x128xbf16, #tpu.memory_space<vmem>>
          %dma_start3A_80 = tpu.memref_squeeze %dma_start3A_79 : memref<1x80x128xbf16, #tpu.memory_space<vmem>> -> memref<80x128xbf16, #tpu.memory_space<vmem>>
          %dma_start3A_81 = arith.constant 0 : i32
          %dma_start3A_82 = tpu.memref_slice %arg5[%add3A_53, %dma_start3A_81] : memref<320000x128xbf16, #tpu.memory_space<hbm>> -> memref<80x128xbf16, #tpu.memory_space<hbm>>
          %dma_start3A_83 = arith.constant 0 : i32
          %dma_start3A_84 = tpu.memref_slice %arg5[%add3A_53, %dma_start3A_83] : memref<320000x128xbf16, #tpu.memory_space<hbm>> -> memref<80x128xbf16, #tpu.memory_space<hbm>>
          %dma_start3A_85 = arith.constant 0 : i32
          %dma_start3A_86 = arith.constant 0 : i32
          %dma_start3A_87 = tpu.memref_slice %arg9[%run_scoped3A, %dma_start3A_85, %dma_start3A_86] : memref<2x80x128xbf16, #tpu.memory_space<vmem>> -> memref<1x80x128xbf16, #tpu.memory_space<vmem>>
          %dma_start3A_88 = tpu.memref_squeeze %dma_start3A_87 : memref<1x80x128xbf16, #tpu.memory_space<vmem>> -> memref<80x128xbf16, #tpu.memory_space<vmem>>
          tpu.enqueue_dma source(%dma_start3A_88 : memref<80x128xbf16, #tpu.memory_space<vmem>>) target(%dma_start3A_84 : memref<80x128xbf16, #tpu.memory_space<hbm>>) target_semaphore(%run_scoped3A_76 : memref<!tpu.dma_semaphore, #tpu.memory_space<semaphore_mem>>)
          %dma_wait3A_89 = arith.constant 0 : i32
          %dma_wait3A_90 = arith.constant 0 : i32
          %dma_wait3A_91 = tpu.memref_slice %arg9[%run_scoped3A, %dma_wait3A_89, %dma_wait3A_90] : memref<2x80x128xbf16, #tpu.memory_space<vmem>> -> memref<1x80x128xbf16, #tpu.memory_space<vmem>>
          %dma_wait3A_92 = tpu.memref_squeeze %dma_wait3A_91 : memref<1x80x128xbf16, #tpu.memory_space<vmem>> -> memref<80x128xbf16, #tpu.memory_space<vmem>>
          %dma_wait3A_93 = arith.constant 0 : i32
          %dma_wait3A_94 = tpu.memref_slice %arg5[%add3A_53, %dma_wait3A_93] : memref<320000x128xbf16, #tpu.memory_space<hbm>> -> memref<80x128xbf16, #tpu.memory_space<hbm>>
          %dma_wait3A_95 = arith.constant 0 : i32
          %dma_wait3A_96 = tpu.memref_slice %arg5[%add3A_53, %dma_wait3A_95] : memref<320000x128xbf16, #tpu.memory_space<hbm>> -> memref<80x128xbf16, #tpu.memory_space<hbm>>
          %dma_wait3A_97 = arith.constant 0 : i32
          %dma_wait3A_98 = arith.constant 0 : i32
          %dma_wait3A_99 = tpu.memref_slice %arg9[%run_scoped3A, %dma_wait3A_97, %dma_wait3A_98] : memref<2x80x128xbf16, #tpu.memory_space<vmem>> -> memref<1x80x128xbf16, #tpu.memory_space<vmem>>
          %dma_wait3A_100 = tpu.memref_squeeze %dma_wait3A_99 : memref<1x80x128xbf16, #tpu.memory_space<vmem>> -> memref<80x128xbf16, #tpu.memory_space<vmem>>
          tpu.wait_dma2 semaphore(%run_scoped3A_76 : memref<!tpu.dma_semaphore, #tpu.memory_space<semaphore_mem>>) src(%dma_wait3A_100 : memref<80x128xbf16, #tpu.memory_space<vmem>>) dst(%dma_wait3A_96 : memref<80x128xbf16, #tpu.memory_space<hbm>>)
          tpu.yield
        }) : () -> ()
        %dma_wait3A_64 = arith.constant 0 : i32
        %dma_wait3A_65 = arith.constant 0 : i32
        %dma_wait3A_66 = arith.constant 0 : i32
        %dma_wait3A_67 = tpu.memref_slice %arg10[%dma_wait3A_64, %dma_wait3A_65, %dma_wait3A_66] : memref<2x80x128xbf16, #tpu.memory_space<vmem>> -> memref<1x80x128xbf16, #tpu.memory_space<vmem>>
        %dma_wait3A_68 = tpu.memref_squeeze %dma_wait3A_67 : memref<1x80x128xbf16, #tpu.memory_space<vmem>> -> memref<80x128xbf16, #tpu.memory_space<vmem>>
        %dma_wait3A_69 = arith.constant 0 : i32
        %dma_wait3A_70 = tpu.memref_slice %arg8[%scan3A_31, %dma_wait3A_69] : memref<125x80xi32, #tpu.memory_space<vmem>> -> memref<1x80xi32, #tpu.memory_space<vmem>>
        %dma_wait3A_71 = tpu.memref_squeeze %dma_wait3A_70 : memref<1x80xi32, #tpu.memory_space<vmem>> -> memref<80xi32, #tpu.memory_space<vmem>>
        %dma_wait3A_72 = arith.constant 0 : i32
        %dma_wait3A_73 = arith.constant 0 : i32
        %dma_wait3A_74 = tpu.memref_slice %arg2[%dma_wait3A_72, %dma_wait3A_73] : memref<10000x128xbf16, #tpu.memory_space<hbm>> -> memref<10000x128xbf16, #tpu.memory_space<hbm>>
        tpu.wait_indirect_dma semaphore(%arg12 : memref<!tpu.dma_semaphore, #tpu.memory_space<semaphore_mem>>) src(%dma_wait3A_74 : memref<10000x128xbf16, #tpu.memory_space<hbm>>) dst(%dma_wait3A_68 : memref<80x128xbf16, #tpu.memory_space<vmem>>)
        %run_scoped3A_75 = arith.constant 0 : i32
        "tpu.region"() ({
          %run_scoped3A_76 = tpu.sem_alloc : memref<!tpu.dma_semaphore, #tpu.memory_space<semaphore_mem>>
          %dma_start3A_77 = arith.constant 0 : i32
          %dma_start3A_78 = arith.constant 0 : i32
          %dma_start3A_79 = tpu.memref_slice %arg10[%run_scoped3A_75, %dma_start3A_77, %dma_start3A_78] : memref<2x80x128xbf16, #tpu.memory_space<vmem>> -> memref<1x80x128xbf16, #tpu.memory_space<vmem>>
          %dma_start3A_80 = tpu.memref_squeeze %dma_start3A_79 : memref<1x80x128xbf16, #tpu.memory_space<vmem>> -> memref<80x128xbf16, #tpu.memory_space<vmem>>
          %dma_start3A_81 = arith.constant 0 : i32
          %dma_start3A_82 = tpu.memref_slice %arg6[%add3A_53, %dma_start3A_81] : memref<320000x128xbf16, #tpu.memory_space<hbm>> -> memref<80x128xbf16, #tpu.memory_space<hbm>>
          %dma_start3A_83 = arith.constant 0 : i32
          %dma_start3A_84 = tpu.memref_slice %arg6[%add3A_53, %dma_start3A_83] : memref<320000x128xbf16, #tpu.memory_space<hbm>> -> memref<80x128xbf16, #tpu.memory_space<hbm>>
          %dma_start3A_85 = arith.constant 0 : i32
          %dma_start3A_86 = arith.constant 0 : i32
          %dma_start3A_87 = tpu.memref_slice %arg10[%run_scoped3A_75, %dma_start3A_85, %dma_start3A_86] : memref<2x80x128xbf16, #tpu.memory_space<vmem>> -> memref<1x80x128xbf16, #tpu.memory_space<vmem>>
          %dma_start3A_88 = tpu.memref_squeeze %dma_start3A_87 : memref<1x80x128xbf16, #tpu.memory_space<vmem>> -> memref<80x128xbf16, #tpu.memory_space<vmem>>
          tpu.enqueue_dma source(%dma_start3A_88 : memref<80x128xbf16, #tpu.memory_space<vmem>>) target(%dma_start3A_84 : memref<80x128xbf16, #tpu.memory_space<hbm>>) target_semaphore(%run_scoped3A_76 : memref<!tpu.dma_semaphore, #tpu.memory_space<semaphore_mem>>)
          %dma_wait3A_89 = arith.constant 0 : i32
          %dma_wait3A_90 = arith.constant 0 : i32
          %dma_wait3A_91 = tpu.memref_slice %arg10[%run_scoped3A_75, %dma_wait3A_89, %dma_wait3A_90] : memref<2x80x128xbf16, #tpu.memory_space<vmem>> -> memref<1x80x128xbf16, #tpu.memory_space<vmem>>
          %dma_wait3A_92 = tpu.memref_squeeze %dma_wait3A_91 : memref<1x80x128xbf16, #tpu.memory_space<vmem>> -> memref<80x128xbf16, #tpu.memory_space<vmem>>
          %dma_wait3A_93 = arith.constant 0 : i32
          %dma_wait3A_94 = tpu.memref_slice %arg6[%add3A_53, %dma_wait3A_93] : memref<320000x128xbf16, #tpu.memory_space<hbm>> -> memref<80x128xbf16, #tpu.memory_space<hbm>>
          %dma_wait3A_95 = arith.constant 0 : i32
          %dma_wait3A_96 = tpu.memref_slice %arg6[%add3A_53, %dma_wait3A_95] : memref<320000x128xbf16, #tpu.memory_space<hbm>> -> memref<80x128xbf16, #tpu.memory_space<hbm>>
          %dma_wait3A_97 = arith.constant 0 : i32
          %dma_wait3A_98 = arith.constant 0 : i32
          %dma_wait3A_99 = tpu.memref_slice %arg10[%run_scoped3A_75, %dma_wait3A_97, %dma_wait3A_98] : memref<2x80x128xbf16, #tpu.memory_space<vmem>> -> memref<1x80x128xbf16, #tpu.memory_space<vmem>>
          %dma_wait3A_100 = tpu.memref_squeeze %dma_wait3A_99 : memref<1x80x128xbf16, #tpu.memory_space<vmem>> -> memref<80x128xbf16, #tpu.memory_space<vmem>>
          tpu.wait_dma2 semaphore(%run_scoped3A_76 : memref<!tpu.dma_semaphore, #tpu.memory_space<semaphore_mem>>) src(%dma_wait3A_100 : memref<80x128xbf16, #tpu.memory_space<vmem>>) dst(%dma_wait3A_96 : memref<80x128xbf16, #tpu.memory_space<hbm>>)
          tpu.yield
        }) : () -> ()
      } else {
      }
      %not3A_46 = arith.constant true
      %not3A_47 = arith.xori %eq3A_33, %not3A_46 : i1
      %convert_element_type3A_48 = arith.extui %not3A_47 : i1 to i32
      %cond3A_49 = arith.constant 0 : i32
      %cond3A_50 = arith.cmpi ne, %convert_element_type3A_48, %cond3A_49 : i32
      scf.if %cond3A_50 {
        %mul3A_51 = arith.constant 80 : i32
        %mul3A_52 = arith.muli %scan3A_31, %mul3A_51 : i32
        %add3A_53 = arith.addi %mul3A_2, %mul3A_52 : i32
        %dma_wait3A = arith.constant 1 : i32
        %dma_wait3A_54 = arith.constant 0 : i32
        %dma_wait3A_55 = arith.constant 0 : i32
        %dma_wait3A_56 = tpu.memref_slice %arg9[%dma_wait3A, %dma_wait3A_54, %dma_wait3A_55] : memref<2x80x128xbf16, #tpu.memory_space<vmem>> -> memref<1x80x128xbf16, #tpu.memory_space<vmem>>
        %dma_wait3A_57 = tpu.memref_squeeze %dma_wait3A_56 : memref<1x80x128xbf16, #tpu.memory_space<vmem>> -> memref<80x128xbf16, #tpu.memory_space<vmem>>
        %dma_wait3A_58 = arith.constant 0 : i32
        %dma_wait3A_59 = tpu.memref_slice %arg7[%scan3A_31, %dma_wait3A_58] : memref<125x80xi32, #tpu.memory_space<vmem>> -> memref<1x80xi32, #tpu.memory_space<vmem>>
        %dma_wait3A_60 = tpu.memref_squeeze %dma_wait3A_59 : memref<1x80xi32, #tpu.memory_space<vmem>> -> memref<80xi32, #tpu.memory_space<vmem>>
        %dma_wait3A_61 = arith.constant 0 : i32
        %dma_wait3A_62 = arith.constant 0 : i32
        %dma_wait3A_63 = tpu.memref_slice %arg2[%dma_wait3A_61, %dma_wait3A_62] : memref<10000x128xbf16, #tpu.memory_space<hbm>> -> memref<10000x128xbf16, #tpu.memory_space<hbm>>
        tpu.wait_indirect_dma semaphore(%arg11 : memref<!tpu.dma_semaphore, #tpu.memory_space<semaphore_mem>>) src(%dma_wait3A_63 : memref<10000x128xbf16, #tpu.memory_space<hbm>>) dst(%dma_wait3A_57 : memref<80x128xbf16, #tpu.memory_space<vmem>>)
        %run_scoped3A = arith.constant 1 : i32
        "tpu.region"() ({
          %run_scoped3A_76 = tpu.sem_alloc : memref<!tpu.dma_semaphore, #tpu.memory_space<semaphore_mem>>
          %dma_start3A_77 = arith.constant 0 : i32
          %dma_start3A_78 = arith.constant 0 : i32
          %dma_start3A_79 = tpu.memref_slice %arg9[%run_scoped3A, %dma_start3A_77, %dma_start3A_78] : memref<2x80x128xbf16, #tpu.memory_space<vmem>> -> memref<1x80x128xbf16, #tpu.memory_space<vmem>>
          %dma_start3A_80 = tpu.memref_squeeze %dma_start3A_79 : memref<1x80x128xbf16, #tpu.memory_space<vmem>> -> memref<80x128xbf16, #tpu.memory_space<vmem>>
          %dma_start3A_81 = arith.constant 0 : i32
          %dma_start3A_82 = tpu.memref_slice %arg5[%add3A_53, %dma_start3A_81] : memref<320000x128xbf16, #tpu.memory_space<hbm>> -> memref<80x128xbf16, #tpu.memory_space<hbm>>
          %dma_start3A_83 = arith.constant 0 : i32
          %dma_start3A_84 = tpu.memref_slice %arg5[%add3A_53, %dma_start3A_83] : memref<320000x128xbf16, #tpu.memory_space<hbm>> -> memref<80x128xbf16, #tpu.memory_space<hbm>>
          %dma_start3A_85 = arith.constant 0 : i32
          %dma_start3A_86 = arith.constant 0 : i32
          %dma_start3A_87 = tpu.memref_slice %arg9[%run_scoped3A, %dma_start3A_85, %dma_start3A_86] : memref<2x80x128xbf16, #tpu.memory_space<vmem>> -> memref<1x80x128xbf16, #tpu.memory_space<vmem>>
          %dma_start3A_88 = tpu.memref_squeeze %dma_start3A_87 : memref<1x80x128xbf16, #tpu.memory_space<vmem>> -> memref<80x128xbf16, #tpu.memory_space<vmem>>
          tpu.enqueue_dma source(%dma_start3A_88 : memref<80x128xbf16, #tpu.memory_space<vmem>>) target(%dma_start3A_84 : memref<80x128xbf16, #tpu.memory_space<hbm>>) target_semaphore(%run_scoped3A_76 : memref<!tpu.dma_semaphore, #tpu.memory_space<semaphore_mem>>)
          %dma_wait3A_89 = arith.constant 0 : i32
          %dma_wait3A_90 = arith.constant 0 : i32
          %dma_wait3A_91 = tpu.memref_slice %arg9[%run_scoped3A, %dma_wait3A_89, %dma_wait3A_90] : memref<2x80x128xbf16, #tpu.memory_space<vmem>> -> memref<1x80x128xbf16, #tpu.memory_space<vmem>>
          %dma_wait3A_92 = tpu.memref_squeeze %dma_wait3A_91 : memref<1x80x128xbf16, #tpu.memory_space<vmem>> -> memref<80x128xbf16, #tpu.memory_space<vmem>>
          %dma_wait3A_93 = arith.constant 0 : i32
          %dma_wait3A_94 = tpu.memref_slice %arg5[%add3A_53, %dma_wait3A_93] : memref<320000x128xbf16, #tpu.memory_space<hbm>> -> memref<80x128xbf16, #tpu.memory_space<hbm>>
          %dma_wait3A_95 = arith.constant 0 : i32
          %dma_wait3A_96 = tpu.memref_slice %arg5[%add3A_53, %dma_wait3A_95] : memref<320000x128xbf16, #tpu.memory_space<hbm>> -> memref<80x128xbf16, #tpu.memory_space<hbm>>
          %dma_wait3A_97 = arith.constant 0 : i32
          %dma_wait3A_98 = arith.constant 0 : i32
          %dma_wait3A_99 = tpu.memref_slice %arg9[%run_scoped3A, %dma_wait3A_97, %dma_wait3A_98] : memref<2x80x128xbf16, #tpu.memory_space<vmem>> -> memref<1x80x128xbf16, #tpu.memory_space<vmem>>
          %dma_wait3A_100 = tpu.memref_squeeze %dma_wait3A_99 : memref<1x80x128xbf16, #tpu.memory_space<vmem>> -> memref<80x128xbf16, #tpu.memory_space<vmem>>
          tpu.wait_dma2 semaphore(%run_scoped3A_76 : memref<!tpu.dma_semaphore, #tpu.memory_space<semaphore_mem>>) src(%dma_wait3A_100 : memref<80x128xbf16, #tpu.memory_space<vmem>>) dst(%dma_wait3A_96 : memref<80x128xbf16, #tpu.memory_space<hbm>>)
          tpu.yield
        }) : () -> ()
        %dma_wait3A_64 = arith.constant 1 : i32
        %dma_wait3A_65 = arith.constant 0 : i32
        %dma_wait3A_66 = arith.constant 0 : i32
        %dma_wait3A_67 = tpu.memref_slice %arg10[%dma_wait3A_64, %dma_wait3A_65, %dma_wait3A_66] : memref<2x80x128xbf16, #tpu.memory_space<vmem>> -> memref<1x80x128xbf16, #tpu.memory_space<vmem>>
        %dma_wait3A_68 = tpu.memref_squeeze %dma_wait3A_67 : memref<1x80x128xbf16, #tpu.memory_space<vmem>> -> memref<80x128xbf16, #tpu.memory_space<vmem>>
        %dma_wait3A_69 = arith.constant 0 : i32
        %dma_wait3A_70 = tpu.memref_slice %arg8[%scan3A_31, %dma_wait3A_69] : memref<125x80xi32, #tpu.memory_space<vmem>> -> memref<1x80xi32, #tpu.memory_space<vmem>>
        %dma_wait3A_71 = tpu.memref_squeeze %dma_wait3A_70 : memref<1x80xi32, #tpu.memory_space<vmem>> -> memref<80xi32, #tpu.memory_space<vmem>>
        %dma_wait3A_72 = arith.constant 0 : i32
        %dma_wait3A_73 = arith.constant 0 : i32
        %dma_wait3A_74 = tpu.memref_slice %arg2[%dma_wait3A_72, %dma_wait3A_73] : memref<10000x128xbf16, #tpu.memory_space<hbm>> -> memref<10000x128xbf16, #tpu.memory_space<hbm>>
        tpu.wait_indirect_dma semaphore(%arg12 : memref<!tpu.dma_semaphore, #tpu.memory_space<semaphore_mem>>) src(%dma_wait3A_74 : memref<10000x128xbf16, #tpu.memory_space<hbm>>) dst(%dma_wait3A_68 : memref<80x128xbf16, #tpu.memory_space<vmem>>)
        %run_scoped3A_75 = arith.constant 1 : i32
        "tpu.region"() ({
          %run_scoped3A_76 = tpu.sem_alloc : memref<!tpu.dma_semaphore, #tpu.memory_space<semaphore_mem>>
          %dma_start3A_77 = arith.constant 0 : i32
          %dma_start3A_78 = arith.constant 0 : i32
          %dma_start3A_79 = tpu.memref_slice %arg10[%run_scoped3A_75, %dma_start3A_77, %dma_start3A_78] : memref<2x80x128xbf16, #tpu.memory_space<vmem>> -> memref<1x80x128xbf16, #tpu.memory_space<vmem>>
          %dma_start3A_80 = tpu.memref_squeeze %dma_start3A_79 : memref<1x80x128xbf16, #tpu.memory_space<vmem>> -> memref<80x128xbf16, #tpu.memory_space<vmem>>
          %dma_start3A_81 = arith.constant 0 : i32
          %dma_start3A_82 = tpu.memref_slice %arg6[%add3A_53, %dma_start3A_81] : memref<320000x128xbf16, #tpu.memory_space<hbm>> -> memref<80x128xbf16, #tpu.memory_space<hbm>>
          %dma_start3A_83 = arith.constant 0 : i32
          %dma_start3A_84 = tpu.memref_slice %arg6[%add3A_53, %dma_start3A_83] : memref<320000x128xbf16, #tpu.memory_space<hbm>> -> memref<80x128xbf16, #tpu.memory_space<hbm>>
          %dma_start3A_85 = arith.constant 0 : i32
          %dma_start3A_86 = arith.constant 0 : i32
          %dma_start3A_87 = tpu.memref_slice %arg10[%run_scoped3A_75, %dma_start3A_85, %dma_start3A_86] : memref<2x80x128xbf16, #tpu.memory_space<vmem>> -> memref<1x80x128xbf16, #tpu.memory_space<vmem>>
          %dma_start3A_88 = tpu.memref_squeeze %dma_start3A_87 : memref<1x80x128xbf16, #tpu.memory_space<vmem>> -> memref<80x128xbf16, #tpu.memory_space<vmem>>
          tpu.enqueue_dma source(%dma_start3A_88 : memref<80x128xbf16, #tpu.memory_space<vmem>>) target(%dma_start3A_84 : memref<80x128xbf16, #tpu.memory_space<hbm>>) target_semaphore(%run_scoped3A_76 : memref<!tpu.dma_semaphore, #tpu.memory_space<semaphore_mem>>)
          %dma_wait3A_89 = arith.constant 0 : i32
          %dma_wait3A_90 = arith.constant 0 : i32
          %dma_wait3A_91 = tpu.memref_slice %arg10[%run_scoped3A_75, %dma_wait3A_89, %dma_wait3A_90] : memref<2x80x128xbf16, #tpu.memory_space<vmem>> -> memref<1x80x128xbf16, #tpu.memory_space<vmem>>
          %dma_wait3A_92 = tpu.memref_squeeze %dma_wait3A_91 : memref<1x80x128xbf16, #tpu.memory_space<vmem>> -> memref<80x128xbf16, #tpu.memory_space<vmem>>
          %dma_wait3A_93 = arith.constant 0 : i32
          %dma_wait3A_94 = tpu.memref_slice %arg6[%add3A_53, %dma_wait3A_93] : memref<320000x128xbf16, #tpu.memory_space<hbm>> -> memref<80x128xbf16, #tpu.memory_space<hbm>>
          %dma_wait3A_95 = arith.constant 0 : i32
          %dma_wait3A_96 = tpu.memref_slice %arg6[%add3A_53, %dma_wait3A_95] : memref<320000x128xbf16, #tpu.memory_space<hbm>> -> memref<80x128xbf16, #tpu.memory_space<hbm>>
          %dma_wait3A_97 = arith.constant 0 : i32
          %dma_wait3A_98 = arith.constant 0 : i32
          %dma_wait3A_99 = tpu.memref_slice %arg10[%run_scoped3A_75, %dma_wait3A_97, %dma_wait3A_98] : memref<2x80x128xbf16, #tpu.memory_space<vmem>> -> memref<1x80x128xbf16, #tpu.memory_space<vmem>>
          %dma_wait3A_100 = tpu.memref_squeeze %dma_wait3A_99 : memref<1x80x128xbf16, #tpu.memory_space<vmem>> -> memref<80x128xbf16, #tpu.memory_space<vmem>>
          tpu.wait_dma2 semaphore(%run_scoped3A_76 : memref<!tpu.dma_semaphore, #tpu.memory_space<semaphore_mem>>) src(%dma_wait3A_100 : memref<80x128xbf16, #tpu.memory_space<vmem>>) dst(%dma_wait3A_96 : memref<80x128xbf16, #tpu.memory_space<hbm>>)
          tpu.yield
        }) : () -> ()
      } else {
      }
    }
    %scan3A_30 = arith.constant 125 : i32
    return
  }
}

module attributes {stable_mosaic.version = 14 : i64} {
  func.func @body(%arg0: i32, %arg1: memref<8000x128xbf16, #tpu.memory_space<vmem>>, %arg2: memref<8000x128xbf16, #tpu.memory_space<vmem>>, %arg3: memref<8000x16xbf16, #tpu.memory_space<vmem>>, %arg4: memref<128x128xbf16, #tpu.memory_space<vmem>>, %arg5: memref<16x128xbf16, #tpu.memory_space<vmem>>, %arg6: memref<272x16xbf16, #tpu.memory_space<vmem>>, %arg7: memref<1x128xf32, #tpu.memory_space<vmem>>, %arg8: memref<1x128xf32, #tpu.memory_space<vmem>>, %arg9: memref<1x16xf32, #tpu.memory_space<vmem>>, %arg10: memref<1x1xf32, #tpu.memory_space<vmem>>, %arg11: memref<8000x128xf32, #tpu.memory_space<vmem>>, %arg12: memref<8000x16xbf16, #tpu.memory_space<vmem>>) attributes {dimension_semantics = [#tpu.dimension_semantics<arbitrary>], iteration_bounds = array<i64: 40>, scalar_prefetch = 0 : i64, scratch_operands = 0 : i64, tpu.core_type = #tpu.core_type<tc>, window_params = [{transform_indices = @transform_0, window_bounds = array<i64: 8000, 128>}, {transform_indices = @transform_1, window_bounds = array<i64: 8000, 128>}, {transform_indices = @transform_2, window_bounds = array<i64: 8000, 16>}, {pipeline_mode = #tpu.pipeline_mode<synchronous>, transform_indices = @transform_3, window_bounds = array<i64: 128, 128>}, {pipeline_mode = #tpu.pipeline_mode<synchronous>, transform_indices = @transform_4, window_bounds = array<i64: 16, 128>}, {pipeline_mode = #tpu.pipeline_mode<synchronous>, transform_indices = @transform_5, window_bounds = array<i64: 272, 16>}, {pipeline_mode = #tpu.pipeline_mode<synchronous>, transform_indices = @transform_6, window_bounds = array<i64: 1, 128>}, {pipeline_mode = #tpu.pipeline_mode<synchronous>, transform_indices = @transform_7, window_bounds = array<i64: 1, 128>}, {pipeline_mode = #tpu.pipeline_mode<synchronous>, transform_indices = @transform_8, window_bounds = array<i64: 1, 16>}, {pipeline_mode = #tpu.pipeline_mode<synchronous>, transform_indices = @transform_9, window_bounds = array<i64: 1, 1>}, {transform_indices = @transform_10, window_bounds = array<i64: 8000, 128>}, {transform_indices = @transform_11, window_bounds = array<i64: 8000, 16>}]} {
    %get3A = arith.constant 0 : index
    %get3A_0 = arith.constant 0 : index
    %get3A_1 = vector.load %arg1[%get3A, %get3A_0] : memref<8000x128xbf16, #tpu.memory_space<vmem>>, vector<8000x128xbf16>
    %get3A_2 = arith.constant 0 : index
    %get3A_3 = arith.constant 0 : index
    %get3A_4 = vector.load %arg3[%get3A_2, %get3A_3] : memref<8000x16xbf16, #tpu.memory_space<vmem>>, vector<8000x16xbf16>
    %get3A_5 = arith.constant 0 : index
    %get3A_6 = arith.constant 0 : index
    %get3A_7 = vector.load %arg4[%get3A_5, %get3A_6] : memref<128x128xbf16, #tpu.memory_space<vmem>>, vector<128x128xbf16>
    %dot_general3A = arith.constant dense<0.000000e+00> : vector<8000x128xf32>
    %dot_general3A_8 = tpu.matmul %get3A_1, %get3A_7, %dot_general3A {dimension_numbers = #tpu.dot_dimension_numbers<[1], [0], [0], [1], [0, 0, 1, 1], [], []>, transpose_lhs_hint = false} : vector<8000x128xbf16>, vector<128x128xbf16>, vector<8000x128xf32> -> vector<8000x128xf32>
    %get3A_9 = arith.constant 0 : index
    %get3A_10 = arith.constant 0 : index
    %get3A_11 = vector.load %arg7[%get3A_9, %get3A_10] : memref<1x128xf32, #tpu.memory_space<vmem>>, vector<1x128xf32>
    %add3A = vector.broadcast %get3A_11 : vector<1x128xf32> to vector<8000x128xf32>
    %add3A_12 = arith.addf %dot_general3A_8, %add3A : vector<8000x128xf32>
    %get3A_13 = arith.constant 0 : index
    %get3A_14 = arith.constant 0 : index
    %get3A_15 = vector.load %arg5[%get3A_13, %get3A_14] : memref<16x128xbf16, #tpu.memory_space<vmem>>, vector<16x128xbf16>
    %dot_general3A_16 = arith.constant dense<0.000000e+00> : vector<8000x128xf32>
    %dot_general3A_17 = tpu.matmul %get3A_4, %get3A_15, %dot_general3A_16 {dimension_numbers = #tpu.dot_dimension_numbers<[1], [0], [0], [1], [0, 0, 1, 1], [], []>, transpose_lhs_hint = false} : vector<8000x16xbf16>, vector<16x128xbf16>, vector<8000x128xf32> -> vector<8000x128xf32>
    %add3A_18 = arith.addf %add3A_12, %dot_general3A_17 : vector<8000x128xf32>
    %get3A_19 = arith.constant 0 : index
    %get3A_20 = arith.constant 0 : index
    %get3A_21 = vector.load %arg8[%get3A_19, %get3A_20] : memref<1x128xf32, #tpu.memory_space<vmem>>, vector<1x128xf32>
    %add3A_22 = vector.broadcast %get3A_21 : vector<1x128xf32> to vector<8000x128xf32>
    %add3A_23 = arith.addf %add3A_18, %add3A_22 : vector<8000x128xf32>
    %swap3A = arith.constant 0 : index
    %swap3A_24 = arith.constant 0 : index
    %swap3A_25 = vector.load %arg11[%swap3A, %swap3A_24] : memref<8000x128xf32, #tpu.memory_space<vmem>>, vector<8000x128xf32>
    tpu.vector_store %arg11[%swap3A, %swap3A_24], %add3A_23 {strides = array<i32>} : memref<8000x128xf32, #tpu.memory_space<vmem>>, vector<8000x128xf32>,
    %get3A_26 = arith.constant 0 : index
    %get3A_27 = arith.constant 0 : index
    %get3A_28 = vector.load %arg2[%get3A_26, %get3A_27] : memref<8000x128xbf16, #tpu.memory_space<vmem>>, vector<8000x128xbf16>
    %concatenate3A = tpu.concatenate %get3A_1, %get3A_28, %get3A_4 in 1 : vector<8000x128xbf16>, vector<8000x128xbf16>, vector<8000x16xbf16> -> vector<8000x272xbf16>
    %get3A_29 = arith.constant 0 : index
    %get3A_30 = arith.constant 0 : index
    %get3A_31 = vector.load %arg6[%get3A_29, %get3A_30] : memref<272x16xbf16, #tpu.memory_space<vmem>>, vector<272x16xbf16>
    %dot_general3A_32 = arith.constant dense<0.000000e+00> : vector<8000x16xf32>
    %dot_general3A_33 = tpu.matmul %concatenate3A, %get3A_31, %dot_general3A_32 {dimension_numbers = #tpu.dot_dimension_numbers<[1], [0], [0], [1], [0, 0, 1, 1], [], []>, transpose_lhs_hint = false} : vector<8000x272xbf16>, vector<272x16xbf16>, vector<8000x16xf32> -> vector<8000x16xf32>
    %get3A_34 = arith.constant 0 : index
    %get3A_35 = arith.constant 0 : index
    %get3A_36 = vector.load %arg9[%get3A_34, %get3A_35] : memref<1x16xf32, #tpu.memory_space<vmem>>, vector<1x16xf32>
    %add3A_37 = vector.broadcast %get3A_36 : vector<1x16xf32> to vector<8000x16xf32>
    %add3A_38 = arith.addf %dot_general3A_33, %add3A_37 : vector<8000x16xf32>
    %get3A_39 = arith.constant 0 : index
    %get3A_40 = arith.constant 0 : index
    %get3A_41 = vector.load %arg10[%get3A_39, %get3A_40] : memref<1x1xf32, #tpu.memory_space<vmem>>, vector<1x1xf32>
    %add3A_42 = vector.broadcast %get3A_41 : vector<1x1xf32> to vector<8000x16xf32>
    %add3A_43 = arith.addf %add3A_38, %add3A_42 : vector<8000x16xf32>
    %max3A = arith.constant 0.000000e+00 : f32
    %max3A_44 = vector.broadcast %max3A : f32 to vector<8000x16xf32>
    %max3A_45 = arith.maximumf %add3A_43, %max3A_44 : vector<8000x16xf32>
    %convert_element_type3A = arith.truncf %max3A_45 : vector<8000x16xf32> to vector<8000x16xbf16>
    %swap3A_46 = arith.constant 0 : index
    %swap3A_47 = arith.constant 0 : index
    %swap3A_48 = vector.load %arg12[%swap3A_46, %swap3A_47] : memref<8000x16xbf16, #tpu.memory_space<vmem>>, vector<8000x16xbf16>
    tpu.vector_store %arg12[%swap3A_46, %swap3A_47], %convert_element_type3A {strides = array<i32>} : memref<8000x16xbf16, #tpu.memory_space<vmem>>, vector<8000x16xbf16>,
    return
  }
  func.func @transform_0(%arg0: i32) -> (i32, i32) {
    %c0_i32 = arith.constant 0 : i32
    %c0_i32_0 = arith.constant 0 : i32
    return %arg0, %c0_i32 : i32, i32
  }
  func.func @transform_1(%arg0: i32) -> (i32, i32) {
    %c0_i32 = arith.constant 0 : i32
    %c0_i32_0 = arith.constant 0 : i32
    return %arg0, %c0_i32 : i32, i32
  }
  func.func @transform_2(%arg0: i32) -> (i32, i32) {
    %c0_i32 = arith.constant 0 : i32
    %c0_i32_0 = arith.constant 0 : i32
    return %arg0, %c0_i32 : i32, i32
  }
  func.func @transform_3(%arg0: i32) -> (i32, i32) {
    %c0_i32 = arith.constant 0 : i32
    %c0_i32_0 = arith.constant 0 : i32
    %c0_i32_1 = arith.constant 0 : i32
    return %c0_i32, %c0_i32_0 : i32, i32
  }
  func.func @transform_4(%arg0: i32) -> (i32, i32) {
    %c0_i32 = arith.constant 0 : i32
    %c0_i32_0 = arith.constant 0 : i32
    %c0_i32_1 = arith.constant 0 : i32
    return %c0_i32, %c0_i32_0 : i32, i32
  }
  func.func @transform_5(%arg0: i32) -> (i32, i32) {
    %c0_i32 = arith.constant 0 : i32
    %c0_i32_0 = arith.constant 0 : i32
    %c0_i32_1 = arith.constant 0 : i32
    return %c0_i32, %c0_i32_0 : i32, i32
  }
  func.func @transform_6(%arg0: i32) -> (i32, i32) {
    %c0_i32 = arith.constant 0 : i32
    %c0_i32_0 = arith.constant 0 : i32
    %c0_i32_1 = arith.constant 0 : i32
    return %c0_i32, %c0_i32_0 : i32, i32
  }
  func.func @transform_7(%arg0: i32) -> (i32, i32) {
    %c0_i32 = arith.constant 0 : i32
    %c0_i32_0 = arith.constant 0 : i32
    %c0_i32_1 = arith.constant 0 : i32
    return %c0_i32, %c0_i32_0 : i32, i32
  }
  func.func @transform_8(%arg0: i32) -> (i32, i32) {
    %c0_i32 = arith.constant 0 : i32
    %c0_i32_0 = arith.constant 0 : i32
    %c0_i32_1 = arith.constant 0 : i32
    return %c0_i32, %c0_i32_0 : i32, i32
  }
  func.func @transform_9(%arg0: i32) -> (i32, i32) {
    %c0_i32 = arith.constant 0 : i32
    %c0_i32_0 = arith.constant 0 : i32
    %c0_i32_1 = arith.constant 0 : i32
    return %c0_i32, %c0_i32_0 : i32, i32
  }
  func.func @transform_10(%arg0: i32) -> (i32, i32) {
    %c0_i32 = arith.constant 0 : i32
    %c0_i32_0 = arith.constant 0 : i32
    return %arg0, %c0_i32 : i32, i32
  }
  func.func @transform_11(%arg0: i32) -> (i32, i32) {
    %c0_i32 = arith.constant 0 : i32
    %c0_i32_0 = arith.constant 0 : i32
    return %arg0, %c0_i32 : i32, i32
  }
}

module attributes {stable_mosaic.version = 14 : i64} {
  func.func @body(%arg0: i32, %arg1: memref<2x1000x128xf32, #tpu.memory_space<vmem>>, %arg2: memref<1000x128xbf16, #tpu.memory_space<vmem>>, %arg3: memref<128x128xbf16, #tpu.memory_space<vmem>>, %arg4: memref<1x128xf32, #tpu.memory_space<vmem>>, %arg5: memref<1x1xf32, #tpu.memory_space<vmem>>, %arg6: memref<1000x128xbf16, #tpu.memory_space<vmem>>) attributes {dimension_semantics = [#tpu.dimension_semantics<arbitrary>], iteration_bounds = array<i64: 10>, scalar_prefetch = 0 : i64, scratch_operands = 0 : i64, tpu.core_type = #tpu.core_type<tc>, window_params = [{transform_indices = @transform_0, window_bounds = array<i64: 2, 1000, 128>}, {transform_indices = @transform_1, window_bounds = array<i64: 1000, 128>}, {pipeline_mode = #tpu.pipeline_mode<synchronous>, transform_indices = @transform_2, window_bounds = array<i64: 128, 128>}, {pipeline_mode = #tpu.pipeline_mode<synchronous>, transform_indices = @transform_3, window_bounds = array<i64: 1, 128>}, {pipeline_mode = #tpu.pipeline_mode<synchronous>, transform_indices = @transform_4, window_bounds = array<i64: 1, 1>}, {transform_indices = @transform_5, window_bounds = array<i64: 1000, 128>}]} {
    %get3A = arith.constant 0 : index
    %get3A_0 = arith.constant 0 : index
    %get3A_1 = arith.constant 0 : index
    %get3A_2 = vector.load %arg1[%get3A, %get3A_0, %get3A_1] : memref<2x1000x128xf32, #tpu.memory_space<vmem>>, vector<1x1000x128xf32>
    %get3A_3 = vector.shape_cast %get3A_2 : vector<1x1000x128xf32> to vector<1000x128xf32>
    %get3A_4 = arith.constant 1 : index
    %get3A_5 = arith.constant 0 : index
    %get3A_6 = arith.constant 0 : index
    %get3A_7 = vector.load %arg1[%get3A_4, %get3A_5, %get3A_6] : memref<2x1000x128xf32, #tpu.memory_space<vmem>>, vector<1x1000x128xf32>
    %get3A_8 = vector.shape_cast %get3A_7 : vector<1x1000x128xf32> to vector<1000x128xf32>
    %add3A = arith.addf %get3A_3, %get3A_8 : vector<1000x128xf32>
    %get3A_9 = arith.constant 0 : index
    %get3A_10 = arith.constant 0 : index
    %get3A_11 = vector.load %arg2[%get3A_9, %get3A_10] : memref<1000x128xbf16, #tpu.memory_space<vmem>>, vector<1000x128xbf16>
    %get3A_12 = arith.constant 0 : index
    %get3A_13 = arith.constant 0 : index
    %get3A_14 = vector.load %arg3[%get3A_12, %get3A_13] : memref<128x128xbf16, #tpu.memory_space<vmem>>, vector<128x128xbf16>
    %dot_general3A = arith.constant dense<0.000000e+00> : vector<1000x128xf32>
    %dot_general3A_15 = tpu.matmul %get3A_11, %get3A_14, %dot_general3A {dimension_numbers = #tpu.dot_dimension_numbers<[1], [0], [0], [1], [0, 0, 1, 1], [], []>, transpose_lhs_hint = false} : vector<1000x128xbf16>, vector<128x128xbf16>, vector<1000x128xf32> -> vector<1000x128xf32>
    %get3A_16 = arith.constant 0 : index
    %get3A_17 = arith.constant 0 : index
    %get3A_18 = vector.load %arg4[%get3A_16, %get3A_17] : memref<1x128xf32, #tpu.memory_space<vmem>>, vector<1x128xf32>
    %add3A_19 = vector.broadcast %get3A_18 : vector<1x128xf32> to vector<1000x128xf32>
    %add3A_20 = arith.addf %dot_general3A_15, %add3A_19 : vector<1000x128xf32>
    %add3A_21 = arith.addf %add3A, %add3A_20 : vector<1000x128xf32>
    %get3A_22 = arith.constant 0 : index
    %get3A_23 = arith.constant 0 : index
    %get3A_24 = vector.load %arg5[%get3A_22, %get3A_23] : memref<1x1xf32, #tpu.memory_space<vmem>>, vector<1x1xf32>
    %add3A_25 = vector.broadcast %get3A_24 : vector<1x1xf32> to vector<1000x128xf32>
    %add3A_26 = arith.addf %add3A_21, %add3A_25 : vector<1000x128xf32>
    %max3A = arith.constant 0.000000e+00 : f32
    %max3A_27 = vector.broadcast %max3A : f32 to vector<1000x128xf32>
    %max3A_28 = arith.maximumf %add3A_26, %max3A_27 : vector<1000x128xf32>
    %convert_element_type3A = arith.truncf %max3A_28 : vector<1000x128xf32> to vector<1000x128xbf16>
    %swap3A = arith.constant 0 : index
    %swap3A_29 = arith.constant 0 : index
    %swap3A_30 = vector.load %arg6[%swap3A, %swap3A_29] : memref<1000x128xbf16, #tpu.memory_space<vmem>>, vector<1000x128xbf16>
    tpu.vector_store %arg6[%swap3A, %swap3A_29], %convert_element_type3A {strides = array<i32>} : memref<1000x128xbf16, #tpu.memory_space<vmem>>, vector<1000x128xbf16>,
    return
  }
  func.func @transform_0(%arg0: i32) -> (i32, i32, i32) {
    %c0_i32 = arith.constant 0 : i32
    %c0_i32_0 = arith.constant 0 : i32
    %c0_i32_1 = arith.constant 0 : i32
    return %c0_i32, %arg0, %c0_i32_0 : i32, i32, i32
  }
  func.func @transform_1(%arg0: i32) -> (i32, i32) {
    %c0_i32 = arith.constant 0 : i32
    %c0_i32_0 = arith.constant 0 : i32
    return %arg0, %c0_i32 : i32, i32
  }
  func.func @transform_2(%arg0: i32) -> (i32, i32) {
    %c0_i32 = arith.constant 0 : i32
    %c0_i32_0 = arith.constant 0 : i32
    %c0_i32_1 = arith.constant 0 : i32
    return %c0_i32, %c0_i32_0 : i32, i32
  }
  func.func @transform_3(%arg0: i32) -> (i32, i32) {
    %c0_i32 = arith.constant 0 : i32
    %c0_i32_0 = arith.constant 0 : i32
    %c0_i32_1 = arith.constant 0 : i32
    return %c0_i32, %c0_i32_0 : i32, i32
  }
  func.func @transform_4(%arg0: i32) -> (i32, i32) {
    %c0_i32 = arith.constant 0 : i32
    %c0_i32_0 = arith.constant 0 : i32
    %c0_i32_1 = arith.constant 0 : i32
    return %c0_i32, %c0_i32_0 : i32, i32
  }
  func.func @transform_5(%arg0: i32) -> (i32, i32) {
    %c0_i32 = arith.constant 0 : i32
    %c0_i32_0 = arith.constant 0 : i32
    return %arg0, %c0_i32 : i32, i32
  }
}

module attributes {stable_mosaic.version = 14 : i64} {
  func.func @body(%arg0: i32, %arg1: memref<8000x128xbf16, #tpu.memory_space<vmem>>, %arg2: memref<8000x128xbf16, #tpu.memory_space<vmem>>, %arg3: memref<8000x16xbf16, #tpu.memory_space<vmem>>, %arg4: memref<272x64xbf16, #tpu.memory_space<vmem>>, %arg5: memref<1x64xf32, #tpu.memory_space<vmem>>, %arg6: memref<64x64xbf16, #tpu.memory_space<vmem>>, %arg7: memref<1x64xf32, #tpu.memory_space<vmem>>, %arg8: memref<64x1xbf16, #tpu.memory_space<vmem>>, %arg9: memref<1x1xf32, #tpu.memory_space<vmem>>, %arg10: memref<8000x1xf32, #tpu.memory_space<vmem>>) attributes {dimension_semantics = [#tpu.dimension_semantics<arbitrary>], iteration_bounds = array<i64: 40>, scalar_prefetch = 0 : i64, scratch_operands = 0 : i64, tpu.core_type = #tpu.core_type<tc>, window_params = [{transform_indices = @transform_0, window_bounds = array<i64: 8000, 128>}, {transform_indices = @transform_1, window_bounds = array<i64: 8000, 128>}, {transform_indices = @transform_2, window_bounds = array<i64: 8000, 16>}, {pipeline_mode = #tpu.pipeline_mode<synchronous>, transform_indices = @transform_3, window_bounds = array<i64: 272, 64>}, {pipeline_mode = #tpu.pipeline_mode<synchronous>, transform_indices = @transform_4, window_bounds = array<i64: 1, 64>}, {pipeline_mode = #tpu.pipeline_mode<synchronous>, transform_indices = @transform_5, window_bounds = array<i64: 64, 64>}, {pipeline_mode = #tpu.pipeline_mode<synchronous>, transform_indices = @transform_6, window_bounds = array<i64: 1, 64>}, {pipeline_mode = #tpu.pipeline_mode<synchronous>, transform_indices = @transform_7, window_bounds = array<i64: 64, 1>}, {pipeline_mode = #tpu.pipeline_mode<synchronous>, transform_indices = @transform_8, window_bounds = array<i64: 1, 1>}, {transform_indices = @transform_9, window_bounds = array<i64: 8000, 1>}]} {
    %get3A = arith.constant 0 : index
    %get3A_0 = arith.constant 0 : index
    %get3A_1 = vector.load %arg1[%get3A, %get3A_0] : memref<8000x128xbf16, #tpu.memory_space<vmem>>, vector<8000x128xbf16>
    %get3A_2 = arith.constant 0 : index
    %get3A_3 = arith.constant 0 : index
    %get3A_4 = vector.load %arg2[%get3A_2, %get3A_3] : memref<8000x128xbf16, #tpu.memory_space<vmem>>, vector<8000x128xbf16>
    %get3A_5 = arith.constant 0 : index
    %get3A_6 = arith.constant 0 : index
    %get3A_7 = vector.load %arg3[%get3A_5, %get3A_6] : memref<8000x16xbf16, #tpu.memory_space<vmem>>, vector<8000x16xbf16>
    %concatenate3A = tpu.concatenate %get3A_1, %get3A_4, %get3A_7 in 1 : vector<8000x128xbf16>, vector<8000x128xbf16>, vector<8000x16xbf16> -> vector<8000x272xbf16>
    %get3A_8 = arith.constant 0 : index
    %get3A_9 = arith.constant 0 : index
    %get3A_10 = vector.load %arg4[%get3A_8, %get3A_9] : memref<272x64xbf16, #tpu.memory_space<vmem>>, vector<272x64xbf16>
    %dot_general3A = arith.constant dense<0.000000e+00> : vector<8000x64xf32>
    %dot_general3A_11 = tpu.matmul %concatenate3A, %get3A_10, %dot_general3A {dimension_numbers = #tpu.dot_dimension_numbers<[1], [0], [0], [1], [0, 0, 1, 1], [], []>, transpose_lhs_hint = false} : vector<8000x272xbf16>, vector<272x64xbf16>, vector<8000x64xf32> -> vector<8000x64xf32>
    %get3A_12 = arith.constant 0 : index
    %get3A_13 = arith.constant 0 : index
    %get3A_14 = vector.load %arg5[%get3A_12, %get3A_13] : memref<1x64xf32, #tpu.memory_space<vmem>>, vector<1x64xf32>
    %add3A = vector.broadcast %get3A_14 : vector<1x64xf32> to vector<8000x64xf32>
    %add3A_15 = arith.addf %dot_general3A_11, %add3A : vector<8000x64xf32>
    %max3A = arith.constant 0.000000e+00 : f32
    %max3A_16 = vector.broadcast %max3A : f32 to vector<8000x64xf32>
    %max3A_17 = arith.maximumf %add3A_15, %max3A_16 : vector<8000x64xf32>
    %convert_element_type3A = arith.truncf %max3A_17 : vector<8000x64xf32> to vector<8000x64xbf16>
    %get3A_18 = arith.constant 0 : index
    %get3A_19 = arith.constant 0 : index
    %get3A_20 = vector.load %arg6[%get3A_18, %get3A_19] : memref<64x64xbf16, #tpu.memory_space<vmem>>, vector<64x64xbf16>
    %dot_general3A_21 = arith.constant dense<0.000000e+00> : vector<8000x64xf32>
    %dot_general3A_22 = tpu.matmul %convert_element_type3A, %get3A_20, %dot_general3A_21 {dimension_numbers = #tpu.dot_dimension_numbers<[1], [0], [0], [1], [0, 0, 1, 1], [], []>, transpose_lhs_hint = false} : vector<8000x64xbf16>, vector<64x64xbf16>, vector<8000x64xf32> -> vector<8000x64xf32>
    %get3A_23 = arith.constant 0 : index
    %get3A_24 = arith.constant 0 : index
    %get3A_25 = vector.load %arg7[%get3A_23, %get3A_24] : memref<1x64xf32, #tpu.memory_space<vmem>>, vector<1x64xf32>
    %add3A_26 = vector.broadcast %get3A_25 : vector<1x64xf32> to vector<8000x64xf32>
    %add3A_27 = arith.addf %dot_general3A_22, %add3A_26 : vector<8000x64xf32>
    %max3A_28 = arith.constant 0.000000e+00 : f32
    %max3A_29 = vector.broadcast %max3A_28 : f32 to vector<8000x64xf32>
    %max3A_30 = arith.maximumf %add3A_27, %max3A_29 : vector<8000x64xf32>
    %convert_element_type3A_31 = arith.truncf %max3A_30 : vector<8000x64xf32> to vector<8000x64xbf16>
    %get3A_32 = arith.constant 0 : index
    %get3A_33 = arith.constant 0 : index
    %get3A_34 = vector.load %arg8[%get3A_32, %get3A_33] : memref<64x1xbf16, #tpu.memory_space<vmem>>, vector<64x1xbf16>
    %dot_general3A_35 = arith.constant dense<0.000000e+00> : vector<8000x1xf32>
    %dot_general3A_36 = tpu.matmul %convert_element_type3A_31, %get3A_34, %dot_general3A_35 {dimension_numbers = #tpu.dot_dimension_numbers<[1], [0], [0], [1], [0, 0, 1, 1], [], []>, transpose_lhs_hint = false} : vector<8000x64xbf16>, vector<64x1xbf16>, vector<8000x1xf32> -> vector<8000x1xf32>
    %get3A_37 = arith.constant 0 : index
    %get3A_38 = arith.constant 0 : index
    %get3A_39 = vector.load %arg9[%get3A_37, %get3A_38] : memref<1x1xf32, #tpu.memory_space<vmem>>, vector<1x1xf32>
    %add3A_40 = vector.broadcast %get3A_39 : vector<1x1xf32> to vector<8000x1xf32>
    %add3A_41 = arith.addf %dot_general3A_36, %add3A_40 : vector<8000x1xf32>
    %logistic3A = arith.negf %add3A_41 : vector<8000x1xf32>
    %logistic3A_42 = math.exp %logistic3A : vector<8000x1xf32>
    %logistic3A_43 = arith.constant 1.000000e+00 : f32
    %logistic3A_44 = vector.broadcast %logistic3A_43 : f32 to vector<8000x1xf32>
    %logistic3A_45 = arith.addf %logistic3A_44, %logistic3A_42 : vector<8000x1xf32>
    %logistic3A_46 = arith.divf %logistic3A_44, %logistic3A_45 : vector<8000x1xf32>
    %swap3A = arith.constant 0 : index
    %swap3A_47 = arith.constant 0 : index
    %swap3A_48 = vector.load %arg10[%swap3A, %swap3A_47] : memref<8000x1xf32, #tpu.memory_space<vmem>>, vector<8000x1xf32>
    tpu.vector_store %arg10[%swap3A, %swap3A_47], %logistic3A_46 {strides = array<i32>} : memref<8000x1xf32, #tpu.memory_space<vmem>>, vector<8000x1xf32>,
    return
  }
  func.func @transform_0(%arg0: i32) -> (i32, i32) {
    %c0_i32 = arith.constant 0 : i32
    %c0_i32_0 = arith.constant 0 : i32
    return %arg0, %c0_i32 : i32, i32
  }
  func.func @transform_1(%arg0: i32) -> (i32, i32) {
    %c0_i32 = arith.constant 0 : i32
    %c0_i32_0 = arith.constant 0 : i32
    return %arg0, %c0_i32 : i32, i32
  }
  func.func @transform_2(%arg0: i32) -> (i32, i32) {
    %c0_i32 = arith.constant 0 : i32
    %c0_i32_0 = arith.constant 0 : i32
    return %arg0, %c0_i32 : i32, i32
  }
  func.func @transform_3(%arg0: i32) -> (i32, i32) {
    %c0_i32 = arith.constant 0 : i32
    %c0_i32_0 = arith.constant 0 : i32
    %c0_i32_1 = arith.constant 0 : i32
    return %c0_i32, %c0_i32_0 : i32, i32
  }
  func.func @transform_4(%arg0: i32) -> (i32, i32) {
    %c0_i32 = arith.constant 0 : i32
    %c0_i32_0 = arith.constant 0 : i32
    %c0_i32_1 = arith.constant 0 : i32
    return %c0_i32, %c0_i32_0 : i32, i32
  }
  func.func @transform_5(%arg0: i32) -> (i32, i32) {
    %c0_i32 = arith.constant 0 : i32
    %c0_i32_0 = arith.constant 0 : i32
    %c0_i32_1 = arith.constant 0 : i32
    return %c0_i32, %c0_i32_0 : i32, i32
  }
  func.func @transform_6(%arg0: i32) -> (i32, i32) {
    %c0_i32 = arith.constant 0 : i32
    %c0_i32_0 = arith.constant 0 : i32
    %c0_i32_1 = arith.constant 0 : i32
    return %c0_i32, %c0_i32_0 : i32, i32
  }
  func.func @transform_7(%arg0: i32) -> (i32, i32) {
    %c0_i32 = arith.constant 0 : i32
    %c0_i32_0 = arith.constant 0 : i32
    %c0_i32_1 = arith.constant 0 : i32
    return %c0_i32, %c0_i32_0 : i32, i32
  }
  func.func @transform_8(%arg0: i32) -> (i32, i32) {
    %c0_i32 = arith.constant 0 : i32
    %c0_i32_0 = arith.constant 0 : i32
    %c0_i32_1 = arith.constant 0 : i32
    return %c0_i32, %c0_i32_0 : i32, i32
  }
  func.func @transform_9(%arg0: i32) -> (i32, i32) {
    %c0_i32 = arith.constant 0 : i32
    %c0_i32_0 = arith.constant 0 : i32
    return %arg0, %c0_i32 : i32, i32
  }
}

</mosaic_0001>

<sc_bundles>
// kernel: kernel.12.cloned.1.call-start
scs
__scs_entry_jumppad:
0x0: {  	(pc) =	sbr.rel $0x88, $3  }
0x1: {  	(tag) =	ssettag $0x0;
	lr =	simm.s32 $0x1  }
0x2: {  	[smem:$0x3F84] =	sst lr;
	_ =	strace $0xD0000000  }
0x3: {  	_ = 	snop  }
0x4: {  	_ = 	snop  }
0x5: {  	_ = 	snop  }
0x6: {  	_ = 	snop  }
0x7: {  	_ = 	snop  }
__scs_overlays_trampoline_lowered:
0x8: {  	[smem:$0x3F93] =	sst s0  }
0x9: {  	[smem:$0x3F94] =	sst s1  }
0xa: {  	[smem:$0x3F95] =	sst s2  }
0xb: {  	[smem:$0x3F96] =	sst s3  }
0xc: {  	[smem:$0x3F97] =	sst s4  }
0xd: {  	[smem:$0x3F98] =	sst s5  }
0xe: {  	[smem:$0x3F99] =	sst s6  }
0xf: {  	[smem:$0x3F9A] =	sst s7  }
0x10: {  	[smem:$0x3F9B] =	sst s8  }
0x11: {  	[smem:$0x3F9C] =	sst s9;
	s0 =	simm.s32 @!p0 $0x0  }
0x12: {  	s1 =	sld [smem:$0x3F82];
	s0 =	simm.s32 @p0 $0x1  }
0x13: {  	[smem:$0x3F9D] =	sst s0;
	s0 =	simm.s32 @!p1 $0x0  }
0x14: {  	s2 =	sld [smem:$0x3F81];
	s0 =	simm.s32 @p1 $0x1  }
0x15: {  	[smem:$0x3F9E] =	sst s0;
	s0 =	simm.s32 @!p2 $0x0  }
0x16: {  	s3 =	sld [smem:$0x3FDB];
	s0 =	simm.s32 @p2 $0x1  }
0x17: {  	s4 =	simm.s32 $0x1BF5;
	[smem:$0x3FA0] =	sst s0  }
0x18: {  	s0 =	sld [smem:$0x3F83];
	_ =	swait.ge [sflag:s4], $0x0  }
0x19: {  	s7 =	sld [smem:$0x3F84]  }
0x1a: {  	s8 =	sadd.s32 $0xFFFFE003, lr  }
0x1b: {  	s9 =	sadd.s32 $0xFFFFFEF7, lr;
	s5 =	simm.s32 $0xFFFFFFFF;
	p2 =	slt.u32 s8, $0xFFFFF086  }
0x1c: {  	p1 =	slt.u32 s9, $0xF7A;
	s5 =	simm.s32 @!p2 $0x0  }
0x1d: {  	s5 =	simm.s32 @p1 $0x1;
	p0 =	seq.s32 s7, s2  }
0x1e: {  	s7 =	smul.u32 @!p0 $0xF7A, s2;
	p2 =	seq.s32 @!p0 s5, $0x0  }
0x1f: {  	s9 =	smul.u32 $0xF7A, s1;
	s8 =	simm.s32 @!p0 $0x1BF5;
	p2 =	por !p2, p0  }
0x20: {  	[sflag:s8] =	ssyncset.s32 @!p0 $0xFFFFF086;
	s6 =	sadd.s32 @!p0 s3, s7;
	s7 =	simm.s32 @!p0 $0x108  }
0x21: {  	s3 =	sadd.s32 s3, s9;
	s6 =	sadd.s32 @!p0 $0x88, s6;
	s7 =	simm.s32 @p2 $0x1082  }
0x22: {  	[simem:s7], [sflag:s8] =	dma.local @!p0 [hbm:s6], $0xF7A  }
0x23: {  	s9 =	sor.u32 $0xD0000000, s2;
	s6 =	simm.s32 $0x108;
	_ =	swait.ge @!p0 [sflag:s8], $0x0  }
0x24: {  	s3 =	sadd.s32 $0x88, s3;
	s6 =	simm.s32 @!p1 $0x1082;
	[sflag:s4] =	ssyncset.s32 $0xFFFFF086  }
0x25: {  	[simem:s6], [sflag:s4] =	dma.local [hbm:s3], $0xF7A  }
0x26: {  	[smem:$0x3F84] =	sst s1;
	(tag) =	ssettag s2;
	_ =	strace s9  }
0x27: {  	s1 =	sld [smem:$0x3F94]  }
0x28: {  	s2 =	sld [smem:$0x3F95]  }
0x29: {  	s4 =	sld [smem:$0x3F97]  }
0x2a: {  	p0 =	seq.s32 s5, $0x0;
	s5 =	sld [smem:$0x3F98]  }
0x2b: {  	s6 =	sld [smem:$0x3F99]  }
0x2c: {  	s7 =	sld [smem:$0x3F9A]  }
0x2d: {  	s3 =	simm.s32 $0x108;
	s8 =	sld [smem:$0x3F9B]  }
0x2e: {  	s3 =	simm.s32 @!p0 $0x1082;
	s9 =	sld [smem:$0x3F9C]  }
0x2f: {  	lr =	sadd.s32 s0, s3;
	s0 =	sld [smem:$0x3F93]  }
0x30: {  	s3 =	sld [smem:$0x3F96]  }
0x31: {  	[smem:$0x3F9F] =	sst s10  }
0x32: {  	s10 =	sld [smem:$0x3F9D];
	_ =	sdelay $0x3  }
0x33: {  	p0 =	seq.s32 s10, $0x1;
	s10 =	sld [smem:$0x3F9F];
	_ =	sdelay $0x3  }
0x34: {  	[smem:$0x3F9F] =	sst s10  }
0x35: {  	s10 =	sld [smem:$0x3F9E];
	_ =	sdelay $0x3  }
0x36: {  	p1 =	seq.s32 s10, $0x1;
	s10 =	sld [smem:$0x3F9F];
	_ =	sdelay $0x3  }
0x37: {  	[smem:$0x3F9F] =	sst s10  }
0x38: {  	s10 =	sld [smem:$0x3FA0]  }
0x39: {  	_ = 	snop;
	(pc) =	sbr.ind lr, $3  }
0x3a: {  	_ = 	snop  }
0x3b: {  	_ = 	snop  }
0x3c: {  	p2 =	seq.s32 s10, $0x1;
	s10 =	sld [smem:$0x3F9F]  }
0x3d: {  	_ =	shalt  }
0x3e: {  	_ =	shalt  }
0x3f: {  	_ =	shalt  }
0x40: {  	_ =	shalt  }
0x41: {  	_ =	shalt  }
0x42: {  	_ =	shalt  }
0x43: {  	_ =	shalt  }
0x44: {  	_ =	shalt  }
0x45: {  	_ =	shalt  }
0x46: {  	_ =	shalt  }
0x47: {  	_ =	shalt  }
0x48: {  	_ =	shalt  }
0x49: {  	_ =	shalt  }
0x4a: {  	_ =	shalt  }
0x4b: {  	_ =	shalt  }
0x4c: {  	_ =	shalt  }
0x4d: {  	_ =	shalt  }
0x4e: {  	_ =	shalt  }
0x4f: {  	_ =	shalt  }
0x50: {  	_ =	shalt  }
0x51: {  	_ =	shalt  }
0x52: {  	_ =	shalt  }
0x53: {  	_ =	shalt  }
0x54: {  	_ =	shalt  }
0x55: {  	_ =	shalt  }
0x56: {  	_ =	shalt  }
0x57: {  	_ =	shalt  }
0x58: {  	_ =	shalt  }
0x59: {  	_ =	shalt  }
0x5a: {  	_ =	shalt  }
0x5b: {  	_ =	shalt  }
0x5c: {  	_ =	shalt  }
0x5d: {  	_ =	shalt  }
0x5e: {  	_ =	shalt  }
0x5f: {  	_ =	shalt  }
0x60: {  	_ =	shalt  }
0x61: {  	_ =	shalt  }
0x62: {  	_ =	shalt  }
0x63: {  	_ =	shalt  }
0x64: {  	_ =	shalt  }
0x65: {  	_ =	shalt  }
0x66: {  	_ =	shalt  }
0x67: {  	_ =	shalt  }
0x68: {  	_ =	shalt  }
0x69: {  	_ =	shalt  }
0x6a: {  	_ =	shalt  }
0x6b: {  	_ =	shalt  }
0x6c: {  	_ =	shalt  }
0x6d: {  	_ =	shalt  }
0x6e: {  	_ =	shalt  }
0x6f: {  	_ =	shalt  }
0x70: {  	_ =	shalt  }
0x71: {  	_ =	shalt  }
0x72: {  	_ =	shalt  }
0x73: {  	_ =	shalt  }
0x74: {  	_ =	shalt  }
0x75: {  	_ =	shalt  }
0x76: {  	_ =	shalt  }
0x77: {  	_ =	shalt  }
0x78: {  	_ =	shalt  }
0x79: {  	_ =	shalt  }
0x7a: {  	_ =	shalt  }
0x7b: {  	_ =	shalt  }
0x7c: {  	_ =	shalt  }
0x7d: {  	_ =	shalt  }
0x7e: {  	_ =	shalt  }
0x7f: {  	_ =	shalt  }
0x80: {  	_ =	shalt  }
0x81: {  	_ =	shalt  }
0x82: {  	_ =	shalt  }
0x83: {  	_ =	shalt  }
0x84: {  	_ =	shalt  }
0x85: {  	_ =	shalt  }
0x86: {  	_ =	shalt  }
0x87: {  	_ =	shalt  }
.Lfunc_end0:
.L_simem_size_0:
called_computation_lowered:
.L_overlay_start_0:
0x88: {  	s2 =	sld [smem:$0x3FD9]  }
0x89: {  	s3 =	sld [smem:$0x3FFE];
	_ =	sdelay $0x1  }
0x8a: {  	s1 =	srdreg.scid  }
0x8b: {  	s0 =	sand.u32 $0x1, s1  }
0x8c: {  	s17 =	sshll.u32 s0, $0xA;
	s2 =	sadd.s32 s3, s2  }
0x8d: {  	s2 =	sadd.s32 s2, s17  }
0x8e: {  	[smem:$0x3FAB] =	sst s2  }
0x8f: {  	_ = 	snop  }
0x90: {  	s2 =	sld [smem:$0x3FD0];
	(tm) =	ssettm $0x1  }
0x91: {  	s18 =	sld [smem:$0x3FFB];
	_ =	sdelay $0x3  }
0x92: {  	_ =	strace s18  }
0x93: {  	s3 =	sld [smem:$0x3FFC];
	_ =	sdelay $0x3  }
0x94: {  	_ =	strace s3  }
0x95: {  	s3 =	sld [smem:$0x3FFD];
	_ =	sdelay $0x3  }
0x96: {  	_ =	strace s3  }
0x97: {  	_ =	strace $0x8FFFFFFF  }
0x98: {  	s19 =	sld [smem:$0x3FDB];
	_ =	sdelay $0x1  }
0x99: {  	s4 =	simm.s32 $_scs_section_size  }
0x9a: {  	s5 =	simm.s32 $_size__tile_overlayer_lowered;
	s6 =	simm.s32 $_tile_overlayer_lowered  }
0x9b: {  	s22 =	simm.s32 $0x1BFF;
	s21 =	sshll.u32 s6, $0x1;
	s3 =	sadd.s32 s4, s19  }
0x9c: {  	s7 =	simm.s32 $0x0;
	s20 =	sshll.u32 s5, $0x1;
	s5 =	sadd.s32 s21, s3  }
0x9d: {  	[timem:s7], [sflag:s22] =	dma.local [hbm:s5], s20  }
0x9e: {  	_ =	swait.ge [sflag:s22], s20  }
0x9f: {  	s4 =	ssub.s32 $0x0, s20;
	[sflag:s22] =	ssyncset.done $0x0  }
0xa0: {  	[sflag:s22] =	ssyncadd.s32 s4;
	_ =	sdelay $0x1  }
0xa1: {  	s23 =	simm.s32 $0x1B8B  }
0xa2: {  	_ =	swait.ge [sflag:s23], $0x1  }
0xa3: {  	[sflag:s23] =	ssyncset.done $0x0  }
0xa4: {  	s25 =	simm.s32 $0x1B8E;
	s24 =	sld [smem:$0x3FFE];
	[sflag:s23] =	ssyncadd.s32 $0xFFFFFFFF  }
0xa5: {  	s26 =	simm.s32 $execute0_lowered;
	[smem:$0x3FD2] =	sst s25  }
0xa6: {  	s5 =	sshll.u32 s26, $0x1;
	_ =	strace $0x80000046;
	[dreg:$0x1] =	wrdreg $0xFFFFFFFF  }
0xa7: {  	s28 =	simm.s32 $_size_execute0_lowered;
	s3 =	sadd.s32 s3, s5;
	[dreg:$0x0] =	wrdreg $0x0  }
0xa8: {  	s5 =	sshll.u32 s28, $0x1;
	[dreg:$0x2] =	wrdreg s3  }
0xa9: {  	[dreg:$0x3] =	wrdreg s5  }
0xaa: {  	[dreg:$0x4] =	wrdreg $0xC0  }
0xab: {  	_ =	task [dreg:s7], $0x5FFFF  }
0xac: {  	[dreg:$0x1] =	wrdreg $0xFFFFFFFF  }
0xad: {  	[dreg:$0x0] =	wrdreg $0x60  }
0xae: {  	[dreg:$0x2] =	wrdreg s24  }
0xaf: {  	[dreg:$0x3] =	wrdreg s2  }
0xb0: {  	[dreg:$0x4] =	wrdreg $0x9  }
0xb1: {  	_ =	task.clear_ibuf [dreg:s7], $0x5FFFF;
	_ =	strace $0x90000046  }
0xb2: {  	s29 =	simm.s32 $0x9;
	_ =	strace $0x80000048  }
0xb3: {  	_ =	swait.ge [sflag:s29], $0x1  }
0xb4: {  	[sflag:s29] =	ssyncadd.s32 $0xFFFFFFFF  }
0xb5: {  	_ =	strace $0x90000048  }
0xb6: {  	_ =	sfence  }
0xb7: {  	s30 =	sld [smem:$0x0];
	_ =	sdelay $0x2  }
0xb8: {  	s31 =	sshll.u32 s1, $0xD;
	s1 =	sshrl.u32 s1, $0x2  }
0xb9: {  	s3 =	sand.u32 $0x4000, s31;
	s1 =	sadd.s32 s1, s30  }
0xba: {  	s0 =	sor.u32 s3, s0;
	s1 =	sshll.u32 s1, $0x11  }
0xbb: {  	s0 =	sor.u32 s1, s0  }
0xbc: {  	s0 =	sadd.s32 $0x8F2B, s0  }
0xbd: {  	[sflag:s0] =	ssyncadd.remote.s32 $0x1  }
0xbe: {  	_ =	sfence.sel $0xFFFF  }
0xbf: {  	[dreg:$0x0] =	wrdreg $0xFFFFFFFF;
	(pc) =	sbr.abs _section_cstart, $3  }
0xc0: {  	[dreg:$0x1] =	wrdreg $0xFFFFFFFF  }
0xc1: {  	_ =	task.clear_ibuf [dreg:s7], $0x2FFFF;
	_ =	strace $0x9FFFFFFF  }
0xc2: {  	(tm) =	ssettm $0x7FFFFFFF  }
0xc3: {  	_ =	shalt  }
tec
execute0_lowered:
.L_overlay_start_1:
0x0: {  	(tag) =	ssettag $0x1  }
0x1: {  	s4 =	rddreg [dreg:$0x0];
	s1 =	srdreg.scid  }
0x2: {  	s0 =	stileid.u32;
	s5 =	rddreg [dreg:$0x1];
	s2 =	simm.s32 $0x0  }
0x3: {  	s11 =	simm.s32 $0x4E20;
	s12 =	simm.s32 $0x7620;
	s13 =	simm.s32 $0x0  }
0x4: {  	s6 =	sand.u32 $0x1, s1;
	s3 =	sshll.u32 s0, $0x1;
	s1 =	rddreg [dreg:$0x2]  }
0x5: {  	[smem:$0x7FF] =	sst s2;
	s8 =	smul.u32 $0x27100, s0;
	s3 =	sor.u32 s6, s3  }
0x6: {  	_ =	strace $0x80000047;
	s9 =	ssub.s32 $0x2, s6;
	s6 =	smul.u32 $0x13880, s6  }
0x7: {  	s7 =	smul.u32 $0x2710, s3;
	s8 =	sadd.s32 s8, s4;
	s31 =	sshrl.u32 s9, $0x1  }
0x8: {  	s3 =	sadd.s32 $0xFA00, s4;
	s9 =	ssub.s32 s9, s31;
	s8 =	sadd.s32 s6, s8  }
0x9: {  	s7 =	sshrl.u32 s7, $0x3;
	s6 =	smax.u32 s9, $0x1;
	s9 =	simm.s32 $0x3  }
0xa: {  	s10 =	sadd.s32 s7, s4;
	s5 =	sadd.s32 s5, s7;
	s7 =	sadd.s32 $0x23400, s8  }
0xb: {  	s8 =	sadd.s32 $0x294400, s8;
	s4 =	sadd.s32 $0x5C00, s10;
	s10 =	simm.s32 $0x2710  }
.LBB2_1:
0xc: {  	[tilespmem:s2], [sflag:$0x3] =	stream.linear.gather [hbm4b:s4+s2], $0x2710, $0x38;
	[tilespmem:$0x9E20] =	vst v63  }
0xd: {  	_ =	swait.ge [sflag:s9], $0x2710  }
0xe: {  	[sflag:s9] =	ssyncset.done $0x0  }
0xf: {  	[sflag:s9] =	ssyncadd.s32 $0xFFFFD8F0  }
0x10: {  	[tilespmem:s10], [sflag:$0x3] =	stream.linear.gather [hbm4b:s5+s2], $0x2710, $0x38;
	[tilespmem:$0x9E20] =	vst v63  }
0x11: {  	_ =	swait.ge [sflag:s9], $0x2710  }
0x12: {  	s15 =	sand.u32 $0x1, s2;
	p0 =	por $0x0, $0x0;
	[sflag:s9] =	ssyncset.done $0x0  }
0x13: {  	s14 =	simm.s32 $0x50;
	p1 =	sne.s32 @!p0 s15, $0x0;
	[sflag:s9] =	ssyncadd.s32 $0xFFFFD8F0  }
0x14: {  	[tilespmem:s11], [sflag:$0x1] =	stream.indirect.gather [hbm4b:s3+s14], $0x40, s2, s14, $0xb8;
	[tilespmem:$0x9E20] =	vst v63  }
0x15: {  	p0 =	por p1, p0  }
0x16: {  	[tilespmem:s12], [sflag:$0x2] =	stream.indirect.gather [hbm4b:s3+s14], $0x40, s10, s14, $0xb8;
	[tilespmem:$0x9E20] =	vst v63  }
0x17: {  	s16 =	simm.s32 @!p0 $0x50;
	s17 =	simm.s32 @!p0 $0x6220  }
0x18: {  	[tilespmem:s17], [sflag:$0x1] =	stream.indirect.gather @!p0 [hbm4b:s3+s16], $0x40, s14, s16, $0xb8;
	[tilespmem:$0x9E20] =	vst v63  }
0x19: {  	p2 =	seq.s32 s15, $0x0;
	s18 =	simm.s32 @!p0 $0x8A20;
	s17 =	simm.s32 $0x2760  }
0x1a: {  	[tilespmem:s18], [sflag:$0x2] =	stream.indirect.gather @!p0 [hbm4b:s3+s16], $0x40, s17, s16, $0xb8;
	[tilespmem:$0x9E20] =	vst v63  }
0x1b: {  	s16 =	simm.s32 @!p2 $0x50;
	s18 =	simm.s32 @!p2 $0x4E20  }
0x1c: {  	[tilespmem:s18], [sflag:$0x1] =	stream.indirect.gather @!p2 [hbm4b:s3+s16], $0x40, s14, s16, $0xb8;
	[tilespmem:$0x9E20] =	vst v63  }
0x1d: {  	p1 =	sne.s32 s15, $0x0;
	s14 =	simm.s32 @!p2 $0x7620  }
0x1e: {  	[tilespmem:s14], [sflag:$0x2] =	stream.indirect.gather @!p2 [hbm4b:s3+s16], $0x40, s17, s16, $0xb8;
	[tilespmem:$0x9E20] =	vst v63  }
0x1f: {  	s14 =	simm.s32 @!p1 $0x1  }
0x20: {  	_ =	swait.ge @!p1 [sflag:s14], $0x1400  }
0x21: {  	s18 =	simm.s32 @!p1 $0x0;
	s16 =	simm.s32 @!p1 $0x4E20;
	[sflag:s14] =	ssyncset.done @!p1 $0x0  }
0x22: {  	s17 =	sadd.s32 @!p1 $0x0, s8;
	[sflag:s14] =	ssyncadd.s32 @!p1 $0xFFFFEC00;
	s14 =	simm.s32 @!p1 $0x4  }
0x23: {  	[hbm4b:s17+s18] =	stream.linear.scatter @!p1 [tilespmem:s16], [sflag:$0x4], $0x1400, $0x38;
	[tilespmem:$0x9E20] =	vst v63  }
0x24: {  	_ =	swait.ge @!p1 [sflag:s14], $0x1400  }
0x25: {  	[sflag:s14] =	ssyncset.done @!p1 $0x0  }
0x26: {  	s16 =	simm.s32 @!p1 $0x2;
	[sflag:s14] =	ssyncadd.s32 @!p1 $0xFFFFEC00  }
0x27: {  	_ =	swait.ge @!p1 [sflag:s16], $0x1400  }
0x28: {  	[sflag:s16] =	ssyncset.done @!p1 $0x0  }
0x29: {  	s19 =	simm.s32 @!p1 $0x7620;
	s17 =	sadd.s32 @!p1 $0x0, s7;
	[sflag:s16] =	ssyncadd.s32 @!p1 $0xFFFFEC00  }
0x2a: {  	[hbm4b:s17+s18] =	stream.linear.scatter @!p1 [tilespmem:s19], [sflag:$0x4], $0x1400, $0x38;
	[tilespmem:$0x9E20] =	vst v63  }
0x2b: {  	_ =	swait.ge @!p1 [sflag:s14], $0x1400  }
0x2c: {  	p0 =	seq.s32 s15, $0x1;
	[sflag:s14] =	ssyncset.done @!p1 $0x0  }
0x2d: {  	s15 =	simm.s32 @p0 $0x1;
	[sflag:s14] =	ssyncadd.s32 @!p1 $0xFFFFEC00  }
0x2e: {  	_ =	swait.ge @p0 [sflag:s15], $0x1400  }
0x2f: {  	s16 =	sadd.s32 @p0 $0x0, s8;
	s19 =	simm.s32 @p0 $0x0;
	[sflag:s15] =	ssyncset.done @p0 $0x0  }
0x30: {  	s14 =	simm.s32 @p0 $0x6220;
	[sflag:s15] =	ssyncadd.s32 @p0 $0xFFFFEC00;
	s15 =	simm.s32 @p0 $0x4  }
0x31: {  	[hbm4b:s16+s19] =	stream.linear.scatter @p0 [tilespmem:s14], [sflag:$0x4], $0x1400, $0x38;
	[tilespmem:$0x9E20] =	vst v63  }
0x32: {  	_ =	swait.ge @p0 [sflag:s15], $0x1400  }
0x33: {  	[sflag:s15] =	ssyncset.done @p0 $0x0  }
0x34: {  	s16 =	simm.s32 @p0 $0x2;
	[sflag:s15] =	ssyncadd.s32 @p0 $0xFFFFEC00  }
0x35: {  	s20 =	sadd.s32 @p0 $0x0, s7;
	s21 =	simm.s32 @p0 $0x8A20;
	_ =	swait.ge @p0 [sflag:s16], $0x1400  }
0x36: {  	p2 =	por $0x0, $0x0;
	s17 =	simm.s32 $0x500;
	[sflag:s16] =	ssyncset.done @p0 $0x0  }
0x37: {  	s18 =	simm.s32 $0x1;
	s14 =	simm.s32 $0x280;
	[sflag:s16] =	ssyncadd.s32 @p0 $0xFFFFEC00  }
0x38: {  	[hbm4b:s20+s19] =	stream.linear.scatter @p0 [tilespmem:s21], [sflag:$0x3], $0x1400, $0x38;
	[tilespmem:$0x9E20] =	vst v63  }
0x39: {  	s15 =	simm.s32 $0xA0;
	s21 =	simm.s32 @p0 $0x3;
	s19 =	sand.u32 $0x1, s18  }
0x3a: {  	s16 =	simm.s32 $0x27B0;
	p3 =	sne.s32 @!p2 s19, $0x0;
	_ =	swait.ge @p0 [sflag:s21], $0x1400  }
.LBB2_2:
0x3b: {  	p2 =	por p3, p2;
	[sflag:s21] =	ssyncset.done @p0 $0x0  }
0x3c: {  	s20 =	smov.u32 s14;
	s14 =	smov.u32 s17;
	s17 =	sadd.s32 $0x280, s17  }
0x3d: {  	s22 =	simm.s32 @!p2 $0x50;
	s23 =	simm.s32 @!p2 $0x6220;
	[sflag:s21] =	ssyncadd.s32 @p0 $0xFFFFEC00  }
0x3e: {  	[tilespmem:s23], [sflag:$0x1] =	stream.indirect.gather @!p2 [hbm4b:s3+s22], $0x40, s15, s22, $0xb8;
	[tilespmem:$0x9E20] =	vst v63  }
0x3f: {  	p1 =	sne.s32 s17, $0x13880;
	s21 =	simm.s32 @!p2 $0x8A20;
	p0 =	seq.s32 s19, $0x0  }
0x40: {  	[tilespmem:s21], [sflag:$0x2] =	stream.indirect.gather @!p2 [hbm4b:s3+s22], $0x40, s16, s22, $0xb8;
	[tilespmem:$0x9E20] =	vst v63  }
0x41: {  	s21 =	simm.s32 @!p0 $0x50;
	s22 =	simm.s32 @!p0 $0x4E20  }
0x42: {  	[tilespmem:s22], [sflag:$0x1] =	stream.indirect.gather @!p0 [hbm4b:s3+s21], $0x40, s15, s21, $0xb8;
	[tilespmem:$0x9E20] =	vst v63  }
0x43: {  	p2 =	sne.s32 s19, $0x0;
	s22 =	simm.s32 @!p0 $0x7620  }
0x44: {  	[tilespmem:s22], [sflag:$0x2] =	stream.indirect.gather @!p0 [hbm4b:s3+s21], $0x40, s16, s21, $0xb8;
	[tilespmem:$0x9E20] =	vst v63  }
0x45: {  	s21 =	simm.s32 @!p2 $0x1  }
0x46: {  	s22 =	simm.s32 @!p2 $0x4E20;
	_ =	swait.ge @!p2 [sflag:s21], $0x1400  }
0x47: {  	s23 =	sadd.s32 @!p2 s20, s8;
	s24 =	simm.s32 @!p2 $0x0;
	[sflag:s21] =	ssyncset.done @!p2 $0x0  }
0x48: {  	[sflag:s21] =	ssyncadd.s32 @!p2 $0xFFFFEC00;
	s21 =	simm.s32 @!p2 $0x4  }
0x49: {  	[hbm4b:s23+s24] =	stream.linear.scatter @!p2 [tilespmem:s22], [sflag:$0x4], $0x1400, $0x38;
	[tilespmem:$0x9E20] =	vst v63  }
0x4a: {  	_ =	swait.ge @!p2 [sflag:s21], $0x1400  }
0x4b: {  	s22 =	simm.s32 @!p2 $0x2;
	[sflag:s21] =	ssyncset.done @!p2 $0x0  }
0x4c: {  	[sflag:s21] =	ssyncadd.s32 @!p2 $0xFFFFEC00  }
0x4d: {  	_ =	swait.ge @!p2 [sflag:s22], $0x1400  }
0x4e: {  	s25 =	simm.s32 @!p2 $0x7620;
	s23 =	sadd.s32 @!p2 s20, s7;
	[sflag:s22] =	ssyncset.done @!p2 $0x0  }
0x4f: {  	[sflag:s22] =	ssyncadd.s32 @!p2 $0xFFFFEC00  }
0x50: {  	[hbm4b:s23+s24] =	stream.linear.scatter @!p2 [tilespmem:s25], [sflag:$0x4], $0x1400, $0x38;
	[tilespmem:$0x9E20] =	vst v63  }
0x51: {  	p0 =	seq.s32 s19, $0x1;
	_ =	swait.ge @!p2 [sflag:s21], $0x1400  }
0x52: {  	s19 =	simm.s32 @p0 $0x1;
	[sflag:s21] =	ssyncset.done @!p2 $0x0  }
0x53: {  	[sflag:s21] =	ssyncadd.s32 @!p2 $0xFFFFEC00  }
0x54: {  	s21 =	simm.s32 @p0 $0x6220;
	_ =	swait.ge @p0 [sflag:s19], $0x1400  }
0x55: {  	s22 =	sadd.s32 @p0 s20, s8;
	s23 =	simm.s32 @p0 $0x0;
	[sflag:s19] =	ssyncset.done @p0 $0x0  }
0x56: {  	[sflag:s19] =	ssyncadd.s32 @p0 $0xFFFFEC00;
	s19 =	simm.s32 @p0 $0x4  }
0x57: {  	[hbm4b:s22+s23] =	stream.linear.scatter @p0 [tilespmem:s21], [sflag:$0x4], $0x1400, $0x38;
	[tilespmem:$0x9E20] =	vst v63  }
0x58: {  	_ =	swait.ge @p0 [sflag:s19], $0x1400  }
0x59: {  	s22 =	simm.s32 @p0 $0x2;
	[sflag:s19] =	ssyncset.done @p0 $0x0  }
0x5a: {  	s18 =	sadd.s32 $0x1, s18;
	s15 =	sadd.s32 $0x50, s15;
	[sflag:s19] =	ssyncadd.s32 @p0 $0xFFFFEC00  }
.Ltmp0:
0x5b: {  	s21 =	simm.s32 @p0 $0x3;
	_ =	swait.ge @p0 [sflag:s22], $0x1400;
	(pc) =	sbr.rel @p1 .LBB2_2-.Ltmp0, $4  }
0x5c: {  	s20 =	sadd.s32 @p0 s20, s7;
	s24 =	simm.s32 @p0 $0x8A20;
	[sflag:s22] =	ssyncset.done @p0 $0x0  }
0x5d: {  	p2 =	seq.s32 s14, $0x13600;
	s19 =	sand.u32 $0x1, s18;
	[sflag:s22] =	ssyncadd.s32 @p0 $0xFFFFEC00  }
0x5e: {  	[hbm4b:s20+s23] =	stream.linear.scatter @p0 [tilespmem:s24], [sflag:$0x3], $0x1400, $0x38;
	[tilespmem:$0x9E20] =	vst v63  }
0x5f: {  	s16 =	sadd.s32 $0x50, s16;
	p3 =	sne.s32 @!p2 s19, $0x0;
	_ =	swait.ge @p0 [sflag:s21], $0x1400  }
0x60: {  	p1 =	por p3, p2;
	[sflag:s21] =	ssyncset.done @p0 $0x0  }
0x61: {  	s17 =	simm.s32 @!p1 $0x50;
	s18 =	simm.s32 @!p1 $0x6220;
	[sflag:s21] =	ssyncadd.s32 @p0 $0xFFFFEC00  }
0x62: {  	[tilespmem:s18], [sflag:$0x1] =	stream.indirect.gather @!p1 [hbm4b:s3+s17], $0x40, s15, s17, $0xb8;
	[tilespmem:$0x9E20] =	vst v63  }
0x63: {  	p0 =	seq.s32 s19, $0x0;
	s18 =	simm.s32 @!p1 $0x8A20  }
0x64: {  	[tilespmem:s18], [sflag:$0x2] =	stream.indirect.gather @!p1 [hbm4b:s3+s17], $0x40, s16, s17, $0xb8;
	[tilespmem:$0x9E20] =	vst v63  }
0x65: {  	s17 =	simm.s32 @!p0 $0x50;
	s18 =	simm.s32 @!p0 $0x4E20  }
0x66: {  	[tilespmem:s18], [sflag:$0x1] =	stream.indirect.gather @!p0 [hbm4b:s3+s17], $0x40, s15, s17, $0xb8;
	[tilespmem:$0x9E20] =	vst v63  }
0x67: {  	p1 =	sne.s32 s19, $0x0;
	s15 =	simm.s32 @!p0 $0x7620  }
0x68: {  	[tilespmem:s15], [sflag:$0x2] =	stream.indirect.gather @!p0 [hbm4b:s3+s17], $0x40, s16, s17, $0xb8;
	[tilespmem:$0x9E20] =	vst v63  }
0x69: {  	s15 =	simm.s32 @!p1 $0x1  }
0x6a: {  	_ =	swait.ge @!p1 [sflag:s15], $0x1400  }
0x6b: {  	s18 =	simm.s32 @!p1 $0x0;
	s16 =	simm.s32 @!p1 $0x4E20;
	[sflag:s15] =	ssyncset.done @!p1 $0x0  }
0x6c: {  	s17 =	sadd.s32 @!p1 s14, s8;
	[sflag:s15] =	ssyncadd.s32 @!p1 $0xFFFFEC00;
	s15 =	simm.s32 @!p1 $0x4  }
0x6d: {  	[hbm4b:s17+s18] =	stream.linear.scatter @!p1 [tilespmem:s16], [sflag:$0x4], $0x1400, $0x38;
	[tilespmem:$0x9E20] =	vst v63  }
0x6e: {  	_ =	swait.ge @!p1 [sflag:s15], $0x1400  }
0x6f: {  	[sflag:s15] =	ssyncset.done @!p1 $0x0  }
0x70: {  	s16 =	simm.s32 @!p1 $0x2;
	[sflag:s15] =	ssyncadd.s32 @!p1 $0xFFFFEC00  }
0x71: {  	_ =	swait.ge @!p1 [sflag:s16], $0x1400  }
0x72: {  	[sflag:s16] =	ssyncset.done @!p1 $0x0  }
0x73: {  	s20 =	simm.s32 @!p1 $0x7620;
	s17 =	sadd.s32 @!p1 s14, s7;
	[sflag:s16] =	ssyncadd.s32 @!p1 $0xFFFFEC00  }
0x74: {  	[hbm4b:s17+s18] =	stream.linear.scatter @!p1 [tilespmem:s20], [sflag:$0x4], $0x1400, $0x38;
	[tilespmem:$0x9E20] =	vst v63  }
0x75: {  	_ =	swait.ge @!p1 [sflag:s15], $0x1400  }
0x76: {  	p0 =	seq.s32 s19, $0x1;
	[sflag:s15] =	ssyncset.done @!p1 $0x0  }
0x77: {  	s16 =	simm.s32 @p0 $0x1;
	[sflag:s15] =	ssyncadd.s32 @!p1 $0xFFFFEC00  }
0x78: {  	_ =	swait.ge @p0 [sflag:s16], $0x1400  }
0x79: {  	s17 =	sadd.s32 @p0 s14, s8;
	s18 =	simm.s32 @p0 $0x0;
	[sflag:s16] =	ssyncset.done @p0 $0x0  }
0x7a: {  	s15 =	simm.s32 @p0 $0x6220;
	[sflag:s16] =	ssyncadd.s32 @p0 $0xFFFFEC00;
	s16 =	simm.s32 @p0 $0x4  }
0x7b: {  	[hbm4b:s17+s18] =	stream.linear.scatter @p0 [tilespmem:s15], [sflag:$0x4], $0x1400, $0x38;
	[tilespmem:$0x9E20] =	vst v63  }
0x7c: {  	_ =	swait.ge @p0 [sflag:s16], $0x1400  }
0x7d: {  	[sflag:s16] =	ssyncset.done @p0 $0x0  }
0x7e: {  	s15 =	simm.s32 @p0 $0x2;
	[sflag:s16] =	ssyncadd.s32 @p0 $0xFFFFEC00  }
0x7f: {  	s13 =	sadd.s32 $0x1, s13;
	s14 =	sadd.s32 @p0 s14, s7;
	_ =	swait.ge @p0 [sflag:s15], $0x1400  }
0x80: {  	p1 =	sne.s32 s13, s6;
	s17 =	simm.s32 @p0 $0x8A20;
	[sflag:s15] =	ssyncset.done @p0 $0x0  }
.Ltmp1:
0x81: {  	s16 =	simm.s32 @p0 $0x3;
	[sflag:s15] =	ssyncadd.s32 @p0 $0xFFFFEC00;
	(pc) =	sbr.rel @p1 .LBB2_1-.Ltmp1, $4  }
0x82: {  	[hbm4b:s14+s18] =	stream.linear.scatter @p0 [tilespmem:s17], [sflag:$0x3], $0x1400, $0x38;
	[tilespmem:$0x9E20] =	vst v63  }
0x83: {  	_ =	swait.ge @p0 [sflag:s16], $0x1400  }
0x84: {  	[sflag:s16] =	ssyncset.done @p0 $0x0  }
0x85: {  	[sflag:s16] =	ssyncadd.s32 @p0 $0xFFFFEC00  }
0x86: {  	_ =	sfence.sel $0x180000  }
0x87: {  	[bflag:$0x0] =	sbarrier.arrive $0xFFFF  }
0x88: {  	p0 =	sne.s32 s0, $0x0;
	_ =	strace $0x90000047  }
0x89: {  	s0 =	sadd.s32 @!p0 $0x100000, s1;
	[bflag:$0x2] =	sbarrier.arrive $0xFFFF  }
0x8a: {  	[sflag:s0] =	ssyncadd.tile.s32 @!p0 $0x1;
	_ =	shalt  }
.Lfunc_end2:
_tile_overlayer_lowered:
.L_overlay_start_2:
0x8b: {  	(tag) =	ssettag $0x2  }
0x8c: {  	s0 =	rddreg [dreg:$0x0];
	s2 =	stileid.u32  }
0x8d: {  	s1 =	rddreg [dreg:$0x1];
	p0 =	sne.s32 s2, $0x0  }
0x8e: {  	s3 =	rddreg [dreg:$0x2];
	[bflag:$0x3] =	sbarrier.arrive $0xFFFF;
	s2 =	simm.s32 @!p0 $0x1C03  }
0x8f: {  	[timem:s3], [sflag:s2] =	dma.local @!p0 [hbm:s0], s1  }
0x90: {  	s0 =	simm.s32 @!p0 $0x3  }
0x91: {  	_ =	swait.ge @!p0 [sflag:s0], s1  }
0x92: {  	s1 =	ssub.s32 @!p0 $0x0, s1;
	[sflag:s0] =	ssyncset.done @!p0 $0x0  }
0x93: {  	[sflag:s0] =	ssyncadd.s32 @!p0 s1  }
0x94: {  	[bflag:$0x3] =	sbarrier.arrive $0xFFFF  }
0x95: {  	_ =	shalt  }

// kernel: kernel.15.cloned.1.call-start
scs
__scs_entry_jumppad:
0x0: {  	(pc) =	sbr.rel $0x88, $3  }
0x1: {  	(tag) =	ssettag $0x0;
	lr =	simm.s32 $0x1  }
0x2: {  	[smem:$0x3F84] =	sst lr;
	_ =	strace $0xD0000000  }
0x3: {  	_ = 	snop  }
0x4: {  	_ = 	snop  }
0x5: {  	_ = 	snop  }
0x6: {  	_ = 	snop  }
0x7: {  	_ = 	snop  }
__scs_overlays_trampoline_lowered:
0x8: {  	[smem:$0x3F93] =	sst s0  }
0x9: {  	[smem:$0x3F94] =	sst s1  }
0xa: {  	[smem:$0x3F95] =	sst s2  }
0xb: {  	[smem:$0x3F96] =	sst s3  }
0xc: {  	[smem:$0x3F97] =	sst s4  }
0xd: {  	[smem:$0x3F98] =	sst s5  }
0xe: {  	[smem:$0x3F99] =	sst s6  }
0xf: {  	[smem:$0x3F9A] =	sst s7  }
0x10: {  	[smem:$0x3F9B] =	sst s8  }
0x11: {  	[smem:$0x3F9C] =	sst s9;
	s0 =	simm.s32 @!p0 $0x0  }
0x12: {  	s1 =	sld [smem:$0x3F82];
	s0 =	simm.s32 @p0 $0x1  }
0x13: {  	[smem:$0x3F9D] =	sst s0;
	s0 =	simm.s32 @!p1 $0x0  }
0x14: {  	s2 =	sld [smem:$0x3F81];
	s0 =	simm.s32 @p1 $0x1  }
0x15: {  	[smem:$0x3F9E] =	sst s0;
	s0 =	simm.s32 @!p2 $0x0  }
0x16: {  	s3 =	sld [smem:$0x3FDB];
	s0 =	simm.s32 @p2 $0x1  }
0x17: {  	s4 =	simm.s32 $0x1BF5;
	[smem:$0x3FA0] =	sst s0  }
0x18: {  	s0 =	sld [smem:$0x3F83];
	_ =	swait.ge [sflag:s4], $0x0  }
0x19: {  	s7 =	sld [smem:$0x3F84]  }
0x1a: {  	s8 =	sadd.s32 $0xFFFFE003, lr  }
0x1b: {  	s9 =	sadd.s32 $0xFFFFFEF7, lr;
	s5 =	simm.s32 $0xFFFFFFFF;
	p2 =	slt.u32 s8, $0xFFFFF086  }
0x1c: {  	p1 =	slt.u32 s9, $0xF7A;
	s5 =	simm.s32 @!p2 $0x0  }
0x1d: {  	s5 =	simm.s32 @p1 $0x1;
	p0 =	seq.s32 s7, s2  }
0x1e: {  	s7 =	smul.u32 @!p0 $0xF7A, s2;
	p2 =	seq.s32 @!p0 s5, $0x0  }
0x1f: {  	s9 =	smul.u32 $0xF7A, s1;
	s8 =	simm.s32 @!p0 $0x1BF5;
	p2 =	por !p2, p0  }
0x20: {  	[sflag:s8] =	ssyncset.s32 @!p0 $0xFFFFF086;
	s6 =	sadd.s32 @!p0 s3, s7;
	s7 =	simm.s32 @!p0 $0x108  }
0x21: {  	s3 =	sadd.s32 s3, s9;
	s6 =	sadd.s32 @!p0 $0x88, s6;
	s7 =	simm.s32 @p2 $0x1082  }
0x22: {  	[simem:s7], [sflag:s8] =	dma.local @!p0 [hbm:s6], $0xF7A  }
0x23: {  	s9 =	sor.u32 $0xD0000000, s2;
	s6 =	simm.s32 $0x108;
	_ =	swait.ge @!p0 [sflag:s8], $0x0  }
0x24: {  	s3 =	sadd.s32 $0x88, s3;
	s6 =	simm.s32 @!p1 $0x1082;
	[sflag:s4] =	ssyncset.s32 $0xFFFFF086  }
0x25: {  	[simem:s6], [sflag:s4] =	dma.local [hbm:s3], $0xF7A  }
0x26: {  	[smem:$0x3F84] =	sst s1;
	(tag) =	ssettag s2;
	_ =	strace s9  }
0x27: {  	s1 =	sld [smem:$0x3F94]  }
0x28: {  	s2 =	sld [smem:$0x3F95]  }
0x29: {  	s4 =	sld [smem:$0x3F97]  }
0x2a: {  	p0 =	seq.s32 s5, $0x0;
	s5 =	sld [smem:$0x3F98]  }
0x2b: {  	s6 =	sld [smem:$0x3F99]  }
0x2c: {  	s7 =	sld [smem:$0x3F9A]  }
0x2d: {  	s3 =	simm.s32 $0x108;
	s8 =	sld [smem:$0x3F9B]  }
0x2e: {  	s3 =	simm.s32 @!p0 $0x1082;
	s9 =	sld [smem:$0x3F9C]  }
0x2f: {  	lr =	sadd.s32 s0, s3;
	s0 =	sld [smem:$0x3F93]  }
0x30: {  	s3 =	sld [smem:$0x3F96]  }
0x31: {  	[smem:$0x3F9F] =	sst s10  }
0x32: {  	s10 =	sld [smem:$0x3F9D];
	_ =	sdelay $0x3  }
0x33: {  	p0 =	seq.s32 s10, $0x1;
	s10 =	sld [smem:$0x3F9F];
	_ =	sdelay $0x3  }
0x34: {  	[smem:$0x3F9F] =	sst s10  }
0x35: {  	s10 =	sld [smem:$0x3F9E];
	_ =	sdelay $0x3  }
0x36: {  	p1 =	seq.s32 s10, $0x1;
	s10 =	sld [smem:$0x3F9F];
	_ =	sdelay $0x3  }
0x37: {  	[smem:$0x3F9F] =	sst s10  }
0x38: {  	s10 =	sld [smem:$0x3FA0]  }
0x39: {  	_ = 	snop;
	(pc) =	sbr.ind lr, $3  }
0x3a: {  	_ = 	snop  }
0x3b: {  	_ = 	snop  }
0x3c: {  	p2 =	seq.s32 s10, $0x1;
	s10 =	sld [smem:$0x3F9F]  }
0x3d: {  	_ =	shalt  }
0x3e: {  	_ =	shalt  }
0x3f: {  	_ =	shalt  }
0x40: {  	_ =	shalt  }
0x41: {  	_ =	shalt  }
0x42: {  	_ =	shalt  }
0x43: {  	_ =	shalt  }
0x44: {  	_ =	shalt  }
0x45: {  	_ =	shalt  }
0x46: {  	_ =	shalt  }
0x47: {  	_ =	shalt  }
0x48: {  	_ =	shalt  }
0x49: {  	_ =	shalt  }
0x4a: {  	_ =	shalt  }
0x4b: {  	_ =	shalt  }
0x4c: {  	_ =	shalt  }
0x4d: {  	_ =	shalt  }
0x4e: {  	_ =	shalt  }
0x4f: {  	_ =	shalt  }
0x50: {  	_ =	shalt  }
0x51: {  	_ =	shalt  }
0x52: {  	_ =	shalt  }
0x53: {  	_ =	shalt  }
0x54: {  	_ =	shalt  }
0x55: {  	_ =	shalt  }
0x56: {  	_ =	shalt  }
0x57: {  	_ =	shalt  }
0x58: {  	_ =	shalt  }
0x59: {  	_ =	shalt  }
0x5a: {  	_ =	shalt  }
0x5b: {  	_ =	shalt  }
0x5c: {  	_ =	shalt  }
0x5d: {  	_ =	shalt  }
0x5e: {  	_ =	shalt  }
0x5f: {  	_ =	shalt  }
0x60: {  	_ =	shalt  }
0x61: {  	_ =	shalt  }
0x62: {  	_ =	shalt  }
0x63: {  	_ =	shalt  }
0x64: {  	_ =	shalt  }
0x65: {  	_ =	shalt  }
0x66: {  	_ =	shalt  }
0x67: {  	_ =	shalt  }
0x68: {  	_ =	shalt  }
0x69: {  	_ =	shalt  }
0x6a: {  	_ =	shalt  }
0x6b: {  	_ =	shalt  }
0x6c: {  	_ =	shalt  }
0x6d: {  	_ =	shalt  }
0x6e: {  	_ =	shalt  }
0x6f: {  	_ =	shalt  }
0x70: {  	_ =	shalt  }
0x71: {  	_ =	shalt  }
0x72: {  	_ =	shalt  }
0x73: {  	_ =	shalt  }
0x74: {  	_ =	shalt  }
0x75: {  	_ =	shalt  }
0x76: {  	_ =	shalt  }
0x77: {  	_ =	shalt  }
0x78: {  	_ =	shalt  }
0x79: {  	_ =	shalt  }
0x7a: {  	_ =	shalt  }
0x7b: {  	_ =	shalt  }
0x7c: {  	_ =	shalt  }
0x7d: {  	_ =	shalt  }
0x7e: {  	_ =	shalt  }
0x7f: {  	_ =	shalt  }
0x80: {  	_ =	shalt  }
0x81: {  	_ =	shalt  }
0x82: {  	_ =	shalt  }
0x83: {  	_ =	shalt  }
0x84: {  	_ =	shalt  }
0x85: {  	_ =	shalt  }
0x86: {  	_ =	shalt  }
0x87: {  	_ =	shalt  }
.Lfunc_end0:
.L_simem_size_0:
called_computation.1_lowered:
.L_overlay_start_0:
0x88: {  	s2 =	sld [smem:$0x3FD9]  }
0x89: {  	s3 =	sld [smem:$0x3FFE];
	_ =	sdelay $0x1  }
0x8a: {  	s1 =	srdreg.scid  }
0x8b: {  	s0 =	sand.u32 $0x1, s1  }
0x8c: {  	s17 =	sshll.u32 s0, $0xA;
	s2 =	sadd.s32 s3, s2  }
0x8d: {  	s2 =	sadd.s32 s2, s17  }
0x8e: {  	[smem:$0x3FAB] =	sst s2  }
0x8f: {  	_ = 	snop  }
0x90: {  	s2 =	sld [smem:$0x3FD0];
	(tm) =	ssettm $0x1  }
0x91: {  	s18 =	sld [smem:$0x3FFB];
	_ =	sdelay $0x3  }
0x92: {  	_ =	strace s18  }
0x93: {  	s3 =	sld [smem:$0x3FFC];
	_ =	sdelay $0x3  }
0x94: {  	_ =	strace s3  }
0x95: {  	s3 =	sld [smem:$0x3FFD];
	_ =	sdelay $0x3  }
0x96: {  	_ =	strace s3  }
0x97: {  	_ =	strace $0x8FFFFFFF  }
0x98: {  	s19 =	sld [smem:$0x3FDB];
	_ =	sdelay $0x1  }
0x99: {  	s4 =	simm.s32 $_scs_section_size  }
0x9a: {  	s5 =	simm.s32 $_size__tile_overlayer_lowered;
	s6 =	simm.s32 $_tile_overlayer_lowered  }
0x9b: {  	s22 =	simm.s32 $0x1BFF;
	s21 =	sshll.u32 s6, $0x1;
	s3 =	sadd.s32 s4, s19  }
0x9c: {  	s7 =	simm.s32 $0x0;
	s20 =	sshll.u32 s5, $0x1;
	s5 =	sadd.s32 s21, s3  }
0x9d: {  	[timem:s7], [sflag:s22] =	dma.local [hbm:s5], s20  }
0x9e: {  	_ =	swait.ge [sflag:s22], s20  }
0x9f: {  	s4 =	ssub.s32 $0x0, s20;
	[sflag:s22] =	ssyncset.done $0x0  }
0xa0: {  	[sflag:s22] =	ssyncadd.s32 s4;
	_ =	sdelay $0x1  }
0xa1: {  	s23 =	simm.s32 $0x1B8B  }
0xa2: {  	_ =	swait.ge [sflag:s23], $0x1  }
0xa3: {  	[sflag:s23] =	ssyncset.done $0x0  }
0xa4: {  	s25 =	simm.s32 $0x1B8E;
	s24 =	sld [smem:$0x3FFE];
	[sflag:s23] =	ssyncadd.s32 $0xFFFFFFFF  }
0xa5: {  	s26 =	simm.s32 $execute0_lowered;
	[smem:$0x3FD2] =	sst s25  }
0xa6: {  	s5 =	sshll.u32 s26, $0x1;
	_ =	strace $0x80000049;
	[dreg:$0x1] =	wrdreg $0xFFFFFFFF  }
0xa7: {  	s28 =	simm.s32 $_size_execute0_lowered;
	s3 =	sadd.s32 s3, s5;
	[dreg:$0x0] =	wrdreg $0x0  }
0xa8: {  	s5 =	sshll.u32 s28, $0x1;
	[dreg:$0x2] =	wrdreg s3  }
0xa9: {  	[dreg:$0x3] =	wrdreg s5  }
0xaa: {  	[dreg:$0x4] =	wrdreg $0xC0  }
0xab: {  	_ =	task [dreg:s7], $0x5FFFF  }
0xac: {  	[dreg:$0x1] =	wrdreg $0xFFFFFFFF  }
0xad: {  	[dreg:$0x0] =	wrdreg $0x60  }
0xae: {  	[dreg:$0x2] =	wrdreg s24  }
0xaf: {  	[dreg:$0x3] =	wrdreg s2  }
0xb0: {  	[dreg:$0x4] =	wrdreg $0x0  }
0xb1: {  	[dreg:$0x5] =	wrdreg $0x9  }
0xb2: {  	_ =	task.clear_ibuf [dreg:s7], $0x6FFFF;
	_ =	strace $0x90000049  }
0xb3: {  	s29 =	simm.s32 $0x9;
	_ =	strace $0x8000004B  }
0xb4: {  	_ =	swait.ge [sflag:s29], $0x1  }
0xb5: {  	[sflag:s29] =	ssyncadd.s32 $0xFFFFFFFF  }
0xb6: {  	_ =	strace $0x9000004B  }
0xb7: {  	_ =	sfence  }
0xb8: {  	s30 =	sld [smem:$0x0];
	_ =	sdelay $0x2  }
0xb9: {  	s31 =	sshll.u32 s1, $0xD;
	s1 =	sshrl.u32 s1, $0x2  }
0xba: {  	s3 =	sand.u32 $0x4000, s31;
	s1 =	sadd.s32 s1, s30  }
0xbb: {  	s0 =	sor.u32 s3, s0;
	s1 =	sshll.u32 s1, $0x11  }
0xbc: {  	s0 =	sor.u32 s1, s0  }
0xbd: {  	s0 =	sadd.s32 $0x8F2B, s0  }
0xbe: {  	[sflag:s0] =	ssyncadd.remote.s32 $0x1  }
0xbf: {  	_ =	sfence.sel $0xFFFF  }
0xc0: {  	[dreg:$0x0] =	wrdreg $0xFFFFFFFF;
	(pc) =	sbr.abs _section_cstart, $3  }
0xc1: {  	[dreg:$0x1] =	wrdreg $0xFFFFFFFF  }
0xc2: {  	_ =	task.clear_ibuf [dreg:s7], $0x2FFFF;
	_ =	strace $0x9FFFFFFF  }
0xc3: {  	(tm) =	ssettm $0x7FFFFFFF  }
tec
execute0_lowered:
.L_overlay_start_1:
0x0: {  	(tag) =	ssettag $0x1  }
0x1: {  	s4 =	rddreg [dreg:$0x0]  }
0x2: {  	s6 =	rddreg [dreg:$0x1]  }
0x3: {  	s2 =	rddreg [dreg:$0x2]  }
0x4: {  	s0 =	rddreg [dreg:$0x3];
	s3 =	simm.s32 $0x0;
	s1 =	stileid.u32  }
0x5: {  	s5 =	srdreg.scid;
	s16 =	simm.s32 $0x162C0;
	s17 =	simm.s32 $0x3  }
0x6: {  	s18 =	simm.s32 $0x0;
	[smem:$0x7FF] =	sst s3;
	s7 =	smul.u32 $0x13C00, s1  }
0x7: {  	s5 =	sand.u32 $0x1, s5;
	s10 =	sadd.s32 $0x9E8600, s4;
	s11 =	sshll.u32 s1, $0x1  }
0x8: {  	s14 =	smul.u32 $0x4E20, s1;
	s26 =	sshll.u32 s1, $0x6;
	_ =	strace $0x8000004A  }
0x9: {  	s8 =	smul.u32 $0x13C000, s5;
	s11 =	sor.u32 s5, s11;
	s12 =	ssub.s32 $0x2, s5  }
0xa: {  	s25 =	smul.u32 $0x2710, s5;
	s5 =	sor.u32 $0x1C02, s26;
	s9 =	sshrl.u32 s7, $0x3  }
0xb: {  	s13 =	smul.u32 $0x2710, s11;
	s24 =	sshrl.u32 s12, $0x1;
	s15 =	sadd.s32 s7, s2  }
0xc: {  	s28 =	smul.u32 $0x27100, s11;
	s9 =	sadd.s32 s9, s4;
	s8 =	sadd.s32 s7, s8  }
0xd: {  	s12 =	ssub.s32 s12, s24;
	s30 =	sadd.s32 s25, s14;
	s11 =	sshrl.u32 s15, $0x3  }
0xe: {  	s14 =	simm.s32 $0x1;
	s15 =	simm.s32 $0x50;
	s8 =	sshrl.u32 s8, $0x3  }
0xf: {  	s29 =	sshrl.u32 s13, $0x3;
	s7 =	sadd.s32 s10, s28;
	s31 =	sshll.u32 s30, $0x4  }
0x10: {  	s13 =	simm.s32 $0x16310;
	s8 =	sadd.s32 s8, s4;
	s4 =	sadd.s32 $0xFA00, s9  }
0x11: {  	s6 =	sadd.s32 s6, s29;
	s9 =	smax.u32 s12, $0x1;
	s10 =	sadd.s32 s10, s31  }
0x12: {  	s12 =	simm.s32 $0x2;
	s8 =	sadd.s32 $0x37200, s8;
	s10 =	sadd.s32 $0x500, s10  }
.LBB2_1:
0x13: {  	[spmem:s11], [sflag:s5] =	dma.local [hbm:s4], $0x2780  }
0x14: {  	_ =	swait.ge [sflag:s12], $0x2780  }
0x15: {  	[sflag:s12] =	ssyncset.done $0x0  }
0x16: {  	s19 =	simm.s32 $0x13C00;
	[sflag:s12] =	ssyncadd.s32 $0xFFFFD880  }
0x17: {  	[tilespmem:s19], [sflag:$0x2] =	stream.linear.gather [hbm4b:s6+s3], $0x2710, $0x38;
	[tilespmem:$0x1B310] =	vst v63  }
0x18: {  	_ =	swait.ge [sflag:s12], $0x2710  }
0x19: {  	[sflag:s12] =	ssyncset.done $0x0  }
0x1a: {  	s20 =	sand.u32 $0x1, s3;
	[sflag:s12] =	ssyncadd.s32 $0xFFFFD8F0  }
0x1b: {  	p0 =	seq.s32 s20, $0x1;
	p1 =	seq.s32 s20, $0x0;
	[bflag:$0x0] =	sbarrier.arrive $0xFFFF  }
0x1c: {  	[tilespmem:s13], [sflag:$0x1] =	stream.linear.gather [hbm4b:s7+s3], $0x2800, $0x38;
	[tilespmem:$0x1B310] =	vst v63  }
0x1d: {  	p2 =	sne.s32 s20, $0x0;
	s21 =	simm.s32 @!p0 $0x0;
	s22 =	simm.s32 @!p0 $0x18B10  }
0x1e: {  	[tilespmem:s22], [sflag:$0x1] =	stream.linear.gather @!p0 [hbm4b:s10+s21], $0x2800, $0x38;
	[tilespmem:$0x1B310] =	vst v63  }
0x1f: {  	s20 =	simm.s32 @!p2 $0x1;
	s21 =	simm.s32 @!p1 $0x0;
	s22 =	simm.s32 @!p1 $0x16310  }
0x20: {  	[tilespmem:s22], [sflag:$0x1] =	stream.linear.gather @!p1 [hbm4b:s10+s21], $0x2800, $0x38;
	[tilespmem:$0x1B310] =	vst v63  }
0x21: {  	_ =	swait.ge @!p2 [sflag:s20], $0x2800  }
0x22: {  	s21 =	simm.s32 @!p2 $0x50;
	[sflag:s20] =	ssyncset.done @!p2 $0x0  }
0x23: {  	s22 =	simm.s32 @!p2 $0x16310;
	[sflag:s20] =	ssyncadd.s32 @!p2 $0xFFFFD800;
	s20 =	simm.s32 @!p2 $0x3  }
0x24: {  	[spmem:s2] =	stream.indirect.scatter.add.f32 @!p2 [tilespmem:s22], [sflag:$0x3], $0x80, s19, s21, $0xb8;
	[tilespmem:$0x1B310] =	vst v63  }
0x25: {  	_ =	swait.ge @!p2 [sflag:s20], $0x2800  }
0x26: {  	p0 =	por p0, p0;
	[sflag:s20] =	ssyncset.done @!p2 $0x0  }
0x27: {  	s21 =	simm.s32 @p0 $0x1;
	[sflag:s20] =	ssyncadd.s32 @!p2 $0xFFFFD800  }
0x28: {  	_ =	swait.ge @p0 [sflag:s21], $0x2800  }
0x29: {  	s31 =	simm.s32 $0x1;
	[sflag:s21] =	ssyncset.done @p0 $0x0  }
0x2a: {  	s23 =	simm.s32 @p0 $0x18B10;
	s20 =	simm.s32 @p0 $0x50;
	[sflag:s21] =	ssyncadd.s32 @p0 $0xFFFFD800  }
0x2b: {  	[spmem:s2] =	stream.indirect.scatter.add.f32 @p0 [tilespmem:s23], [sflag:$0x2], $0x80, s19, s20, $0xb8;
	[tilespmem:$0x1B310] =	vst v63  }
0x2c: {  	s22 =	sand.u32 $0x1, s31;
	s21 =	simm.s32 $0x2;
	s23 =	simm.s32 @p0 $0x2  }
0x2d: {  	s20 =	sadd.s32 $0x500, s10;
	s19 =	simm.s32 $0x13C50;
	_ =	swait.ge @p0 [sflag:s23], $0x2800  }
.LBB2_2:
0x2e: {  	p3 =	seq.s32 s22, $0x1;
	p1 =	seq.s32 s22, $0x0;
	[sflag:s23] =	ssyncset.done @p0 $0x0  }
0x2f: {  	s24 =	simm.s32 @!p3 $0x0;
	s25 =	simm.s32 @!p3 $0x18B10;
	[sflag:s23] =	ssyncadd.s32 @p0 $0xFFFFD800  }
0x30: {  	[tilespmem:s25], [sflag:$0x1] =	stream.linear.gather @!p3 [hbm4b:s20+s24], $0x2800, $0x38;
	[tilespmem:$0x1B310] =	vst v63  }
0x31: {  	p2 =	sne.s32 s22, $0x0;
	s23 =	simm.s32 @!p1 $0x0;
	s24 =	simm.s32 @!p1 $0x16310  }
0x32: {  	[tilespmem:s24], [sflag:$0x1] =	stream.linear.gather @!p1 [hbm4b:s20+s23], $0x2800, $0x38;
	[tilespmem:$0x1B310] =	vst v63  }
0x33: {  	s22 =	simm.s32 @!p2 $0x1;
	s24 =	smov.u32 s21;
	s21 =	sadd.s32 $0x1, s21  }
0x34: {  	p0 =	por p3, p3;
	p1 =	sne.s32 s21, $0x7C;
	_ =	swait.ge @!p2 [sflag:s22], $0x2800  }
0x35: {  	s25 =	simm.s32 @!p2 $0x16310;
	s23 =	simm.s32 @!p2 $0x50;
	[sflag:s22] =	ssyncset.done @!p2 $0x0  }
0x36: {  	[sflag:s22] =	ssyncadd.s32 @!p2 $0xFFFFD800;
	s22 =	simm.s32 @!p2 $0x3  }
0x37: {  	[spmem:s2] =	stream.indirect.scatter.add.f32 @!p2 [tilespmem:s25], [sflag:$0x3], $0x80, s19, s23, $0xb8;
	[tilespmem:$0x1B310] =	vst v63  }
0x38: {  	_ =	swait.ge @!p2 [sflag:s22], $0x2800  }
0x39: {  	s23 =	simm.s32 @p0 $0x1;
	[sflag:s22] =	ssyncset.done @!p2 $0x0  }
0x3a: {  	[sflag:s22] =	ssyncadd.s32 @!p2 $0xFFFFD800  }
.Ltmp0:
0x3b: {  	_ =	swait.ge @p0 [sflag:s23], $0x2800;
	(pc) =	sbr.rel @p1 .LBB2_2-.Ltmp0, $4  }
0x3c: {  	s25 =	simm.s32 @p0 $0x18B10;
	s22 =	simm.s32 @p0 $0x50;
	[sflag:s23] =	ssyncset.done @p0 $0x0  }
0x3d: {  	s20 =	sadd.s32 $0x500, s20;
	[sflag:s23] =	ssyncadd.s32 @p0 $0xFFFFD800;
	s23 =	simm.s32 @p0 $0x2  }
0x3e: {  	[spmem:s2] =	stream.indirect.scatter.add.f32 @p0 [tilespmem:s25], [sflag:$0x2], $0x80, s19, s22, $0xb8;
	[tilespmem:$0x1B310] =	vst v63  }
0x3f: {  	s22 =	sand.u32 $0x1, s24;
	s19 =	sadd.s32 $0x50, s19;
	_ =	swait.ge @p0 [sflag:s23], $0x2800  }
0x40: {  	p1 =	seq.s32 s22, $0x1;
	p2 =	seq.s32 s22, $0x0;
	[sflag:s23] =	ssyncset.done @p0 $0x0  }
0x41: {  	s21 =	simm.s32 @!p1 $0x0;
	s24 =	simm.s32 @!p1 $0x18B10;
	[sflag:s23] =	ssyncadd.s32 @p0 $0xFFFFD800  }
0x42: {  	[tilespmem:s24], [sflag:$0x1] =	stream.linear.gather @!p1 [hbm4b:s20+s21], $0x2800, $0x38;
	[tilespmem:$0x1B310] =	vst v63  }
0x43: {  	s23 =	simm.s32 @!p2 $0x16310;
	p0 =	sne.s32 s22, $0x0;
	s21 =	simm.s32 @!p2 $0x0  }
0x44: {  	[tilespmem:s23], [sflag:$0x1] =	stream.linear.gather @!p2 [hbm4b:s20+s21], $0x2800, $0x38;
	[tilespmem:$0x1B310] =	vst v63  }
0x45: {  	s20 =	simm.s32 @!p0 $0x1  }
0x46: {  	_ =	swait.ge @!p0 [sflag:s20], $0x2800  }
0x47: {  	s22 =	simm.s32 @!p0 $0x16310;
	[sflag:s20] =	ssyncset.done @!p0 $0x0  }
0x48: {  	s21 =	simm.s32 @!p0 $0x50;
	[sflag:s20] =	ssyncadd.s32 @!p0 $0xFFFFD800;
	s20 =	simm.s32 @!p0 $0x3  }
0x49: {  	[spmem:s2] =	stream.indirect.scatter.add.f32 @!p0 [tilespmem:s22], [sflag:$0x3], $0x80, s19, s21, $0xb8;
	[tilespmem:$0x1B310] =	vst v63  }
0x4a: {  	_ =	swait.ge @!p0 [sflag:s20], $0x2800  }
0x4b: {  	p1 =	por p1, p1;
	[sflag:s20] =	ssyncset.done @!p0 $0x0  }
0x4c: {  	s21 =	simm.s32 @p1 $0x1;
	[sflag:s20] =	ssyncadd.s32 @!p0 $0xFFFFD800  }
0x4d: {  	_ =	swait.ge @p1 [sflag:s21], $0x2800  }
0x4e: {  	s22 =	simm.s32 @p1 $0x18B10;
	[sflag:s21] =	ssyncset.done @p1 $0x0  }
0x4f: {  	s20 =	simm.s32 @p1 $0x50;
	[sflag:s21] =	ssyncadd.s32 @p1 $0xFFFFD800;
	s21 =	simm.s32 @p1 $0x2  }
0x50: {  	[spmem:s2] =	stream.indirect.scatter.add.f32 @p1 [tilespmem:s22], [sflag:$0x2], $0x80, s19, s20, $0xb8;
	[tilespmem:$0x1B310] =	vst v63  }
0x51: {  	_ =	swait.ge @p1 [sflag:s21], $0x2800  }
0x52: {  	[sflag:s21] =	ssyncset.done @p1 $0x0  }
0x53: {  	[sflag:s21] =	ssyncadd.s32 @p1 $0xFFFFD800  }
0x54: {  	_ =	swait.ge [sflag:s14], $0x2800  }
0x55: {  	[sflag:s14] =	ssyncset.done $0x0  }
0x56: {  	[sflag:s14] =	ssyncadd.s32 $0xFFFFD800  }
0x57: {  	[spmem:s2] =	stream.indirect.scatter.add.f32 [tilespmem:s13], [sflag:$0x3], $0x80, s16, s15, $0xb8;
	[tilespmem:$0x1B310] =	vst v63  }
0x58: {  	_ =	swait.ge [sflag:s17], $0x2800  }
0x59: {  	s18 =	sadd.s32 $0x1, s18;
	[sflag:s17] =	ssyncset.done $0x0  }
0x5a: {  	p0 =	sne.s32 s18, s9;
	[sflag:s17] =	ssyncadd.s32 $0xFFFFD800  }
.Ltmp1:
0x5b: {  	[bflag:$0x0] =	sbarrier.arrive $0xFFFF;
	(pc) =	sbr.rel @p0 .LBB2_1-.Ltmp1, $4  }
0x5c: {  	[hbm:s8], [sflag:s5] =	dma.local [spmem:s11], $0x2780  }
0x5d: {  	_ =	swait.ge [sflag:s12], $0x2780  }
0x5e: {  	[sflag:s12] =	ssyncset.done $0x0  }
0x5f: {  	[sflag:s12] =	ssyncadd.s32 $0xFFFFD880  }
0x60: {  	_ =	sfence.sel $0x180000  }
0x61: {  	[bflag:$0x0] =	sbarrier.arrive $0xFFFF  }
0x62: {  	p0 =	sne.s32 s1, $0x0;
	_ =	strace $0x9000004A  }
0x63: {  	s0 =	sadd.s32 @!p0 $0x100000, s0;
	[bflag:$0x2] =	sbarrier.arrive $0xFFFF  }
0x64: {  	[sflag:s0] =	ssyncadd.tile.s32 @!p0 $0x1;
	_ =	shalt  }
.Lfunc_end2:
_tile_overlayer_lowered:
.L_overlay_start_2:
0x65: {  	(tag) =	ssettag $0x2  }
0x66: {  	s0 =	rddreg [dreg:$0x0];
	s2 =	stileid.u32  }
0x67: {  	s1 =	rddreg [dreg:$0x1];
	p0 =	sne.s32 s2, $0x0  }
0x68: {  	s3 =	rddreg [dreg:$0x2];
	[bflag:$0x3] =	sbarrier.arrive $0xFFFF;
	s2 =	simm.s32 @!p0 $0x1C02  }
0x69: {  	[timem:s3], [sflag:s2] =	dma.local @!p0 [hbm:s0], s1  }
0x6a: {  	s0 =	simm.s32 @!p0 $0x2  }
0x6b: {  	_ =	swait.ge @!p0 [sflag:s0], s1  }
0x6c: {  	s1 =	ssub.s32 @!p0 $0x0, s1;
	[sflag:s0] =	ssyncset.done @!p0 $0x0  }
0x6d: {  	[sflag:s0] =	ssyncadd.s32 @!p0 s1  }
0x6e: {  	[bflag:$0x3] =	sbarrier.arrive $0xFFFF  }
0x6f: {  	_ =	shalt  }

// kernel: kernel.18.cloned.1.call-start
scs
__scs_entry_jumppad:
0x0: {  	(pc) =	sbr.rel $0x88, $3  }
0x1: {  	(tag) =	ssettag $0x0;
	lr =	simm.s32 $0x1  }
0x2: {  	[smem:$0x3F84] =	sst lr;
	_ =	strace $0xD0000000  }
0x3: {  	_ = 	snop  }
0x4: {  	_ = 	snop  }
0x5: {  	_ = 	snop  }
0x6: {  	_ = 	snop  }
0x7: {  	_ = 	snop  }
__scs_overlays_trampoline_lowered:
0x8: {  	[smem:$0x3F93] =	sst s0  }
0x9: {  	[smem:$0x3F94] =	sst s1  }
0xa: {  	[smem:$0x3F95] =	sst s2  }
0xb: {  	[smem:$0x3F96] =	sst s3  }
0xc: {  	[smem:$0x3F97] =	sst s4  }
0xd: {  	[smem:$0x3F98] =	sst s5  }
0xe: {  	[smem:$0x3F99] =	sst s6  }
0xf: {  	[smem:$0x3F9A] =	sst s7  }
0x10: {  	[smem:$0x3F9B] =	sst s8  }
0x11: {  	[smem:$0x3F9C] =	sst s9;
	s0 =	simm.s32 @!p0 $0x0  }
0x12: {  	s1 =	sld [smem:$0x3F82];
	s0 =	simm.s32 @p0 $0x1  }
0x13: {  	[smem:$0x3F9D] =	sst s0;
	s0 =	simm.s32 @!p1 $0x0  }
0x14: {  	s2 =	sld [smem:$0x3F81];
	s0 =	simm.s32 @p1 $0x1  }
0x15: {  	[smem:$0x3F9E] =	sst s0;
	s0 =	simm.s32 @!p2 $0x0  }
0x16: {  	s3 =	sld [smem:$0x3FDB];
	s0 =	simm.s32 @p2 $0x1  }
0x17: {  	s4 =	simm.s32 $0x1BF5;
	[smem:$0x3FA0] =	sst s0  }
0x18: {  	s0 =	sld [smem:$0x3F83];
	_ =	swait.ge [sflag:s4], $0x0  }
0x19: {  	s7 =	sld [smem:$0x3F84]  }
0x1a: {  	s8 =	sadd.s32 $0xFFFFE003, lr  }
0x1b: {  	s9 =	sadd.s32 $0xFFFFFEF7, lr;
	s5 =	simm.s32 $0xFFFFFFFF;
	p2 =	slt.u32 s8, $0xFFFFF086  }
0x1c: {  	p1 =	slt.u32 s9, $0xF7A;
	s5 =	simm.s32 @!p2 $0x0  }
0x1d: {  	s5 =	simm.s32 @p1 $0x1;
	p0 =	seq.s32 s7, s2  }
0x1e: {  	s7 =	smul.u32 @!p0 $0xF7A, s2;
	p2 =	seq.s32 @!p0 s5, $0x0  }
0x1f: {  	s9 =	smul.u32 $0xF7A, s1;
	s8 =	simm.s32 @!p0 $0x1BF5;
	p2 =	por !p2, p0  }
0x20: {  	[sflag:s8] =	ssyncset.s32 @!p0 $0xFFFFF086;
	s6 =	sadd.s32 @!p0 s3, s7;
	s7 =	simm.s32 @!p0 $0x108  }
0x21: {  	s3 =	sadd.s32 s3, s9;
	s6 =	sadd.s32 @!p0 $0x88, s6;
	s7 =	simm.s32 @p2 $0x1082  }
0x22: {  	[simem:s7], [sflag:s8] =	dma.local @!p0 [hbm:s6], $0xF7A  }
0x23: {  	s9 =	sor.u32 $0xD0000000, s2;
	s6 =	simm.s32 $0x108;
	_ =	swait.ge @!p0 [sflag:s8], $0x0  }
0x24: {  	s3 =	sadd.s32 $0x88, s3;
	s6 =	simm.s32 @!p1 $0x1082;
	[sflag:s4] =	ssyncset.s32 $0xFFFFF086  }
0x25: {  	[simem:s6], [sflag:s4] =	dma.local [hbm:s3], $0xF7A  }
0x26: {  	[smem:$0x3F84] =	sst s1;
	(tag) =	ssettag s2;
	_ =	strace s9  }
0x27: {  	s1 =	sld [smem:$0x3F94]  }
0x28: {  	s2 =	sld [smem:$0x3F95]  }
0x29: {  	s4 =	sld [smem:$0x3F97]  }
0x2a: {  	p0 =	seq.s32 s5, $0x0;
	s5 =	sld [smem:$0x3F98]  }
0x2b: {  	s6 =	sld [smem:$0x3F99]  }
0x2c: {  	s7 =	sld [smem:$0x3F9A]  }
0x2d: {  	s3 =	simm.s32 $0x108;
	s8 =	sld [smem:$0x3F9B]  }
0x2e: {  	s3 =	simm.s32 @!p0 $0x1082;
	s9 =	sld [smem:$0x3F9C]  }
0x2f: {  	lr =	sadd.s32 s0, s3;
	s0 =	sld [smem:$0x3F93]  }
0x30: {  	s3 =	sld [smem:$0x3F96]  }
0x31: {  	[smem:$0x3F9F] =	sst s10  }
0x32: {  	s10 =	sld [smem:$0x3F9D];
	_ =	sdelay $0x3  }
0x33: {  	p0 =	seq.s32 s10, $0x1;
	s10 =	sld [smem:$0x3F9F];
	_ =	sdelay $0x3  }
0x34: {  	[smem:$0x3F9F] =	sst s10  }
0x35: {  	s10 =	sld [smem:$0x3F9E];
	_ =	sdelay $0x3  }
0x36: {  	p1 =	seq.s32 s10, $0x1;
	s10 =	sld [smem:$0x3F9F];
	_ =	sdelay $0x3  }
0x37: {  	[smem:$0x3F9F] =	sst s10  }
0x38: {  	s10 =	sld [smem:$0x3FA0]  }
0x39: {  	_ = 	snop;
	(pc) =	sbr.ind lr, $3  }
0x3a: {  	_ = 	snop  }
0x3b: {  	_ = 	snop  }
0x3c: {  	p2 =	seq.s32 s10, $0x1;
	s10 =	sld [smem:$0x3F9F]  }
0x3d: {  	_ =	shalt  }
0x3e: {  	_ =	shalt  }
0x3f: {  	_ =	shalt  }
0x40: {  	_ =	shalt  }
0x41: {  	_ =	shalt  }
0x42: {  	_ =	shalt  }
0x43: {  	_ =	shalt  }
0x44: {  	_ =	shalt  }
0x45: {  	_ =	shalt  }
0x46: {  	_ =	shalt  }
0x47: {  	_ =	shalt  }
0x48: {  	_ =	shalt  }
0x49: {  	_ =	shalt  }
0x4a: {  	_ =	shalt  }
0x4b: {  	_ =	shalt  }
0x4c: {  	_ =	shalt  }
0x4d: {  	_ =	shalt  }
0x4e: {  	_ =	shalt  }
0x4f: {  	_ =	shalt  }
0x50: {  	_ =	shalt  }
0x51: {  	_ =	shalt  }
0x52: {  	_ =	shalt  }
0x53: {  	_ =	shalt  }
0x54: {  	_ =	shalt  }
0x55: {  	_ =	shalt  }
0x56: {  	_ =	shalt  }
0x57: {  	_ =	shalt  }
0x58: {  	_ =	shalt  }
0x59: {  	_ =	shalt  }
0x5a: {  	_ =	shalt  }
0x5b: {  	_ =	shalt  }
0x5c: {  	_ =	shalt  }
0x5d: {  	_ =	shalt  }
0x5e: {  	_ =	shalt  }
0x5f: {  	_ =	shalt  }
0x60: {  	_ =	shalt  }
0x61: {  	_ =	shalt  }
0x62: {  	_ =	shalt  }
0x63: {  	_ =	shalt  }
0x64: {  	_ =	shalt  }
0x65: {  	_ =	shalt  }
0x66: {  	_ =	shalt  }
0x67: {  	_ =	shalt  }
0x68: {  	_ =	shalt  }
0x69: {  	_ =	shalt  }
0x6a: {  	_ =	shalt  }
0x6b: {  	_ =	shalt  }
0x6c: {  	_ =	shalt  }
0x6d: {  	_ =	shalt  }
0x6e: {  	_ =	shalt  }
0x6f: {  	_ =	shalt  }
0x70: {  	_ =	shalt  }
0x71: {  	_ =	shalt  }
0x72: {  	_ =	shalt  }
0x73: {  	_ =	shalt  }
0x74: {  	_ =	shalt  }
0x75: {  	_ =	shalt  }
0x76: {  	_ =	shalt  }
0x77: {  	_ =	shalt  }
0x78: {  	_ =	shalt  }
0x79: {  	_ =	shalt  }
0x7a: {  	_ =	shalt  }
0x7b: {  	_ =	shalt  }
0x7c: {  	_ =	shalt  }
0x7d: {  	_ =	shalt  }
0x7e: {  	_ =	shalt  }
0x7f: {  	_ =	shalt  }
0x80: {  	_ =	shalt  }
0x81: {  	_ =	shalt  }
0x82: {  	_ =	shalt  }
0x83: {  	_ =	shalt  }
0x84: {  	_ =	shalt  }
0x85: {  	_ =	shalt  }
0x86: {  	_ =	shalt  }
0x87: {  	_ =	shalt  }
.Lfunc_end0:
.L_simem_size_0:
called_computation.2_lowered:
.L_overlay_start_0:
0x88: {  	s2 =	sld [smem:$0x3FD9]  }
0x89: {  	s3 =	sld [smem:$0x3FFE];
	_ =	sdelay $0x1  }
0x8a: {  	s1 =	srdreg.scid  }
0x8b: {  	s0 =	sand.u32 $0x1, s1  }
0x8c: {  	s17 =	sshll.u32 s0, $0xA;
	s2 =	sadd.s32 s3, s2  }
0x8d: {  	s2 =	sadd.s32 s2, s17  }
0x8e: {  	[smem:$0x3FAB] =	sst s2  }
0x8f: {  	_ = 	snop  }
0x90: {  	s2 =	sld [smem:$0x3FD0];
	(tm) =	ssettm $0x1  }
0x91: {  	s18 =	sld [smem:$0x3FFB];
	_ =	sdelay $0x3  }
0x92: {  	_ =	strace s18  }
0x93: {  	s3 =	sld [smem:$0x3FFC];
	_ =	sdelay $0x3  }
0x94: {  	_ =	strace s3  }
0x95: {  	s3 =	sld [smem:$0x3FFD];
	_ =	sdelay $0x3  }
0x96: {  	_ =	strace s3  }
0x97: {  	_ =	strace $0x8FFFFFFF  }
0x98: {  	s19 =	sld [smem:$0x3FDB];
	_ =	sdelay $0x1  }
0x99: {  	s4 =	simm.s32 $_scs_section_size  }
0x9a: {  	s5 =	simm.s32 $_size__tile_overlayer_lowered;
	s6 =	simm.s32 $_tile_overlayer_lowered  }
0x9b: {  	s22 =	simm.s32 $0x1BFF;
	s21 =	sshll.u32 s6, $0x1;
	s3 =	sadd.s32 s4, s19  }
0x9c: {  	s7 =	simm.s32 $0x0;
	s20 =	sshll.u32 s5, $0x1;
	s5 =	sadd.s32 s21, s3  }
0x9d: {  	[timem:s7], [sflag:s22] =	dma.local [hbm:s5], s20  }
0x9e: {  	_ =	swait.ge [sflag:s22], s20  }
0x9f: {  	s4 =	ssub.s32 $0x0, s20;
	[sflag:s22] =	ssyncset.done $0x0  }
0xa0: {  	[sflag:s22] =	ssyncadd.s32 s4;
	_ =	sdelay $0x1  }
0xa1: {  	s23 =	simm.s32 $0x1B8B  }
0xa2: {  	_ =	swait.ge [sflag:s23], $0x1  }
0xa3: {  	[sflag:s23] =	ssyncset.done $0x0  }
0xa4: {  	s25 =	simm.s32 $0x1B8E;
	s24 =	sld [smem:$0x3FFE];
	[sflag:s23] =	ssyncadd.s32 $0xFFFFFFFF  }
0xa5: {  	s26 =	simm.s32 $execute0_lowered;
	[smem:$0x3FD2] =	sst s25  }
0xa6: {  	s5 =	sshll.u32 s26, $0x1;
	_ =	strace $0x8000004C;
	[dreg:$0x1] =	wrdreg $0xFFFFFFFF  }
0xa7: {  	s28 =	simm.s32 $_size_execute0_lowered;
	s3 =	sadd.s32 s3, s5;
	[dreg:$0x0] =	wrdreg $0x0  }
0xa8: {  	s5 =	sshll.u32 s28, $0x1;
	[dreg:$0x2] =	wrdreg s3  }
0xa9: {  	[dreg:$0x3] =	wrdreg s5  }
0xaa: {  	[dreg:$0x4] =	wrdreg $0xC0  }
0xab: {  	_ =	task [dreg:s7], $0x5FFFF  }
0xac: {  	[dreg:$0x1] =	wrdreg $0xFFFFFFFF  }
0xad: {  	[dreg:$0x0] =	wrdreg $0x60  }
0xae: {  	[dreg:$0x2] =	wrdreg s24  }
0xaf: {  	[dreg:$0x3] =	wrdreg s2  }
0xb0: {  	[dreg:$0x4] =	wrdreg $0x9  }
0xb1: {  	_ =	task.clear_ibuf [dreg:s7], $0x5FFFF;
	_ =	strace $0x9000004C  }
0xb2: {  	s29 =	simm.s32 $0x9;
	_ =	strace $0x8000004E  }
0xb3: {  	_ =	swait.ge [sflag:s29], $0x1  }
0xb4: {  	[sflag:s29] =	ssyncadd.s32 $0xFFFFFFFF  }
0xb5: {  	_ =	strace $0x9000004E  }
0xb6: {  	_ =	sfence  }
0xb7: {  	s30 =	sld [smem:$0x0];
	_ =	sdelay $0x2  }
0xb8: {  	s31 =	sshll.u32 s1, $0xD;
	s1 =	sshrl.u32 s1, $0x2  }
0xb9: {  	s3 =	sand.u32 $0x4000, s31;
	s1 =	sadd.s32 s1, s30  }
0xba: {  	s0 =	sor.u32 s3, s0;
	s1 =	sshll.u32 s1, $0x11  }
0xbb: {  	s0 =	sor.u32 s1, s0  }
0xbc: {  	s0 =	sadd.s32 $0x8F2B, s0  }
0xbd: {  	[sflag:s0] =	ssyncadd.remote.s32 $0x1  }
0xbe: {  	_ =	sfence.sel $0xFFFF  }
0xbf: {  	[dreg:$0x0] =	wrdreg $0xFFFFFFFF;
	(pc) =	sbr.abs _section_cstart, $3  }
0xc0: {  	[dreg:$0x1] =	wrdreg $0xFFFFFFFF  }
0xc1: {  	_ =	task.clear_ibuf [dreg:s7], $0x2FFFF;
	_ =	strace $0x9FFFFFFF  }
0xc2: {  	(tm) =	ssettm $0x7FFFFFFF  }
0xc3: {  	_ =	shalt  }
tec
execute0_lowered:
.L_overlay_start_1:
0x0: {  	(tag) =	ssettag $0x1  }
0x1: {  	s4 =	rddreg [dreg:$0x0];
	s1 =	srdreg.scid  }
0x2: {  	s0 =	stileid.u32;
	s5 =	rddreg [dreg:$0x1];
	s2 =	simm.s32 $0x0  }
0x3: {  	s11 =	simm.s32 $0x4E20;
	s12 =	simm.s32 $0x7620;
	s13 =	simm.s32 $0x0  }
0x4: {  	s6 =	sand.u32 $0x1, s1;
	s3 =	sshll.u32 s0, $0x1;
	s1 =	rddreg [dreg:$0x2]  }
0x5: {  	[smem:$0x7FF] =	sst s2;
	s8 =	smul.u32 $0x27100, s0;
	s3 =	sor.u32 s6, s3  }
0x6: {  	_ =	strace $0x8000004D;
	s9 =	ssub.s32 $0x2, s6;
	s6 =	smul.u32 $0x13880, s6  }
0x7: {  	s7 =	smul.u32 $0x2710, s3;
	s8 =	sadd.s32 s8, s4;
	s31 =	sshrl.u32 s9, $0x1  }
0x8: {  	s3 =	sadd.s32 $0x4AC00, s4;
	s9 =	ssub.s32 s9, s31;
	s8 =	sadd.s32 s6, s8  }
0x9: {  	s7 =	sshrl.u32 s7, $0x3;
	s6 =	smax.u32 s9, $0x1;
	s9 =	simm.s32 $0x3  }
0xa: {  	s10 =	sadd.s32 s7, s4;
	s5 =	sadd.s32 s5, s7;
	s7 =	sadd.s32 $0x4F1A00, s8  }
0xb: {  	s8 =	sadd.s32 $0x762A00, s8;
	s4 =	sadd.s32 $0x5C00, s10;
	s10 =	simm.s32 $0x2710  }
.LBB2_1:
0xc: {  	[tilespmem:s2], [sflag:$0x3] =	stream.linear.gather [hbm4b:s4+s2], $0x2710, $0x38;
	[tilespmem:$0x9E20] =	vst v63  }
0xd: {  	_ =	swait.ge [sflag:s9], $0x2710  }
0xe: {  	[sflag:s9] =	ssyncset.done $0x0  }
0xf: {  	[sflag:s9] =	ssyncadd.s32 $0xFFFFD8F0  }
0x10: {  	[tilespmem:s10], [sflag:$0x3] =	stream.linear.gather [hbm4b:s5+s2], $0x2710, $0x38;
	[tilespmem:$0x9E20] =	vst v63  }
0x11: {  	_ =	swait.ge [sflag:s9], $0x2710  }
0x12: {  	s15 =	sand.u32 $0x1, s2;
	p0 =	por $0x0, $0x0;
	[sflag:s9] =	ssyncset.done $0x0  }
0x13: {  	s14 =	simm.s32 $0x50;
	p1 =	sne.s32 @!p0 s15, $0x0;
	[sflag:s9] =	ssyncadd.s32 $0xFFFFD8F0  }
0x14: {  	[tilespmem:s11], [sflag:$0x1] =	stream.indirect.gather [hbm4b:s3+s14], $0x40, s2, s14, $0xb8;
	[tilespmem:$0x9E20] =	vst v63  }
0x15: {  	p0 =	por p1, p0  }
0x16: {  	[tilespmem:s12], [sflag:$0x2] =	stream.indirect.gather [hbm4b:s3+s14], $0x40, s10, s14, $0xb8;
	[tilespmem:$0x9E20] =	vst v63  }
0x17: {  	s16 =	simm.s32 @!p0 $0x50;
	s17 =	simm.s32 @!p0 $0x6220  }
0x18: {  	[tilespmem:s17], [sflag:$0x1] =	stream.indirect.gather @!p0 [hbm4b:s3+s16], $0x40, s14, s16, $0xb8;
	[tilespmem:$0x9E20] =	vst v63  }
0x19: {  	p2 =	seq.s32 s15, $0x0;
	s18 =	simm.s32 @!p0 $0x8A20;
	s17 =	simm.s32 $0x2760  }
0x1a: {  	[tilespmem:s18], [sflag:$0x2] =	stream.indirect.gather @!p0 [hbm4b:s3+s16], $0x40, s17, s16, $0xb8;
	[tilespmem:$0x9E20] =	vst v63  }
0x1b: {  	s16 =	simm.s32 @!p2 $0x50;
	s18 =	simm.s32 @!p2 $0x4E20  }
0x1c: {  	[tilespmem:s18], [sflag:$0x1] =	stream.indirect.gather @!p2 [hbm4b:s3+s16], $0x40, s14, s16, $0xb8;
	[tilespmem:$0x9E20] =	vst v63  }
0x1d: {  	p1 =	sne.s32 s15, $0x0;
	s14 =	simm.s32 @!p2 $0x7620  }
0x1e: {  	[tilespmem:s14], [sflag:$0x2] =	stream.indirect.gather @!p2 [hbm4b:s3+s16], $0x40, s17, s16, $0xb8;
	[tilespmem:$0x9E20] =	vst v63  }
0x1f: {  	s14 =	simm.s32 @!p1 $0x1  }
0x20: {  	_ =	swait.ge @!p1 [sflag:s14], $0x1400  }
0x21: {  	s18 =	simm.s32 @!p1 $0x0;
	s16 =	simm.s32 @!p1 $0x4E20;
	[sflag:s14] =	ssyncset.done @!p1 $0x0  }
0x22: {  	s17 =	sadd.s32 @!p1 $0x0, s8;
	[sflag:s14] =	ssyncadd.s32 @!p1 $0xFFFFEC00;
	s14 =	simm.s32 @!p1 $0x4  }
0x23: {  	[hbm4b:s17+s18] =	stream.linear.scatter @!p1 [tilespmem:s16], [sflag:$0x4], $0x1400, $0x38;
	[tilespmem:$0x9E20] =	vst v63  }
0x24: {  	_ =	swait.ge @!p1 [sflag:s14], $0x1400  }
0x25: {  	[sflag:s14] =	ssyncset.done @!p1 $0x0  }
0x26: {  	s16 =	simm.s32 @!p1 $0x2;
	[sflag:s14] =	ssyncadd.s32 @!p1 $0xFFFFEC00  }
0x27: {  	_ =	swait.ge @!p1 [sflag:s16], $0x1400  }
0x28: {  	[sflag:s16] =	ssyncset.done @!p1 $0x0  }
0x29: {  	s19 =	simm.s32 @!p1 $0x7620;
	s17 =	sadd.s32 @!p1 $0x0, s7;
	[sflag:s16] =	ssyncadd.s32 @!p1 $0xFFFFEC00  }
0x2a: {  	[hbm4b:s17+s18] =	stream.linear.scatter @!p1 [tilespmem:s19], [sflag:$0x4], $0x1400, $0x38;
	[tilespmem:$0x9E20] =	vst v63  }
0x2b: {  	_ =	swait.ge @!p1 [sflag:s14], $0x1400  }
0x2c: {  	p0 =	seq.s32 s15, $0x1;
	[sflag:s14] =	ssyncset.done @!p1 $0x0  }
0x2d: {  	s15 =	simm.s32 @p0 $0x1;
	[sflag:s14] =	ssyncadd.s32 @!p1 $0xFFFFEC00  }
0x2e: {  	_ =	swait.ge @p0 [sflag:s15], $0x1400  }
0x2f: {  	s16 =	sadd.s32 @p0 $0x0, s8;
	s19 =	simm.s32 @p0 $0x0;
	[sflag:s15] =	ssyncset.done @p0 $0x0  }
0x30: {  	s14 =	simm.s32 @p0 $0x6220;
	[sflag:s15] =	ssyncadd.s32 @p0 $0xFFFFEC00;
	s15 =	simm.s32 @p0 $0x4  }
0x31: {  	[hbm4b:s16+s19] =	stream.linear.scatter @p0 [tilespmem:s14], [sflag:$0x4], $0x1400, $0x38;
	[tilespmem:$0x9E20] =	vst v63  }
0x32: {  	_ =	swait.ge @p0 [sflag:s15], $0x1400  }
0x33: {  	[sflag:s15] =	ssyncset.done @p0 $0x0  }
0x34: {  	s16 =	simm.s32 @p0 $0x2;
	[sflag:s15] =	ssyncadd.s32 @p0 $0xFFFFEC00  }
0x35: {  	s20 =	sadd.s32 @p0 $0x0, s7;
	s21 =	simm.s32 @p0 $0x8A20;
	_ =	swait.ge @p0 [sflag:s16], $0x1400  }
0x36: {  	p2 =	por $0x0, $0x0;
	s17 =	simm.s32 $0x500;
	[sflag:s16] =	ssyncset.done @p0 $0x0  }
0x37: {  	s18 =	simm.s32 $0x1;
	s14 =	simm.s32 $0x280;
	[sflag:s16] =	ssyncadd.s32 @p0 $0xFFFFEC00  }
0x38: {  	[hbm4b:s20+s19] =	stream.linear.scatter @p0 [tilespmem:s21], [sflag:$0x3], $0x1400, $0x38;
	[tilespmem:$0x9E20] =	vst v63  }
0x39: {  	s15 =	simm.s32 $0xA0;
	s21 =	simm.s32 @p0 $0x3;
	s19 =	sand.u32 $0x1, s18  }
0x3a: {  	s16 =	simm.s32 $0x27B0;
	p3 =	sne.s32 @!p2 s19, $0x0;
	_ =	swait.ge @p0 [sflag:s21], $0x1400  }
.LBB2_2:
0x3b: {  	p2 =	por p3, p2;
	[sflag:s21] =	ssyncset.done @p0 $0x0  }
0x3c: {  	s20 =	smov.u32 s14;
	s14 =	smov.u32 s17;
	s17 =	sadd.s32 $0x280, s17  }
0x3d: {  	s22 =	simm.s32 @!p2 $0x50;
	s23 =	simm.s32 @!p2 $0x6220;
	[sflag:s21] =	ssyncadd.s32 @p0 $0xFFFFEC00  }
0x3e: {  	[tilespmem:s23], [sflag:$0x1] =	stream.indirect.gather @!p2 [hbm4b:s3+s22], $0x40, s15, s22, $0xb8;
	[tilespmem:$0x9E20] =	vst v63  }
0x3f: {  	p1 =	sne.s32 s17, $0x13880;
	s21 =	simm.s32 @!p2 $0x8A20;
	p0 =	seq.s32 s19, $0x0  }
0x40: {  	[tilespmem:s21], [sflag:$0x2] =	stream.indirect.gather @!p2 [hbm4b:s3+s22], $0x40, s16, s22, $0xb8;
	[tilespmem:$0x9E20] =	vst v63  }
0x41: {  	s21 =	simm.s32 @!p0 $0x50;
	s22 =	simm.s32 @!p0 $0x4E20  }
0x42: {  	[tilespmem:s22], [sflag:$0x1] =	stream.indirect.gather @!p0 [hbm4b:s3+s21], $0x40, s15, s21, $0xb8;
	[tilespmem:$0x9E20] =	vst v63  }
0x43: {  	p2 =	sne.s32 s19, $0x0;
	s22 =	simm.s32 @!p0 $0x7620  }
0x44: {  	[tilespmem:s22], [sflag:$0x2] =	stream.indirect.gather @!p0 [hbm4b:s3+s21], $0x40, s16, s21, $0xb8;
	[tilespmem:$0x9E20] =	vst v63  }
0x45: {  	s21 =	simm.s32 @!p2 $0x1  }
0x46: {  	s22 =	simm.s32 @!p2 $0x4E20;
	_ =	swait.ge @!p2 [sflag:s21], $0x1400  }
0x47: {  	s23 =	sadd.s32 @!p2 s20, s8;
	s24 =	simm.s32 @!p2 $0x0;
	[sflag:s21] =	ssyncset.done @!p2 $0x0  }
0x48: {  	[sflag:s21] =	ssyncadd.s32 @!p2 $0xFFFFEC00;
	s21 =	simm.s32 @!p2 $0x4  }
0x49: {  	[hbm4b:s23+s24] =	stream.linear.scatter @!p2 [tilespmem:s22], [sflag:$0x4], $0x1400, $0x38;
	[tilespmem:$0x9E20] =	vst v63  }
0x4a: {  	_ =	swait.ge @!p2 [sflag:s21], $0x1400  }
0x4b: {  	s22 =	simm.s32 @!p2 $0x2;
	[sflag:s21] =	ssyncset.done @!p2 $0x0  }
0x4c: {  	[sflag:s21] =	ssyncadd.s32 @!p2 $0xFFFFEC00  }
0x4d: {  	_ =	swait.ge @!p2 [sflag:s22], $0x1400  }
0x4e: {  	s25 =	simm.s32 @!p2 $0x7620;
	s23 =	sadd.s32 @!p2 s20, s7;
	[sflag:s22] =	ssyncset.done @!p2 $0x0  }
0x4f: {  	[sflag:s22] =	ssyncadd.s32 @!p2 $0xFFFFEC00  }
0x50: {  	[hbm4b:s23+s24] =	stream.linear.scatter @!p2 [tilespmem:s25], [sflag:$0x4], $0x1400, $0x38;
	[tilespmem:$0x9E20] =	vst v63  }
0x51: {  	p0 =	seq.s32 s19, $0x1;
	_ =	swait.ge @!p2 [sflag:s21], $0x1400  }
0x52: {  	s19 =	simm.s32 @p0 $0x1;
	[sflag:s21] =	ssyncset.done @!p2 $0x0  }
0x53: {  	[sflag:s21] =	ssyncadd.s32 @!p2 $0xFFFFEC00  }
0x54: {  	s21 =	simm.s32 @p0 $0x6220;
	_ =	swait.ge @p0 [sflag:s19], $0x1400  }
0x55: {  	s22 =	sadd.s32 @p0 s20, s8;
	s23 =	simm.s32 @p0 $0x0;
	[sflag:s19] =	ssyncset.done @p0 $0x0  }
0x56: {  	[sflag:s19] =	ssyncadd.s32 @p0 $0xFFFFEC00;
	s19 =	simm.s32 @p0 $0x4  }
0x57: {  	[hbm4b:s22+s23] =	stream.linear.scatter @p0 [tilespmem:s21], [sflag:$0x4], $0x1400, $0x38;
	[tilespmem:$0x9E20] =	vst v63  }
0x58: {  	_ =	swait.ge @p0 [sflag:s19], $0x1400  }
0x59: {  	s22 =	simm.s32 @p0 $0x2;
	[sflag:s19] =	ssyncset.done @p0 $0x0  }
0x5a: {  	s18 =	sadd.s32 $0x1, s18;
	s15 =	sadd.s32 $0x50, s15;
	[sflag:s19] =	ssyncadd.s32 @p0 $0xFFFFEC00  }
.Ltmp0:
0x5b: {  	s21 =	simm.s32 @p0 $0x3;
	_ =	swait.ge @p0 [sflag:s22], $0x1400;
	(pc) =	sbr.rel @p1 .LBB2_2-.Ltmp0, $4  }
0x5c: {  	s20 =	sadd.s32 @p0 s20, s7;
	s24 =	simm.s32 @p0 $0x8A20;
	[sflag:s22] =	ssyncset.done @p0 $0x0  }
0x5d: {  	p2 =	seq.s32 s14, $0x13600;
	s19 =	sand.u32 $0x1, s18;
	[sflag:s22] =	ssyncadd.s32 @p0 $0xFFFFEC00  }
0x5e: {  	[hbm4b:s20+s23] =	stream.linear.scatter @p0 [tilespmem:s24], [sflag:$0x3], $0x1400, $0x38;
	[tilespmem:$0x9E20] =	vst v63  }
0x5f: {  	s16 =	sadd.s32 $0x50, s16;
	p3 =	sne.s32 @!p2 s19, $0x0;
	_ =	swait.ge @p0 [sflag:s21], $0x1400  }
0x60: {  	p1 =	por p3, p2;
	[sflag:s21] =	ssyncset.done @p0 $0x0  }
0x61: {  	s17 =	simm.s32 @!p1 $0x50;
	s18 =	simm.s32 @!p1 $0x6220;
	[sflag:s21] =	ssyncadd.s32 @p0 $0xFFFFEC00  }
0x62: {  	[tilespmem:s18], [sflag:$0x1] =	stream.indirect.gather @!p1 [hbm4b:s3+s17], $0x40, s15, s17, $0xb8;
	[tilespmem:$0x9E20] =	vst v63  }
0x63: {  	p0 =	seq.s32 s19, $0x0;
	s18 =	simm.s32 @!p1 $0x8A20  }
0x64: {  	[tilespmem:s18], [sflag:$0x2] =	stream.indirect.gather @!p1 [hbm4b:s3+s17], $0x40, s16, s17, $0xb8;
	[tilespmem:$0x9E20] =	vst v63  }
0x65: {  	s17 =	simm.s32 @!p0 $0x50;
	s18 =	simm.s32 @!p0 $0x4E20  }
0x66: {  	[tilespmem:s18], [sflag:$0x1] =	stream.indirect.gather @!p0 [hbm4b:s3+s17], $0x40, s15, s17, $0xb8;
	[tilespmem:$0x9E20] =	vst v63  }
0x67: {  	p1 =	sne.s32 s19, $0x0;
	s15 =	simm.s32 @!p0 $0x7620  }
0x68: {  	[tilespmem:s15], [sflag:$0x2] =	stream.indirect.gather @!p0 [hbm4b:s3+s17], $0x40, s16, s17, $0xb8;
	[tilespmem:$0x9E20] =	vst v63  }
0x69: {  	s15 =	simm.s32 @!p1 $0x1  }
0x6a: {  	_ =	swait.ge @!p1 [sflag:s15], $0x1400  }
0x6b: {  	s18 =	simm.s32 @!p1 $0x0;
	s16 =	simm.s32 @!p1 $0x4E20;
	[sflag:s15] =	ssyncset.done @!p1 $0x0  }
0x6c: {  	s17 =	sadd.s32 @!p1 s14, s8;
	[sflag:s15] =	ssyncadd.s32 @!p1 $0xFFFFEC00;
	s15 =	simm.s32 @!p1 $0x4  }
0x6d: {  	[hbm4b:s17+s18] =	stream.linear.scatter @!p1 [tilespmem:s16], [sflag:$0x4], $0x1400, $0x38;
	[tilespmem:$0x9E20] =	vst v63  }
0x6e: {  	_ =	swait.ge @!p1 [sflag:s15], $0x1400  }
0x6f: {  	[sflag:s15] =	ssyncset.done @!p1 $0x0  }
0x70: {  	s16 =	simm.s32 @!p1 $0x2;
	[sflag:s15] =	ssyncadd.s32 @!p1 $0xFFFFEC00  }
0x71: {  	_ =	swait.ge @!p1 [sflag:s16], $0x1400  }
0x72: {  	[sflag:s16] =	ssyncset.done @!p1 $0x0  }
0x73: {  	s20 =	simm.s32 @!p1 $0x7620;
	s17 =	sadd.s32 @!p1 s14, s7;
	[sflag:s16] =	ssyncadd.s32 @!p1 $0xFFFFEC00  }
0x74: {  	[hbm4b:s17+s18] =	stream.linear.scatter @!p1 [tilespmem:s20], [sflag:$0x4], $0x1400, $0x38;
	[tilespmem:$0x9E20] =	vst v63  }
0x75: {  	_ =	swait.ge @!p1 [sflag:s15], $0x1400  }
0x76: {  	p0 =	seq.s32 s19, $0x1;
	[sflag:s15] =	ssyncset.done @!p1 $0x0  }
0x77: {  	s16 =	simm.s32 @p0 $0x1;
	[sflag:s15] =	ssyncadd.s32 @!p1 $0xFFFFEC00  }
0x78: {  	_ =	swait.ge @p0 [sflag:s16], $0x1400  }
0x79: {  	s17 =	sadd.s32 @p0 s14, s8;
	s18 =	simm.s32 @p0 $0x0;
	[sflag:s16] =	ssyncset.done @p0 $0x0  }
0x7a: {  	s15 =	simm.s32 @p0 $0x6220;
	[sflag:s16] =	ssyncadd.s32 @p0 $0xFFFFEC00;
	s16 =	simm.s32 @p0 $0x4  }
0x7b: {  	[hbm4b:s17+s18] =	stream.linear.scatter @p0 [tilespmem:s15], [sflag:$0x4], $0x1400, $0x38;
	[tilespmem:$0x9E20] =	vst v63  }
0x7c: {  	_ =	swait.ge @p0 [sflag:s16], $0x1400  }
0x7d: {  	[sflag:s16] =	ssyncset.done @p0 $0x0  }
0x7e: {  	s15 =	simm.s32 @p0 $0x2;
	[sflag:s16] =	ssyncadd.s32 @p0 $0xFFFFEC00  }
0x7f: {  	s13 =	sadd.s32 $0x1, s13;
	s14 =	sadd.s32 @p0 s14, s7;
	_ =	swait.ge @p0 [sflag:s15], $0x1400  }
0x80: {  	p1 =	sne.s32 s13, s6;
	s17 =	simm.s32 @p0 $0x8A20;
	[sflag:s15] =	ssyncset.done @p0 $0x0  }
.Ltmp1:
0x81: {  	s16 =	simm.s32 @p0 $0x3;
	[sflag:s15] =	ssyncadd.s32 @p0 $0xFFFFEC00;
	(pc) =	sbr.rel @p1 .LBB2_1-.Ltmp1, $4  }
0x82: {  	[hbm4b:s14+s18] =	stream.linear.scatter @p0 [tilespmem:s17], [sflag:$0x3], $0x1400, $0x38;
	[tilespmem:$0x9E20] =	vst v63  }
0x83: {  	_ =	swait.ge @p0 [sflag:s16], $0x1400  }
0x84: {  	[sflag:s16] =	ssyncset.done @p0 $0x0  }
0x85: {  	[sflag:s16] =	ssyncadd.s32 @p0 $0xFFFFEC00  }
0x86: {  	_ =	sfence.sel $0x180000  }
0x87: {  	[bflag:$0x0] =	sbarrier.arrive $0xFFFF  }
0x88: {  	p0 =	sne.s32 s0, $0x0;
	_ =	strace $0x9000004D  }
0x89: {  	s0 =	sadd.s32 @!p0 $0x100000, s1;
	[bflag:$0x2] =	sbarrier.arrive $0xFFFF  }
0x8a: {  	[sflag:s0] =	ssyncadd.tile.s32 @!p0 $0x1;
	_ =	shalt  }
.Lfunc_end2:
_tile_overlayer_lowered:
.L_overlay_start_2:
0x8b: {  	(tag) =	ssettag $0x2  }
0x8c: {  	s0 =	rddreg [dreg:$0x0];
	s2 =	stileid.u32  }
0x8d: {  	s1 =	rddreg [dreg:$0x1];
	p0 =	sne.s32 s2, $0x0  }
0x8e: {  	s3 =	rddreg [dreg:$0x2];
	[bflag:$0x3] =	sbarrier.arrive $0xFFFF;
	s2 =	simm.s32 @!p0 $0x1C03  }
0x8f: {  	[timem:s3], [sflag:s2] =	dma.local @!p0 [hbm:s0], s1  }
0x90: {  	s0 =	simm.s32 @!p0 $0x3  }
0x91: {  	_ =	swait.ge @!p0 [sflag:s0], s1  }
0x92: {  	s1 =	ssub.s32 @!p0 $0x0, s1;
	[sflag:s0] =	ssyncset.done @!p0 $0x0  }
0x93: {  	[sflag:s0] =	ssyncadd.s32 @!p0 s1  }
0x94: {  	[bflag:$0x3] =	sbarrier.arrive $0xFFFF  }
0x95: {  	_ =	shalt  }

// kernel: kernel.21.cloned.1.call-start
scs
__scs_entry_jumppad:
0x0: {  	(pc) =	sbr.rel $0x88, $3  }
0x1: {  	(tag) =	ssettag $0x0;
	lr =	simm.s32 $0x1  }
0x2: {  	[smem:$0x3F84] =	sst lr;
	_ =	strace $0xD0000000  }
0x3: {  	_ = 	snop  }
0x4: {  	_ = 	snop  }
0x5: {  	_ = 	snop  }
0x6: {  	_ = 	snop  }
0x7: {  	_ = 	snop  }
__scs_overlays_trampoline_lowered:
0x8: {  	[smem:$0x3F93] =	sst s0  }
0x9: {  	[smem:$0x3F94] =	sst s1  }
0xa: {  	[smem:$0x3F95] =	sst s2  }
0xb: {  	[smem:$0x3F96] =	sst s3  }
0xc: {  	[smem:$0x3F97] =	sst s4  }
0xd: {  	[smem:$0x3F98] =	sst s5  }
0xe: {  	[smem:$0x3F99] =	sst s6  }
0xf: {  	[smem:$0x3F9A] =	sst s7  }
0x10: {  	[smem:$0x3F9B] =	sst s8  }
0x11: {  	[smem:$0x3F9C] =	sst s9;
	s0 =	simm.s32 @!p0 $0x0  }
0x12: {  	s1 =	sld [smem:$0x3F82];
	s0 =	simm.s32 @p0 $0x1  }
0x13: {  	[smem:$0x3F9D] =	sst s0;
	s0 =	simm.s32 @!p1 $0x0  }
0x14: {  	s2 =	sld [smem:$0x3F81];
	s0 =	simm.s32 @p1 $0x1  }
0x15: {  	[smem:$0x3F9E] =	sst s0;
	s0 =	simm.s32 @!p2 $0x0  }
0x16: {  	s3 =	sld [smem:$0x3FDB];
	s0 =	simm.s32 @p2 $0x1  }
0x17: {  	s4 =	simm.s32 $0x1BF5;
	[smem:$0x3FA0] =	sst s0  }
0x18: {  	s0 =	sld [smem:$0x3F83];
	_ =	swait.ge [sflag:s4], $0x0  }
0x19: {  	s7 =	sld [smem:$0x3F84]  }
0x1a: {  	s8 =	sadd.s32 $0xFFFFE003, lr  }
0x1b: {  	s9 =	sadd.s32 $0xFFFFFEF7, lr;
	s5 =	simm.s32 $0xFFFFFFFF;
	p2 =	slt.u32 s8, $0xFFFFF086  }
0x1c: {  	p1 =	slt.u32 s9, $0xF7A;
	s5 =	simm.s32 @!p2 $0x0  }
0x1d: {  	s5 =	simm.s32 @p1 $0x1;
	p0 =	seq.s32 s7, s2  }
0x1e: {  	s7 =	smul.u32 @!p0 $0xF7A, s2;
	p2 =	seq.s32 @!p0 s5, $0x0  }
0x1f: {  	s9 =	smul.u32 $0xF7A, s1;
	s8 =	simm.s32 @!p0 $0x1BF5;
	p2 =	por !p2, p0  }
0x20: {  	[sflag:s8] =	ssyncset.s32 @!p0 $0xFFFFF086;
	s6 =	sadd.s32 @!p0 s3, s7;
	s7 =	simm.s32 @!p0 $0x108  }
0x21: {  	s3 =	sadd.s32 s3, s9;
	s6 =	sadd.s32 @!p0 $0x88, s6;
	s7 =	simm.s32 @p2 $0x1082  }
0x22: {  	[simem:s7], [sflag:s8] =	dma.local @!p0 [hbm:s6], $0xF7A  }
0x23: {  	s9 =	sor.u32 $0xD0000000, s2;
	s6 =	simm.s32 $0x108;
	_ =	swait.ge @!p0 [sflag:s8], $0x0  }
0x24: {  	s3 =	sadd.s32 $0x88, s3;
	s6 =	simm.s32 @!p1 $0x1082;
	[sflag:s4] =	ssyncset.s32 $0xFFFFF086  }
0x25: {  	[simem:s6], [sflag:s4] =	dma.local [hbm:s3], $0xF7A  }
0x26: {  	[smem:$0x3F84] =	sst s1;
	(tag) =	ssettag s2;
	_ =	strace s9  }
0x27: {  	s1 =	sld [smem:$0x3F94]  }
0x28: {  	s2 =	sld [smem:$0x3F95]  }
0x29: {  	s4 =	sld [smem:$0x3F97]  }
0x2a: {  	p0 =	seq.s32 s5, $0x0;
	s5 =	sld [smem:$0x3F98]  }
0x2b: {  	s6 =	sld [smem:$0x3F99]  }
0x2c: {  	s7 =	sld [smem:$0x3F9A]  }
0x2d: {  	s3 =	simm.s32 $0x108;
	s8 =	sld [smem:$0x3F9B]  }
0x2e: {  	s3 =	simm.s32 @!p0 $0x1082;
	s9 =	sld [smem:$0x3F9C]  }
0x2f: {  	lr =	sadd.s32 s0, s3;
	s0 =	sld [smem:$0x3F93]  }
0x30: {  	s3 =	sld [smem:$0x3F96]  }
0x31: {  	[smem:$0x3F9F] =	sst s10  }
0x32: {  	s10 =	sld [smem:$0x3F9D];
	_ =	sdelay $0x3  }
0x33: {  	p0 =	seq.s32 s10, $0x1;
	s10 =	sld [smem:$0x3F9F];
	_ =	sdelay $0x3  }
0x34: {  	[smem:$0x3F9F] =	sst s10  }
0x35: {  	s10 =	sld [smem:$0x3F9E];
	_ =	sdelay $0x3  }
0x36: {  	p1 =	seq.s32 s10, $0x1;
	s10 =	sld [smem:$0x3F9F];
	_ =	sdelay $0x3  }
0x37: {  	[smem:$0x3F9F] =	sst s10  }
0x38: {  	s10 =	sld [smem:$0x3FA0]  }
0x39: {  	_ = 	snop;
	(pc) =	sbr.ind lr, $3  }
0x3a: {  	_ = 	snop  }
0x3b: {  	_ = 	snop  }
0x3c: {  	p2 =	seq.s32 s10, $0x1;
	s10 =	sld [smem:$0x3F9F]  }
0x3d: {  	_ =	shalt  }
0x3e: {  	_ =	shalt  }
0x3f: {  	_ =	shalt  }
0x40: {  	_ =	shalt  }
0x41: {  	_ =	shalt  }
0x42: {  	_ =	shalt  }
0x43: {  	_ =	shalt  }
0x44: {  	_ =	shalt  }
0x45: {  	_ =	shalt  }
0x46: {  	_ =	shalt  }
0x47: {  	_ =	shalt  }
0x48: {  	_ =	shalt  }
0x49: {  	_ =	shalt  }
0x4a: {  	_ =	shalt  }
0x4b: {  	_ =	shalt  }
0x4c: {  	_ =	shalt  }
0x4d: {  	_ =	shalt  }
0x4e: {  	_ =	shalt  }
0x4f: {  	_ =	shalt  }
0x50: {  	_ =	shalt  }
0x51: {  	_ =	shalt  }
0x52: {  	_ =	shalt  }
0x53: {  	_ =	shalt  }
0x54: {  	_ =	shalt  }
0x55: {  	_ =	shalt  }
0x56: {  	_ =	shalt  }
0x57: {  	_ =	shalt  }
0x58: {  	_ =	shalt  }
0x59: {  	_ =	shalt  }
0x5a: {  	_ =	shalt  }
0x5b: {  	_ =	shalt  }
0x5c: {  	_ =	shalt  }
0x5d: {  	_ =	shalt  }
0x5e: {  	_ =	shalt  }
0x5f: {  	_ =	shalt  }
0x60: {  	_ =	shalt  }
0x61: {  	_ =	shalt  }
0x62: {  	_ =	shalt  }
0x63: {  	_ =	shalt  }
0x64: {  	_ =	shalt  }
0x65: {  	_ =	shalt  }
0x66: {  	_ =	shalt  }
0x67: {  	_ =	shalt  }
0x68: {  	_ =	shalt  }
0x69: {  	_ =	shalt  }
0x6a: {  	_ =	shalt  }
0x6b: {  	_ =	shalt  }
0x6c: {  	_ =	shalt  }
0x6d: {  	_ =	shalt  }
0x6e: {  	_ =	shalt  }
0x6f: {  	_ =	shalt  }
0x70: {  	_ =	shalt  }
0x71: {  	_ =	shalt  }
0x72: {  	_ =	shalt  }
0x73: {  	_ =	shalt  }
0x74: {  	_ =	shalt  }
0x75: {  	_ =	shalt  }
0x76: {  	_ =	shalt  }
0x77: {  	_ =	shalt  }
0x78: {  	_ =	shalt  }
0x79: {  	_ =	shalt  }
0x7a: {  	_ =	shalt  }
0x7b: {  	_ =	shalt  }
0x7c: {  	_ =	shalt  }
0x7d: {  	_ =	shalt  }
0x7e: {  	_ =	shalt  }
0x7f: {  	_ =	shalt  }
0x80: {  	_ =	shalt  }
0x81: {  	_ =	shalt  }
0x82: {  	_ =	shalt  }
0x83: {  	_ =	shalt  }
0x84: {  	_ =	shalt  }
0x85: {  	_ =	shalt  }
0x86: {  	_ =	shalt  }
0x87: {  	_ =	shalt  }
.Lfunc_end0:
.L_simem_size_0:
called_computation.3_lowered:
.L_overlay_start_0:
0x88: {  	s2 =	sld [smem:$0x3FD9]  }
0x89: {  	s3 =	sld [smem:$0x3FFE];
	_ =	sdelay $0x1  }
0x8a: {  	s1 =	srdreg.scid  }
0x8b: {  	s0 =	sand.u32 $0x1, s1  }
0x8c: {  	s17 =	sshll.u32 s0, $0xA;
	s2 =	sadd.s32 s3, s2  }
0x8d: {  	s2 =	sadd.s32 s2, s17  }
0x8e: {  	[smem:$0x3FAB] =	sst s2  }
0x8f: {  	_ = 	snop  }
0x90: {  	s2 =	sld [smem:$0x3FD0];
	(tm) =	ssettm $0x1  }
0x91: {  	s18 =	sld [smem:$0x3FFB];
	_ =	sdelay $0x3  }
0x92: {  	_ =	strace s18  }
0x93: {  	s3 =	sld [smem:$0x3FFC];
	_ =	sdelay $0x3  }
0x94: {  	_ =	strace s3  }
0x95: {  	s3 =	sld [smem:$0x3FFD];
	_ =	sdelay $0x3  }
0x96: {  	_ =	strace s3  }
0x97: {  	_ =	strace $0x8FFFFFFF  }
0x98: {  	s19 =	sld [smem:$0x3FDB];
	_ =	sdelay $0x1  }
0x99: {  	s4 =	simm.s32 $_scs_section_size  }
0x9a: {  	s5 =	simm.s32 $_size__tile_overlayer_lowered;
	s6 =	simm.s32 $_tile_overlayer_lowered  }
0x9b: {  	s22 =	simm.s32 $0x1BFF;
	s21 =	sshll.u32 s6, $0x1;
	s3 =	sadd.s32 s4, s19  }
0x9c: {  	s7 =	simm.s32 $0x0;
	s20 =	sshll.u32 s5, $0x1;
	s5 =	sadd.s32 s21, s3  }
0x9d: {  	[timem:s7], [sflag:s22] =	dma.local [hbm:s5], s20  }
0x9e: {  	_ =	swait.ge [sflag:s22], s20  }
0x9f: {  	s4 =	ssub.s32 $0x0, s20;
	[sflag:s22] =	ssyncset.done $0x0  }
0xa0: {  	[sflag:s22] =	ssyncadd.s32 s4;
	_ =	sdelay $0x1  }
0xa1: {  	s23 =	simm.s32 $0x1B8B  }
0xa2: {  	_ =	swait.ge [sflag:s23], $0x1  }
0xa3: {  	[sflag:s23] =	ssyncset.done $0x0  }
0xa4: {  	s25 =	simm.s32 $0x1B8E;
	s24 =	sld [smem:$0x3FFE];
	[sflag:s23] =	ssyncadd.s32 $0xFFFFFFFF  }
0xa5: {  	s26 =	simm.s32 $execute0_lowered;
	[smem:$0x3FD2] =	sst s25  }
0xa6: {  	s5 =	sshll.u32 s26, $0x1;
	_ =	strace $0x8000004F;
	[dreg:$0x1] =	wrdreg $0xFFFFFFFF  }
0xa7: {  	s28 =	simm.s32 $_size_execute0_lowered;
	s3 =	sadd.s32 s3, s5;
	[dreg:$0x0] =	wrdreg $0x0  }
0xa8: {  	s5 =	sshll.u32 s28, $0x1;
	[dreg:$0x2] =	wrdreg s3  }
0xa9: {  	[dreg:$0x3] =	wrdreg s5  }
0xaa: {  	[dreg:$0x4] =	wrdreg $0xC0  }
0xab: {  	_ =	task [dreg:s7], $0x5FFFF  }
0xac: {  	[dreg:$0x1] =	wrdreg $0xFFFFFFFF  }
0xad: {  	[dreg:$0x0] =	wrdreg $0x60  }
0xae: {  	[dreg:$0x2] =	wrdreg s24  }
0xaf: {  	[dreg:$0x3] =	wrdreg s2  }
0xb0: {  	[dreg:$0x4] =	wrdreg $0x0  }
0xb1: {  	[dreg:$0x5] =	wrdreg $0x9  }
0xb2: {  	_ =	task.clear_ibuf [dreg:s7], $0x6FFFF;
	_ =	strace $0x9000004F  }
0xb3: {  	s29 =	simm.s32 $0x9;
	_ =	strace $0x80000051  }
0xb4: {  	_ =	swait.ge [sflag:s29], $0x1  }
0xb5: {  	[sflag:s29] =	ssyncadd.s32 $0xFFFFFFFF  }
0xb6: {  	_ =	strace $0x90000051  }
0xb7: {  	_ =	sfence  }
0xb8: {  	s30 =	sld [smem:$0x0];
	_ =	sdelay $0x2  }
0xb9: {  	s31 =	sshll.u32 s1, $0xD;
	s1 =	sshrl.u32 s1, $0x2  }
0xba: {  	s3 =	sand.u32 $0x4000, s31;
	s1 =	sadd.s32 s1, s30  }
0xbb: {  	s0 =	sor.u32 s3, s0;
	s1 =	sshll.u32 s1, $0x11  }
0xbc: {  	s0 =	sor.u32 s1, s0  }
0xbd: {  	s0 =	sadd.s32 $0x8F2B, s0  }
0xbe: {  	[sflag:s0] =	ssyncadd.remote.s32 $0x1  }
0xbf: {  	_ =	sfence.sel $0xFFFF  }
0xc0: {  	[dreg:$0x0] =	wrdreg $0xFFFFFFFF;
	(pc) =	sbr.abs _section_cstart, $3  }
0xc1: {  	[dreg:$0x1] =	wrdreg $0xFFFFFFFF  }
0xc2: {  	_ =	task.clear_ibuf [dreg:s7], $0x2FFFF;
	_ =	strace $0x9FFFFFFF  }
0xc3: {  	(tm) =	ssettm $0x7FFFFFFF  }
tec
execute0_lowered:
.L_overlay_start_1:
0x0: {  	(tag) =	ssettag $0x1  }
0x1: {  	s4 =	rddreg [dreg:$0x0]  }
0x2: {  	s6 =	rddreg [dreg:$0x1]  }
0x3: {  	s2 =	rddreg [dreg:$0x2]  }
0x4: {  	s0 =	rddreg [dreg:$0x3];
	s3 =	simm.s32 $0x0;
	s1 =	stileid.u32  }
0x5: {  	s5 =	srdreg.scid;
	s16 =	simm.s32 $0x162C0;
	s17 =	simm.s32 $0x3  }
0x6: {  	s18 =	simm.s32 $0x0;
	[smem:$0x7FF] =	sst s3;
	s7 =	smul.u32 $0x13C00, s1  }
0x7: {  	s5 =	sand.u32 $0x1, s5;
	s10 =	sadd.s32 $0xC44A00, s4;
	s11 =	sshll.u32 s1, $0x1  }
0x8: {  	s14 =	smul.u32 $0x4E20, s1;
	s26 =	sshll.u32 s1, $0x6;
	_ =	strace $0x80000050  }
0x9: {  	s8 =	smul.u32 $0x13C000, s5;
	s11 =	sor.u32 s5, s11;
	s12 =	ssub.s32 $0x2, s5  }
0xa: {  	s25 =	smul.u32 $0x2710, s5;
	s5 =	sor.u32 $0x1C02, s26;
	s9 =	sshrl.u32 s7, $0x3  }
0xb: {  	s13 =	smul.u32 $0x2710, s11;
	s24 =	sshrl.u32 s12, $0x1;
	s15 =	sadd.s32 s7, s2  }
0xc: {  	s28 =	smul.u32 $0x27100, s11;
	s9 =	sadd.s32 s9, s4;
	s8 =	sadd.s32 s7, s8  }
0xd: {  	s12 =	ssub.s32 s12, s24;
	s30 =	sadd.s32 s25, s14;
	s11 =	sshrl.u32 s15, $0x3  }
0xe: {  	s14 =	simm.s32 $0x1;
	s15 =	simm.s32 $0x50;
	s8 =	sshrl.u32 s8, $0x3  }
0xf: {  	s29 =	sshrl.u32 s13, $0x3;
	s7 =	sadd.s32 s10, s28;
	s31 =	sshll.u32 s30, $0x4  }
0x10: {  	s13 =	simm.s32 $0x16310;
	s8 =	sadd.s32 s8, s4;
	s4 =	sadd.s32 $0xFA00, s9  }
0x11: {  	s6 =	sadd.s32 s6, s29;
	s9 =	smax.u32 s12, $0x1;
	s10 =	sadd.s32 s10, s31  }
0x12: {  	s12 =	simm.s32 $0x2;
	s8 =	sadd.s32 $0x9D3A00, s8;
	s10 =	sadd.s32 $0x500, s10  }
.LBB2_1:
0x13: {  	[spmem:s11], [sflag:s5] =	dma.local [hbm:s4], $0x2780  }
0x14: {  	_ =	swait.ge [sflag:s12], $0x2780  }
0x15: {  	[sflag:s12] =	ssyncset.done $0x0  }
0x16: {  	s19 =	simm.s32 $0x13C00;
	[sflag:s12] =	ssyncadd.s32 $0xFFFFD880  }
0x17: {  	[tilespmem:s19], [sflag:$0x2] =	stream.linear.gather [hbm4b:s6+s3], $0x2710, $0x38;
	[tilespmem:$0x1B310] =	vst v63  }
0x18: {  	_ =	swait.ge [sflag:s12], $0x2710  }
0x19: {  	[sflag:s12] =	ssyncset.done $0x0  }
0x1a: {  	s20 =	sand.u32 $0x1, s3;
	[sflag:s12] =	ssyncadd.s32 $0xFFFFD8F0  }
0x1b: {  	p0 =	seq.s32 s20, $0x1;
	p1 =	seq.s32 s20, $0x0;
	[bflag:$0x0] =	sbarrier.arrive $0xFFFF  }
0x1c: {  	[tilespmem:s13], [sflag:$0x1] =	stream.linear.gather [hbm4b:s7+s3], $0x2800, $0x38;
	[tilespmem:$0x1B310] =	vst v63  }
0x1d: {  	p2 =	sne.s32 s20, $0x0;
	s21 =	simm.s32 @!p0 $0x0;
	s22 =	simm.s32 @!p0 $0x18B10  }
0x1e: {  	[tilespmem:s22], [sflag:$0x1] =	stream.linear.gather @!p0 [hbm4b:s10+s21], $0x2800, $0x38;
	[tilespmem:$0x1B310] =	vst v63  }
0x1f: {  	s20 =	simm.s32 @!p2 $0x1;
	s21 =	simm.s32 @!p1 $0x0;
	s22 =	simm.s32 @!p1 $0x16310  }
0x20: {  	[tilespmem:s22], [sflag:$0x1] =	stream.linear.gather @!p1 [hbm4b:s10+s21], $0x2800, $0x38;
	[tilespmem:$0x1B310] =	vst v63  }
0x21: {  	_ =	swait.ge @!p2 [sflag:s20], $0x2800  }
0x22: {  	s21 =	simm.s32 @!p2 $0x50;
	[sflag:s20] =	ssyncset.done @!p2 $0x0  }
0x23: {  	s22 =	simm.s32 @!p2 $0x16310;
	[sflag:s20] =	ssyncadd.s32 @!p2 $0xFFFFD800;
	s20 =	simm.s32 @!p2 $0x3  }
0x24: {  	[spmem:s2] =	stream.indirect.scatter.add.f32 @!p2 [tilespmem:s22], [sflag:$0x3], $0x80, s19, s21, $0xb8;
	[tilespmem:$0x1B310] =	vst v63  }
0x25: {  	_ =	swait.ge @!p2 [sflag:s20], $0x2800  }
0x26: {  	p0 =	por p0, p0;
	[sflag:s20] =	ssyncset.done @!p2 $0x0  }
0x27: {  	s21 =	simm.s32 @p0 $0x1;
	[sflag:s20] =	ssyncadd.s32 @!p2 $0xFFFFD800  }
0x28: {  	_ =	swait.ge @p0 [sflag:s21], $0x2800  }
0x29: {  	s31 =	simm.s32 $0x1;
	[sflag:s21] =	ssyncset.done @p0 $0x0  }
0x2a: {  	s23 =	simm.s32 @p0 $0x18B10;
	s20 =	simm.s32 @p0 $0x50;
	[sflag:s21] =	ssyncadd.s32 @p0 $0xFFFFD800  }
0x2b: {  	[spmem:s2] =	stream.indirect.scatter.add.f32 @p0 [tilespmem:s23], [sflag:$0x2], $0x80, s19, s20, $0xb8;
	[tilespmem:$0x1B310] =	vst v63  }
0x2c: {  	s22 =	sand.u32 $0x1, s31;
	s21 =	simm.s32 $0x2;
	s23 =	simm.s32 @p0 $0x2  }
0x2d: {  	s20 =	sadd.s32 $0x500, s10;
	s19 =	simm.s32 $0x13C50;
	_ =	swait.ge @p0 [sflag:s23], $0x2800  }
.LBB2_2:
0x2e: {  	p3 =	seq.s32 s22, $0x1;
	p1 =	seq.s32 s22, $0x0;
	[sflag:s23] =	ssyncset.done @p0 $0x0  }
0x2f: {  	s24 =	simm.s32 @!p3 $0x0;
	s25 =	simm.s32 @!p3 $0x18B10;
	[sflag:s23] =	ssyncadd.s32 @p0 $0xFFFFD800  }
0x30: {  	[tilespmem:s25], [sflag:$0x1] =	stream.linear.gather @!p3 [hbm4b:s20+s24], $0x2800, $0x38;
	[tilespmem:$0x1B310] =	vst v63  }
0x31: {  	p2 =	sne.s32 s22, $0x0;
	s23 =	simm.s32 @!p1 $0x0;
	s24 =	simm.s32 @!p1 $0x16310  }
0x32: {  	[tilespmem:s24], [sflag:$0x1] =	stream.linear.gather @!p1 [hbm4b:s20+s23], $0x2800, $0x38;
	[tilespmem:$0x1B310] =	vst v63  }
0x33: {  	s22 =	simm.s32 @!p2 $0x1;
	s24 =	smov.u32 s21;
	s21 =	sadd.s32 $0x1, s21  }
0x34: {  	p0 =	por p3, p3;
	p1 =	sne.s32 s21, $0x7C;
	_ =	swait.ge @!p2 [sflag:s22], $0x2800  }
0x35: {  	s25 =	simm.s32 @!p2 $0x16310;
	s23 =	simm.s32 @!p2 $0x50;
	[sflag:s22] =	ssyncset.done @!p2 $0x0  }
0x36: {  	[sflag:s22] =	ssyncadd.s32 @!p2 $0xFFFFD800;
	s22 =	simm.s32 @!p2 $0x3  }
0x37: {  	[spmem:s2] =	stream.indirect.scatter.add.f32 @!p2 [tilespmem:s25], [sflag:$0x3], $0x80, s19, s23, $0xb8;
	[tilespmem:$0x1B310] =	vst v63  }
0x38: {  	_ =	swait.ge @!p2 [sflag:s22], $0x2800  }
0x39: {  	s23 =	simm.s32 @p0 $0x1;
	[sflag:s22] =	ssyncset.done @!p2 $0x0  }
0x3a: {  	[sflag:s22] =	ssyncadd.s32 @!p2 $0xFFFFD800  }
.Ltmp0:
0x3b: {  	_ =	swait.ge @p0 [sflag:s23], $0x2800;
	(pc) =	sbr.rel @p1 .LBB2_2-.Ltmp0, $4  }
0x3c: {  	s25 =	simm.s32 @p0 $0x18B10;
	s22 =	simm.s32 @p0 $0x50;
	[sflag:s23] =	ssyncset.done @p0 $0x0  }
0x3d: {  	s20 =	sadd.s32 $0x500, s20;
	[sflag:s23] =	ssyncadd.s32 @p0 $0xFFFFD800;
	s23 =	simm.s32 @p0 $0x2  }
0x3e: {  	[spmem:s2] =	stream.indirect.scatter.add.f32 @p0 [tilespmem:s25], [sflag:$0x2], $0x80, s19, s22, $0xb8;
	[tilespmem:$0x1B310] =	vst v63  }
0x3f: {  	s22 =	sand.u32 $0x1, s24;
	s19 =	sadd.s32 $0x50, s19;
	_ =	swait.ge @p0 [sflag:s23], $0x2800  }
0x40: {  	p1 =	seq.s32 s22, $0x1;
	p2 =	seq.s32 s22, $0x0;
	[sflag:s23] =	ssyncset.done @p0 $0x0  }
0x41: {  	s21 =	simm.s32 @!p1 $0x0;
	s24 =	simm.s32 @!p1 $0x18B10;
	[sflag:s23] =	ssyncadd.s32 @p0 $0xFFFFD800  }
0x42: {  	[tilespmem:s24], [sflag:$0x1] =	stream.linear.gather @!p1 [hbm4b:s20+s21], $0x2800, $0x38;
	[tilespmem:$0x1B310] =	vst v63  }
0x43: {  	s23 =	simm.s32 @!p2 $0x16310;
	p0 =	sne.s32 s22, $0x0;
	s21 =	simm.s32 @!p2 $0x0  }
0x44: {  	[tilespmem:s23], [sflag:$0x1] =	stream.linear.gather @!p2 [hbm4b:s20+s21], $0x2800, $0x38;
	[tilespmem:$0x1B310] =	vst v63  }
0x45: {  	s20 =	simm.s32 @!p0 $0x1  }
0x46: {  	_ =	swait.ge @!p0 [sflag:s20], $0x2800  }
0x47: {  	s22 =	simm.s32 @!p0 $0x16310;
	[sflag:s20] =	ssyncset.done @!p0 $0x0  }
0x48: {  	s21 =	simm.s32 @!p0 $0x50;
	[sflag:s20] =	ssyncadd.s32 @!p0 $0xFFFFD800;
	s20 =	simm.s32 @!p0 $0x3  }
0x49: {  	[spmem:s2] =	stream.indirect.scatter.add.f32 @!p0 [tilespmem:s22], [sflag:$0x3], $0x80, s19, s21, $0xb8;
	[tilespmem:$0x1B310] =	vst v63  }
0x4a: {  	_ =	swait.ge @!p0 [sflag:s20], $0x2800  }
0x4b: {  	p1 =	por p1, p1;
	[sflag:s20] =	ssyncset.done @!p0 $0x0  }
0x4c: {  	s21 =	simm.s32 @p1 $0x1;
	[sflag:s20] =	ssyncadd.s32 @!p0 $0xFFFFD800  }
0x4d: {  	_ =	swait.ge @p1 [sflag:s21], $0x2800  }
0x4e: {  	s22 =	simm.s32 @p1 $0x18B10;
	[sflag:s21] =	ssyncset.done @p1 $0x0  }
0x4f: {  	s20 =	simm.s32 @p1 $0x50;
	[sflag:s21] =	ssyncadd.s32 @p1 $0xFFFFD800;
	s21 =	simm.s32 @p1 $0x2  }
0x50: {  	[spmem:s2] =	stream.indirect.scatter.add.f32 @p1 [tilespmem:s22], [sflag:$0x2], $0x80, s19, s20, $0xb8;
	[tilespmem:$0x1B310] =	vst v63  }
0x51: {  	_ =	swait.ge @p1 [sflag:s21], $0x2800  }
0x52: {  	[sflag:s21] =	ssyncset.done @p1 $0x0  }
0x53: {  	[sflag:s21] =	ssyncadd.s32 @p1 $0xFFFFD800  }
0x54: {  	_ =	swait.ge [sflag:s14], $0x2800  }
0x55: {  	[sflag:s14] =	ssyncset.done $0x0  }
0x56: {  	[sflag:s14] =	ssyncadd.s32 $0xFFFFD800  }
0x57: {  	[spmem:s2] =	stream.indirect.scatter.add.f32 [tilespmem:s13], [sflag:$0x3], $0x80, s16, s15, $0xb8;
	[tilespmem:$0x1B310] =	vst v63  }
0x58: {  	_ =	swait.ge [sflag:s17], $0x2800  }
0x59: {  	s18 =	sadd.s32 $0x1, s18;
	[sflag:s17] =	ssyncset.done $0x0  }
0x5a: {  	p0 =	sne.s32 s18, s9;
	[sflag:s17] =	ssyncadd.s32 $0xFFFFD800  }
.Ltmp1:
0x5b: {  	[bflag:$0x0] =	sbarrier.arrive $0xFFFF;
	(pc) =	sbr.rel @p0 .LBB2_1-.Ltmp1, $4  }
0x5c: {  	[hbm:s8], [sflag:s5] =	dma.local [spmem:s11], $0x2780  }
0x5d: {  	_ =	swait.ge [sflag:s12], $0x2780  }
0x5e: {  	[sflag:s12] =	ssyncset.done $0x0  }
0x5f: {  	[sflag:s12] =	ssyncadd.s32 $0xFFFFD880  }
0x60: {  	_ =	sfence.sel $0x180000  }
0x61: {  	[bflag:$0x0] =	sbarrier.arrive $0xFFFF  }
0x62: {  	p0 =	sne.s32 s1, $0x0;
	_ =	strace $0x90000050  }
0x63: {  	s0 =	sadd.s32 @!p0 $0x100000, s0;
	[bflag:$0x2] =	sbarrier.arrive $0xFFFF  }
0x64: {  	[sflag:s0] =	ssyncadd.tile.s32 @!p0 $0x1;
	_ =	shalt  }
.Lfunc_end2:
_tile_overlayer_lowered:
.L_overlay_start_2:
0x65: {  	(tag) =	ssettag $0x2  }
0x66: {  	s0 =	rddreg [dreg:$0x0];
	s2 =	stileid.u32  }
0x67: {  	s1 =	rddreg [dreg:$0x1];
	p0 =	sne.s32 s2, $0x0  }
0x68: {  	s3 =	rddreg [dreg:$0x2];
	[bflag:$0x3] =	sbarrier.arrive $0xFFFF;
	s2 =	simm.s32 @!p0 $0x1C02  }
0x69: {  	[timem:s3], [sflag:s2] =	dma.local @!p0 [hbm:s0], s1  }
0x6a: {  	s0 =	simm.s32 @!p0 $0x2  }
0x6b: {  	_ =	swait.ge @!p0 [sflag:s0], s1  }
0x6c: {  	s1 =	ssub.s32 @!p0 $0x0, s1;
	[sflag:s0] =	ssyncset.done @!p0 $0x0  }
0x6d: {  	[sflag:s0] =	ssyncadd.s32 @!p0 s1  }
0x6e: {  	[bflag:$0x3] =	sbarrier.arrive $0xFFFF  }
0x6f: {  	_ =	shalt  }

// kernel: kernel.24.cloned.1.call-start
scs
__scs_entry_jumppad:
0x0: {  	(pc) =	sbr.rel $0x88, $3  }
0x1: {  	(tag) =	ssettag $0x0;
	lr =	simm.s32 $0x1  }
0x2: {  	[smem:$0x3F84] =	sst lr;
	_ =	strace $0xD0000000  }
0x3: {  	_ = 	snop  }
0x4: {  	_ = 	snop  }
0x5: {  	_ = 	snop  }
0x6: {  	_ = 	snop  }
0x7: {  	_ = 	snop  }
__scs_overlays_trampoline_lowered:
0x8: {  	[smem:$0x3F93] =	sst s0  }
0x9: {  	[smem:$0x3F94] =	sst s1  }
0xa: {  	[smem:$0x3F95] =	sst s2  }
0xb: {  	[smem:$0x3F96] =	sst s3  }
0xc: {  	[smem:$0x3F97] =	sst s4  }
0xd: {  	[smem:$0x3F98] =	sst s5  }
0xe: {  	[smem:$0x3F99] =	sst s6  }
0xf: {  	[smem:$0x3F9A] =	sst s7  }
0x10: {  	[smem:$0x3F9B] =	sst s8  }
0x11: {  	[smem:$0x3F9C] =	sst s9;
	s0 =	simm.s32 @!p0 $0x0  }
0x12: {  	s1 =	sld [smem:$0x3F82];
	s0 =	simm.s32 @p0 $0x1  }
0x13: {  	[smem:$0x3F9D] =	sst s0;
	s0 =	simm.s32 @!p1 $0x0  }
0x14: {  	s2 =	sld [smem:$0x3F81];
	s0 =	simm.s32 @p1 $0x1  }
0x15: {  	[smem:$0x3F9E] =	sst s0;
	s0 =	simm.s32 @!p2 $0x0  }
0x16: {  	s3 =	sld [smem:$0x3FDB];
	s0 =	simm.s32 @p2 $0x1  }
0x17: {  	s4 =	simm.s32 $0x1BF5;
	[smem:$0x3FA0] =	sst s0  }
0x18: {  	s0 =	sld [smem:$0x3F83];
	_ =	swait.ge [sflag:s4], $0x0  }
0x19: {  	s7 =	sld [smem:$0x3F84]  }
0x1a: {  	s8 =	sadd.s32 $0xFFFFE003, lr  }
0x1b: {  	s9 =	sadd.s32 $0xFFFFFEF7, lr;
	s5 =	simm.s32 $0xFFFFFFFF;
	p2 =	slt.u32 s8, $0xFFFFF086  }
0x1c: {  	p1 =	slt.u32 s9, $0xF7A;
	s5 =	simm.s32 @!p2 $0x0  }
0x1d: {  	s5 =	simm.s32 @p1 $0x1;
	p0 =	seq.s32 s7, s2  }
0x1e: {  	s7 =	smul.u32 @!p0 $0xF7A, s2;
	p2 =	seq.s32 @!p0 s5, $0x0  }
0x1f: {  	s9 =	smul.u32 $0xF7A, s1;
	s8 =	simm.s32 @!p0 $0x1BF5;
	p2 =	por !p2, p0  }
0x20: {  	[sflag:s8] =	ssyncset.s32 @!p0 $0xFFFFF086;
	s6 =	sadd.s32 @!p0 s3, s7;
	s7 =	simm.s32 @!p0 $0x108  }
0x21: {  	s3 =	sadd.s32 s3, s9;
	s6 =	sadd.s32 @!p0 $0x88, s6;
	s7 =	simm.s32 @p2 $0x1082  }
0x22: {  	[simem:s7], [sflag:s8] =	dma.local @!p0 [hbm:s6], $0xF7A  }
0x23: {  	s9 =	sor.u32 $0xD0000000, s2;
	s6 =	simm.s32 $0x108;
	_ =	swait.ge @!p0 [sflag:s8], $0x0  }
0x24: {  	s3 =	sadd.s32 $0x88, s3;
	s6 =	simm.s32 @!p1 $0x1082;
	[sflag:s4] =	ssyncset.s32 $0xFFFFF086  }
0x25: {  	[simem:s6], [sflag:s4] =	dma.local [hbm:s3], $0xF7A  }
0x26: {  	[smem:$0x3F84] =	sst s1;
	(tag) =	ssettag s2;
	_ =	strace s9  }
0x27: {  	s1 =	sld [smem:$0x3F94]  }
0x28: {  	s2 =	sld [smem:$0x3F95]  }
0x29: {  	s4 =	sld [smem:$0x3F97]  }
0x2a: {  	p0 =	seq.s32 s5, $0x0;
	s5 =	sld [smem:$0x3F98]  }
0x2b: {  	s6 =	sld [smem:$0x3F99]  }
0x2c: {  	s7 =	sld [smem:$0x3F9A]  }
0x2d: {  	s3 =	simm.s32 $0x108;
	s8 =	sld [smem:$0x3F9B]  }
0x2e: {  	s3 =	simm.s32 @!p0 $0x1082;
	s9 =	sld [smem:$0x3F9C]  }
0x2f: {  	lr =	sadd.s32 s0, s3;
	s0 =	sld [smem:$0x3F93]  }
0x30: {  	s3 =	sld [smem:$0x3F96]  }
0x31: {  	[smem:$0x3F9F] =	sst s10  }
0x32: {  	s10 =	sld [smem:$0x3F9D];
	_ =	sdelay $0x3  }
0x33: {  	p0 =	seq.s32 s10, $0x1;
	s10 =	sld [smem:$0x3F9F];
	_ =	sdelay $0x3  }
0x34: {  	[smem:$0x3F9F] =	sst s10  }
0x35: {  	s10 =	sld [smem:$0x3F9E];
	_ =	sdelay $0x3  }
0x36: {  	p1 =	seq.s32 s10, $0x1;
	s10 =	sld [smem:$0x3F9F];
	_ =	sdelay $0x3  }
0x37: {  	[smem:$0x3F9F] =	sst s10  }
0x38: {  	s10 =	sld [smem:$0x3FA0]  }
0x39: {  	_ = 	snop;
	(pc) =	sbr.ind lr, $3  }
0x3a: {  	_ = 	snop  }
0x3b: {  	_ = 	snop  }
0x3c: {  	p2 =	seq.s32 s10, $0x1;
	s10 =	sld [smem:$0x3F9F]  }
0x3d: {  	_ =	shalt  }
0x3e: {  	_ =	shalt  }
0x3f: {  	_ =	shalt  }
0x40: {  	_ =	shalt  }
0x41: {  	_ =	shalt  }
0x42: {  	_ =	shalt  }
0x43: {  	_ =	shalt  }
0x44: {  	_ =	shalt  }
0x45: {  	_ =	shalt  }
0x46: {  	_ =	shalt  }
0x47: {  	_ =	shalt  }
0x48: {  	_ =	shalt  }
0x49: {  	_ =	shalt  }
0x4a: {  	_ =	shalt  }
0x4b: {  	_ =	shalt  }
0x4c: {  	_ =	shalt  }
0x4d: {  	_ =	shalt  }
0x4e: {  	_ =	shalt  }
0x4f: {  	_ =	shalt  }
0x50: {  	_ =	shalt  }
0x51: {  	_ =	shalt  }
0x52: {  	_ =	shalt  }
0x53: {  	_ =	shalt  }
0x54: {  	_ =	shalt  }
0x55: {  	_ =	shalt  }
0x56: {  	_ =	shalt  }
0x57: {  	_ =	shalt  }
0x58: {  	_ =	shalt  }
0x59: {  	_ =	shalt  }
0x5a: {  	_ =	shalt  }
0x5b: {  	_ =	shalt  }
0x5c: {  	_ =	shalt  }
0x5d: {  	_ =	shalt  }
0x5e: {  	_ =	shalt  }
0x5f: {  	_ =	shalt  }
0x60: {  	_ =	shalt  }
0x61: {  	_ =	shalt  }
0x62: {  	_ =	shalt  }
0x63: {  	_ =	shalt  }
0x64: {  	_ =	shalt  }
0x65: {  	_ =	shalt  }
0x66: {  	_ =	shalt  }
0x67: {  	_ =	shalt  }
0x68: {  	_ =	shalt  }
0x69: {  	_ =	shalt  }
0x6a: {  	_ =	shalt  }
0x6b: {  	_ =	shalt  }
0x6c: {  	_ =	shalt  }
0x6d: {  	_ =	shalt  }
0x6e: {  	_ =	shalt  }
0x6f: {  	_ =	shalt  }
0x70: {  	_ =	shalt  }
0x71: {  	_ =	shalt  }
0x72: {  	_ =	shalt  }
0x73: {  	_ =	shalt  }
0x74: {  	_ =	shalt  }
0x75: {  	_ =	shalt  }
0x76: {  	_ =	shalt  }
0x77: {  	_ =	shalt  }
0x78: {  	_ =	shalt  }
0x79: {  	_ =	shalt  }
0x7a: {  	_ =	shalt  }
0x7b: {  	_ =	shalt  }
0x7c: {  	_ =	shalt  }
0x7d: {  	_ =	shalt  }
0x7e: {  	_ =	shalt  }
0x7f: {  	_ =	shalt  }
0x80: {  	_ =	shalt  }
0x81: {  	_ =	shalt  }
0x82: {  	_ =	shalt  }
0x83: {  	_ =	shalt  }
0x84: {  	_ =	shalt  }
0x85: {  	_ =	shalt  }
0x86: {  	_ =	shalt  }
0x87: {  	_ =	shalt  }
.Lfunc_end0:
.L_simem_size_0:
called_computation.4_lowered:
.L_overlay_start_0:
0x88: {  	s2 =	sld [smem:$0x3FD9]  }
0x89: {  	s3 =	sld [smem:$0x3FFE];
	_ =	sdelay $0x1  }
0x8a: {  	s1 =	srdreg.scid  }
0x8b: {  	s0 =	sand.u32 $0x1, s1  }
0x8c: {  	s17 =	sshll.u32 s0, $0xA;
	s2 =	sadd.s32 s3, s2  }
0x8d: {  	s2 =	sadd.s32 s2, s17  }
0x8e: {  	[smem:$0x3FAB] =	sst s2  }
0x8f: {  	_ = 	snop  }
0x90: {  	s2 =	sld [smem:$0x3FD0];
	(tm) =	ssettm $0x1  }
0x91: {  	s18 =	sld [smem:$0x3FFB];
	_ =	sdelay $0x3  }
0x92: {  	_ =	strace s18  }
0x93: {  	s3 =	sld [smem:$0x3FFC];
	_ =	sdelay $0x3  }
0x94: {  	_ =	strace s3  }
0x95: {  	s3 =	sld [smem:$0x3FFD];
	_ =	sdelay $0x3  }
0x96: {  	_ =	strace s3  }
0x97: {  	_ =	strace $0x8FFFFFFF  }
0x98: {  	s19 =	sld [smem:$0x3FDB];
	_ =	sdelay $0x1  }
0x99: {  	s4 =	simm.s32 $_scs_section_size  }
0x9a: {  	s5 =	simm.s32 $_size__tile_overlayer_lowered;
	s6 =	simm.s32 $_tile_overlayer_lowered  }
0x9b: {  	s22 =	simm.s32 $0x1BFF;
	s21 =	sshll.u32 s6, $0x1;
	s3 =	sadd.s32 s4, s19  }
0x9c: {  	s7 =	simm.s32 $0x0;
	s20 =	sshll.u32 s5, $0x1;
	s5 =	sadd.s32 s21, s3  }
0x9d: {  	[timem:s7], [sflag:s22] =	dma.local [hbm:s5], s20  }
0x9e: {  	_ =	swait.ge [sflag:s22], s20  }
0x9f: {  	s4 =	ssub.s32 $0x0, s20;
	[sflag:s22] =	ssyncset.done $0x0  }
0xa0: {  	[sflag:s22] =	ssyncadd.s32 s4;
	_ =	sdelay $0x1  }
0xa1: {  	s23 =	simm.s32 $0x1B8B  }
0xa2: {  	_ =	swait.ge [sflag:s23], $0x1  }
0xa3: {  	[sflag:s23] =	ssyncset.done $0x0  }
0xa4: {  	s25 =	simm.s32 $0x1B8E;
	s24 =	sld [smem:$0x3FFE];
	[sflag:s23] =	ssyncadd.s32 $0xFFFFFFFF  }
0xa5: {  	s26 =	simm.s32 $execute0_lowered;
	[smem:$0x3FD2] =	sst s25  }
0xa6: {  	s5 =	sshll.u32 s26, $0x1;
	_ =	strace $0x80000052;
	[dreg:$0x1] =	wrdreg $0xFFFFFFFF  }
0xa7: {  	s28 =	simm.s32 $_size_execute0_lowered;
	s3 =	sadd.s32 s3, s5;
	[dreg:$0x0] =	wrdreg $0x0  }
0xa8: {  	s5 =	sshll.u32 s28, $0x1;
	[dreg:$0x2] =	wrdreg s3  }
0xa9: {  	[dreg:$0x3] =	wrdreg s5  }
0xaa: {  	[dreg:$0x4] =	wrdreg $0xC0  }
0xab: {  	_ =	task [dreg:s7], $0x5FFFF  }
0xac: {  	[dreg:$0x1] =	wrdreg $0xFFFFFFFF  }
0xad: {  	[dreg:$0x0] =	wrdreg $0x60  }
0xae: {  	[dreg:$0x2] =	wrdreg s24  }
0xaf: {  	[dreg:$0x3] =	wrdreg s2  }
0xb0: {  	[dreg:$0x4] =	wrdreg $0x9  }
0xb1: {  	_ =	task.clear_ibuf [dreg:s7], $0x5FFFF;
	_ =	strace $0x90000052  }
0xb2: {  	s29 =	simm.s32 $0x9;
	_ =	strace $0x80000054  }
0xb3: {  	_ =	swait.ge [sflag:s29], $0x1  }
0xb4: {  	[sflag:s29] =	ssyncadd.s32 $0xFFFFFFFF  }
0xb5: {  	_ =	strace $0x90000054  }
0xb6: {  	_ =	sfence  }
0xb7: {  	s30 =	sld [smem:$0x0];
	_ =	sdelay $0x2  }
0xb8: {  	s31 =	sshll.u32 s1, $0xD;
	s1 =	sshrl.u32 s1, $0x2  }
0xb9: {  	s3 =	sand.u32 $0x4000, s31;
	s1 =	sadd.s32 s1, s30  }
0xba: {  	s0 =	sor.u32 s3, s0;
	s1 =	sshll.u32 s1, $0x11  }
0xbb: {  	s0 =	sor.u32 s1, s0  }
0xbc: {  	s0 =	sadd.s32 $0x8F2B, s0  }
0xbd: {  	[sflag:s0] =	ssyncadd.remote.s32 $0x1  }
0xbe: {  	_ =	sfence.sel $0xFFFF  }
0xbf: {  	[dreg:$0x0] =	wrdreg $0xFFFFFFFF;
	(pc) =	sbr.abs _section_cstart, $3  }
0xc0: {  	[dreg:$0x1] =	wrdreg $0xFFFFFFFF  }
0xc1: {  	_ =	task.clear_ibuf [dreg:s7], $0x2FFFF;
	_ =	strace $0x9FFFFFFF  }
0xc2: {  	(tm) =	ssettm $0x7FFFFFFF  }
0xc3: {  	_ =	shalt  }
tec
execute0_lowered:
.L_overlay_start_1:
0x0: {  	(tag) =	ssettag $0x1  }
0x1: {  	s4 =	rddreg [dreg:$0x0];
	s1 =	srdreg.scid  }
0x2: {  	s0 =	stileid.u32;
	s5 =	rddreg [dreg:$0x1];
	s2 =	simm.s32 $0x0  }
0x3: {  	s11 =	simm.s32 $0x4E20;
	s12 =	simm.s32 $0x7620;
	s13 =	simm.s32 $0x0  }
0x4: {  	s6 =	sand.u32 $0x1, s1;
	s3 =	sshll.u32 s0, $0x1;
	s1 =	rddreg [dreg:$0x2]  }
0x5: {  	[smem:$0x7FF] =	sst s2;
	s8 =	smul.u32 $0x27100, s0;
	s3 =	sor.u32 s6, s3  }
0x6: {  	_ =	strace $0x80000053;
	s9 =	ssub.s32 $0x2, s6;
	s6 =	smul.u32 $0x13880, s6  }
0x7: {  	s7 =	smul.u32 $0x2710, s3;
	s8 =	sadd.s32 s8, s4;
	s31 =	sshrl.u32 s9, $0x1  }
0x8: {  	s3 =	sadd.s32 $0xFA00, s4;
	s9 =	ssub.s32 s9, s31;
	s8 =	sadd.s32 s6, s8  }
0x9: {  	s7 =	sshrl.u32 s7, $0x3;
	s6 =	smax.u32 s9, $0x1;
	s9 =	simm.s32 $0x3  }
0xa: {  	s10 =	sadd.s32 s7, s4;
	s5 =	sadd.s32 s5, s7;
	s7 =	sadd.s32 $0x23400, s8  }
0xb: {  	s8 =	sadd.s32 $0x294400, s8;
	s4 =	sadd.s32 $0x5C00, s10;
	s10 =	simm.s32 $0x2710  }
.LBB2_1:
0xc: {  	[tilespmem:s2], [sflag:$0x3] =	stream.linear.gather [hbm4b:s4+s2], $0x2710, $0x38;
	[tilespmem:$0x9E20] =	vst v63  }
0xd: {  	_ =	swait.ge [sflag:s9], $0x2710  }
0xe: {  	[sflag:s9] =	ssyncset.done $0x0  }
0xf: {  	[sflag:s9] =	ssyncadd.s32 $0xFFFFD8F0  }
0x10: {  	[tilespmem:s10], [sflag:$0x3] =	stream.linear.gather [hbm4b:s5+s2], $0x2710, $0x38;
	[tilespmem:$0x9E20] =	vst v63  }
0x11: {  	_ =	swait.ge [sflag:s9], $0x2710  }
0x12: {  	s15 =	sand.u32 $0x1, s2;
	p0 =	por $0x0, $0x0;
	[sflag:s9] =	ssyncset.done $0x0  }
0x13: {  	s14 =	simm.s32 $0x50;
	p1 =	sne.s32 @!p0 s15, $0x0;
	[sflag:s9] =	ssyncadd.s32 $0xFFFFD8F0  }
0x14: {  	[tilespmem:s11], [sflag:$0x1] =	stream.indirect.gather [hbm4b:s3+s14], $0x40, s2, s14, $0xb8;
	[tilespmem:$0x9E20] =	vst v63  }
0x15: {  	p0 =	por p1, p0  }
0x16: {  	[tilespmem:s12], [sflag:$0x2] =	stream.indirect.gather [hbm4b:s3+s14], $0x40, s10, s14, $0xb8;
	[tilespmem:$0x9E20] =	vst v63  }
0x17: {  	s16 =	simm.s32 @!p0 $0x50;
	s17 =	simm.s32 @!p0 $0x6220  }
0x18: {  	[tilespmem:s17], [sflag:$0x1] =	stream.indirect.gather @!p0 [hbm4b:s3+s16], $0x40, s14, s16, $0xb8;
	[tilespmem:$0x9E20] =	vst v63  }
0x19: {  	p2 =	seq.s32 s15, $0x0;
	s18 =	simm.s32 @!p0 $0x8A20;
	s17 =	simm.s32 $0x2760  }
0x1a: {  	[tilespmem:s18], [sflag:$0x2] =	stream.indirect.gather @!p0 [hbm4b:s3+s16], $0x40, s17, s16, $0xb8;
	[tilespmem:$0x9E20] =	vst v63  }
0x1b: {  	s16 =	simm.s32 @!p2 $0x50;
	s18 =	simm.s32 @!p2 $0x4E20  }
0x1c: {  	[tilespmem:s18], [sflag:$0x1] =	stream.indirect.gather @!p2 [hbm4b:s3+s16], $0x40, s14, s16, $0xb8;
	[tilespmem:$0x9E20] =	vst v63  }
0x1d: {  	p1 =	sne.s32 s15, $0x0;
	s14 =	simm.s32 @!p2 $0x7620  }
0x1e: {  	[tilespmem:s14], [sflag:$0x2] =	stream.indirect.gather @!p2 [hbm4b:s3+s16], $0x40, s17, s16, $0xb8;
	[tilespmem:$0x9E20] =	vst v63  }
0x1f: {  	s14 =	simm.s32 @!p1 $0x1  }
0x20: {  	_ =	swait.ge @!p1 [sflag:s14], $0x1400  }
0x21: {  	s18 =	simm.s32 @!p1 $0x0;
	s16 =	simm.s32 @!p1 $0x4E20;
	[sflag:s14] =	ssyncset.done @!p1 $0x0  }
0x22: {  	s17 =	sadd.s32 @!p1 $0x0, s8;
	[sflag:s14] =	ssyncadd.s32 @!p1 $0xFFFFEC00;
	s14 =	simm.s32 @!p1 $0x4  }
0x23: {  	[hbm4b:s17+s18] =	stream.linear.scatter @!p1 [tilespmem:s16], [sflag:$0x4], $0x1400, $0x38;
	[tilespmem:$0x9E20] =	vst v63  }
0x24: {  	_ =	swait.ge @!p1 [sflag:s14], $0x1400  }
0x25: {  	[sflag:s14] =	ssyncset.done @!p1 $0x0  }
0x26: {  	s16 =	simm.s32 @!p1 $0x2;
	[sflag:s14] =	ssyncadd.s32 @!p1 $0xFFFFEC00  }
0x27: {  	_ =	swait.ge @!p1 [sflag:s16], $0x1400  }
0x28: {  	[sflag:s16] =	ssyncset.done @!p1 $0x0  }
0x29: {  	s19 =	simm.s32 @!p1 $0x7620;
	s17 =	sadd.s32 @!p1 $0x0, s7;
	[sflag:s16] =	ssyncadd.s32 @!p1 $0xFFFFEC00  }
0x2a: {  	[hbm4b:s17+s18] =	stream.linear.scatter @!p1 [tilespmem:s19], [sflag:$0x4], $0x1400, $0x38;
	[tilespmem:$0x9E20] =	vst v63  }
0x2b: {  	_ =	swait.ge @!p1 [sflag:s14], $0x1400  }
0x2c: {  	p0 =	seq.s32 s15, $0x1;
	[sflag:s14] =	ssyncset.done @!p1 $0x0  }
0x2d: {  	s15 =	simm.s32 @p0 $0x1;
	[sflag:s14] =	ssyncadd.s32 @!p1 $0xFFFFEC00  }
0x2e: {  	_ =	swait.ge @p0 [sflag:s15], $0x1400  }
0x2f: {  	s16 =	sadd.s32 @p0 $0x0, s8;
	s19 =	simm.s32 @p0 $0x0;
	[sflag:s15] =	ssyncset.done @p0 $0x0  }
0x30: {  	s14 =	simm.s32 @p0 $0x6220;
	[sflag:s15] =	ssyncadd.s32 @p0 $0xFFFFEC00;
	s15 =	simm.s32 @p0 $0x4  }
0x31: {  	[hbm4b:s16+s19] =	stream.linear.scatter @p0 [tilespmem:s14], [sflag:$0x4], $0x1400, $0x38;
	[tilespmem:$0x9E20] =	vst v63  }
0x32: {  	_ =	swait.ge @p0 [sflag:s15], $0x1400  }
0x33: {  	[sflag:s15] =	ssyncset.done @p0 $0x0  }
0x34: {  	s16 =	simm.s32 @p0 $0x2;
	[sflag:s15] =	ssyncadd.s32 @p0 $0xFFFFEC00  }
0x35: {  	s20 =	sadd.s32 @p0 $0x0, s7;
	s21 =	simm.s32 @p0 $0x8A20;
	_ =	swait.ge @p0 [sflag:s16], $0x1400  }
0x36: {  	p2 =	por $0x0, $0x0;
	s17 =	simm.s32 $0x500;
	[sflag:s16] =	ssyncset.done @p0 $0x0  }
0x37: {  	s18 =	simm.s32 $0x1;
	s14 =	simm.s32 $0x280;
	[sflag:s16] =	ssyncadd.s32 @p0 $0xFFFFEC00  }
0x38: {  	[hbm4b:s20+s19] =	stream.linear.scatter @p0 [tilespmem:s21], [sflag:$0x3], $0x1400, $0x38;
	[tilespmem:$0x9E20] =	vst v63  }
0x39: {  	s15 =	simm.s32 $0xA0;
	s21 =	simm.s32 @p0 $0x3;
	s19 =	sand.u32 $0x1, s18  }
0x3a: {  	s16 =	simm.s32 $0x27B0;
	p3 =	sne.s32 @!p2 s19, $0x0;
	_ =	swait.ge @p0 [sflag:s21], $0x1400  }
.LBB2_2:
0x3b: {  	p2 =	por p3, p2;
	[sflag:s21] =	ssyncset.done @p0 $0x0  }
0x3c: {  	s20 =	smov.u32 s14;
	s14 =	smov.u32 s17;
	s17 =	sadd.s32 $0x280, s17  }
0x3d: {  	s22 =	simm.s32 @!p2 $0x50;
	s23 =	simm.s32 @!p2 $0x6220;
	[sflag:s21] =	ssyncadd.s32 @p0 $0xFFFFEC00  }
0x3e: {  	[tilespmem:s23], [sflag:$0x1] =	stream.indirect.gather @!p2 [hbm4b:s3+s22], $0x40, s15, s22, $0xb8;
	[tilespmem:$0x9E20] =	vst v63  }
0x3f: {  	p1 =	sne.s32 s17, $0x13880;
	s21 =	simm.s32 @!p2 $0x8A20;
	p0 =	seq.s32 s19, $0x0  }
0x40: {  	[tilespmem:s21], [sflag:$0x2] =	stream.indirect.gather @!p2 [hbm4b:s3+s22], $0x40, s16, s22, $0xb8;
	[tilespmem:$0x9E20] =	vst v63  }
0x41: {  	s21 =	simm.s32 @!p0 $0x50;
	s22 =	simm.s32 @!p0 $0x4E20  }
0x42: {  	[tilespmem:s22], [sflag:$0x1] =	stream.indirect.gather @!p0 [hbm4b:s3+s21], $0x40, s15, s21, $0xb8;
	[tilespmem:$0x9E20] =	vst v63  }
0x43: {  	p2 =	sne.s32 s19, $0x0;
	s22 =	simm.s32 @!p0 $0x7620  }
0x44: {  	[tilespmem:s22], [sflag:$0x2] =	stream.indirect.gather @!p0 [hbm4b:s3+s21], $0x40, s16, s21, $0xb8;
	[tilespmem:$0x9E20] =	vst v63  }
0x45: {  	s21 =	simm.s32 @!p2 $0x1  }
0x46: {  	s22 =	simm.s32 @!p2 $0x4E20;
	_ =	swait.ge @!p2 [sflag:s21], $0x1400  }
0x47: {  	s23 =	sadd.s32 @!p2 s20, s8;
	s24 =	simm.s32 @!p2 $0x0;
	[sflag:s21] =	ssyncset.done @!p2 $0x0  }
0x48: {  	[sflag:s21] =	ssyncadd.s32 @!p2 $0xFFFFEC00;
	s21 =	simm.s32 @!p2 $0x4  }
0x49: {  	[hbm4b:s23+s24] =	stream.linear.scatter @!p2 [tilespmem:s22], [sflag:$0x4], $0x1400, $0x38;
	[tilespmem:$0x9E20] =	vst v63  }
0x4a: {  	_ =	swait.ge @!p2 [sflag:s21], $0x1400  }
0x4b: {  	s22 =	simm.s32 @!p2 $0x2;
	[sflag:s21] =	ssyncset.done @!p2 $0x0  }
0x4c: {  	[sflag:s21] =	ssyncadd.s32 @!p2 $0xFFFFEC00  }
0x4d: {  	_ =	swait.ge @!p2 [sflag:s22], $0x1400  }
0x4e: {  	s25 =	simm.s32 @!p2 $0x7620;
	s23 =	sadd.s32 @!p2 s20, s7;
	[sflag:s22] =	ssyncset.done @!p2 $0x0  }
0x4f: {  	[sflag:s22] =	ssyncadd.s32 @!p2 $0xFFFFEC00  }
0x50: {  	[hbm4b:s23+s24] =	stream.linear.scatter @!p2 [tilespmem:s25], [sflag:$0x4], $0x1400, $0x38;
	[tilespmem:$0x9E20] =	vst v63  }
0x51: {  	p0 =	seq.s32 s19, $0x1;
	_ =	swait.ge @!p2 [sflag:s21], $0x1400  }
0x52: {  	s19 =	simm.s32 @p0 $0x1;
	[sflag:s21] =	ssyncset.done @!p2 $0x0  }
0x53: {  	[sflag:s21] =	ssyncadd.s32 @!p2 $0xFFFFEC00  }
0x54: {  	s21 =	simm.s32 @p0 $0x6220;
	_ =	swait.ge @p0 [sflag:s19], $0x1400  }
0x55: {  	s22 =	sadd.s32 @p0 s20, s8;
	s23 =	simm.s32 @p0 $0x0;
	[sflag:s19] =	ssyncset.done @p0 $0x0  }
0x56: {  	[sflag:s19] =	ssyncadd.s32 @p0 $0xFFFFEC00;
	s19 =	simm.s32 @p0 $0x4  }
0x57: {  	[hbm4b:s22+s23] =	stream.linear.scatter @p0 [tilespmem:s21], [sflag:$0x4], $0x1400, $0x38;
	[tilespmem:$0x9E20] =	vst v63  }
0x58: {  	_ =	swait.ge @p0 [sflag:s19], $0x1400  }
0x59: {  	s22 =	simm.s32 @p0 $0x2;
	[sflag:s19] =	ssyncset.done @p0 $0x0  }
0x5a: {  	s18 =	sadd.s32 $0x1, s18;
	s15 =	sadd.s32 $0x50, s15;
	[sflag:s19] =	ssyncadd.s32 @p0 $0xFFFFEC00  }
.Ltmp0:
0x5b: {  	s21 =	simm.s32 @p0 $0x3;
	_ =	swait.ge @p0 [sflag:s22], $0x1400;
	(pc) =	sbr.rel @p1 .LBB2_2-.Ltmp0, $4  }
0x5c: {  	s20 =	sadd.s32 @p0 s20, s7;
	s24 =	simm.s32 @p0 $0x8A20;
	[sflag:s22] =	ssyncset.done @p0 $0x0  }
0x5d: {  	p2 =	seq.s32 s14, $0x13600;
	s19 =	sand.u32 $0x1, s18;
	[sflag:s22] =	ssyncadd.s32 @p0 $0xFFFFEC00  }
0x5e: {  	[hbm4b:s20+s23] =	stream.linear.scatter @p0 [tilespmem:s24], [sflag:$0x3], $0x1400, $0x38;
	[tilespmem:$0x9E20] =	vst v63  }
0x5f: {  	s16 =	sadd.s32 $0x50, s16;
	p3 =	sne.s32 @!p2 s19, $0x0;
	_ =	swait.ge @p0 [sflag:s21], $0x1400  }
0x60: {  	p1 =	por p3, p2;
	[sflag:s21] =	ssyncset.done @p0 $0x0  }
0x61: {  	s17 =	simm.s32 @!p1 $0x50;
	s18 =	simm.s32 @!p1 $0x6220;
	[sflag:s21] =	ssyncadd.s32 @p0 $0xFFFFEC00  }
0x62: {  	[tilespmem:s18], [sflag:$0x1] =	stream.indirect.gather @!p1 [hbm4b:s3+s17], $0x40, s15, s17, $0xb8;
	[tilespmem:$0x9E20] =	vst v63  }
0x63: {  	p0 =	seq.s32 s19, $0x0;
	s18 =	simm.s32 @!p1 $0x8A20  }
0x64: {  	[tilespmem:s18], [sflag:$0x2] =	stream.indirect.gather @!p1 [hbm4b:s3+s17], $0x40, s16, s17, $0xb8;
	[tilespmem:$0x9E20] =	vst v63  }
0x65: {  	s17 =	simm.s32 @!p0 $0x50;
	s18 =	simm.s32 @!p0 $0x4E20  }
0x66: {  	[tilespmem:s18], [sflag:$0x1] =	stream.indirect.gather @!p0 [hbm4b:s3+s17], $0x40, s15, s17, $0xb8;
	[tilespmem:$0x9E20] =	vst v63  }
0x67: {  	p1 =	sne.s32 s19, $0x0;
	s15 =	simm.s32 @!p0 $0x7620  }
0x68: {  	[tilespmem:s15], [sflag:$0x2] =	stream.indirect.gather @!p0 [hbm4b:s3+s17], $0x40, s16, s17, $0xb8;
	[tilespmem:$0x9E20] =	vst v63  }
0x69: {  	s15 =	simm.s32 @!p1 $0x1  }
0x6a: {  	_ =	swait.ge @!p1 [sflag:s15], $0x1400  }
0x6b: {  	s18 =	simm.s32 @!p1 $0x0;
	s16 =	simm.s32 @!p1 $0x4E20;
	[sflag:s15] =	ssyncset.done @!p1 $0x0  }
0x6c: {  	s17 =	sadd.s32 @!p1 s14, s8;
	[sflag:s15] =	ssyncadd.s32 @!p1 $0xFFFFEC00;
	s15 =	simm.s32 @!p1 $0x4  }
0x6d: {  	[hbm4b:s17+s18] =	stream.linear.scatter @!p1 [tilespmem:s16], [sflag:$0x4], $0x1400, $0x38;
	[tilespmem:$0x9E20] =	vst v63  }
0x6e: {  	_ =	swait.ge @!p1 [sflag:s15], $0x1400  }
0x6f: {  	[sflag:s15] =	ssyncset.done @!p1 $0x0  }
0x70: {  	s16 =	simm.s32 @!p1 $0x2;
	[sflag:s15] =	ssyncadd.s32 @!p1 $0xFFFFEC00  }
0x71: {  	_ =	swait.ge @!p1 [sflag:s16], $0x1400  }
0x72: {  	[sflag:s16] =	ssyncset.done @!p1 $0x0  }
0x73: {  	s20 =	simm.s32 @!p1 $0x7620;
	s17 =	sadd.s32 @!p1 s14, s7;
	[sflag:s16] =	ssyncadd.s32 @!p1 $0xFFFFEC00  }
0x74: {  	[hbm4b:s17+s18] =	stream.linear.scatter @!p1 [tilespmem:s20], [sflag:$0x4], $0x1400, $0x38;
	[tilespmem:$0x9E20] =	vst v63  }
0x75: {  	_ =	swait.ge @!p1 [sflag:s15], $0x1400  }
0x76: {  	p0 =	seq.s32 s19, $0x1;
	[sflag:s15] =	ssyncset.done @!p1 $0x0  }
0x77: {  	s16 =	simm.s32 @p0 $0x1;
	[sflag:s15] =	ssyncadd.s32 @!p1 $0xFFFFEC00  }
0x78: {  	_ =	swait.ge @p0 [sflag:s16], $0x1400  }
0x79: {  	s17 =	sadd.s32 @p0 s14, s8;
	s18 =	simm.s32 @p0 $0x0;
	[sflag:s16] =	ssyncset.done @p0 $0x0  }
0x7a: {  	s15 =	simm.s32 @p0 $0x6220;
	[sflag:s16] =	ssyncadd.s32 @p0 $0xFFFFEC00;
	s16 =	simm.s32 @p0 $0x4  }
0x7b: {  	[hbm4b:s17+s18] =	stream.linear.scatter @p0 [tilespmem:s15], [sflag:$0x4], $0x1400, $0x38;
	[tilespmem:$0x9E20] =	vst v63  }
0x7c: {  	_ =	swait.ge @p0 [sflag:s16], $0x1400  }
0x7d: {  	[sflag:s16] =	ssyncset.done @p0 $0x0  }
0x7e: {  	s15 =	simm.s32 @p0 $0x2;
	[sflag:s16] =	ssyncadd.s32 @p0 $0xFFFFEC00  }
0x7f: {  	s13 =	sadd.s32 $0x1, s13;
	s14 =	sadd.s32 @p0 s14, s7;
	_ =	swait.ge @p0 [sflag:s15], $0x1400  }
0x80: {  	p1 =	sne.s32 s13, s6;
	s17 =	simm.s32 @p0 $0x8A20;
	[sflag:s15] =	ssyncset.done @p0 $0x0  }
.Ltmp1:
0x81: {  	s16 =	simm.s32 @p0 $0x3;
	[sflag:s15] =	ssyncadd.s32 @p0 $0xFFFFEC00;
	(pc) =	sbr.rel @p1 .LBB2_1-.Ltmp1, $4  }
0x82: {  	[hbm4b:s14+s18] =	stream.linear.scatter @p0 [tilespmem:s17], [sflag:$0x3], $0x1400, $0x38;
	[tilespmem:$0x9E20] =	vst v63  }
0x83: {  	_ =	swait.ge @p0 [sflag:s16], $0x1400  }
0x84: {  	[sflag:s16] =	ssyncset.done @p0 $0x0  }
0x85: {  	[sflag:s16] =	ssyncadd.s32 @p0 $0xFFFFEC00  }
0x86: {  	_ =	sfence.sel $0x180000  }
0x87: {  	[bflag:$0x0] =	sbarrier.arrive $0xFFFF  }
0x88: {  	p0 =	sne.s32 s0, $0x0;
	_ =	strace $0x90000053  }
0x89: {  	s0 =	sadd.s32 @!p0 $0x100000, s1;
	[bflag:$0x2] =	sbarrier.arrive $0xFFFF  }
0x8a: {  	[sflag:s0] =	ssyncadd.tile.s32 @!p0 $0x1;
	_ =	shalt  }
.Lfunc_end2:
_tile_overlayer_lowered:
.L_overlay_start_2:
0x8b: {  	(tag) =	ssettag $0x2  }
0x8c: {  	s0 =	rddreg [dreg:$0x0];
	s2 =	stileid.u32  }
0x8d: {  	s1 =	rddreg [dreg:$0x1];
	p0 =	sne.s32 s2, $0x0  }
0x8e: {  	s3 =	rddreg [dreg:$0x2];
	[bflag:$0x3] =	sbarrier.arrive $0xFFFF;
	s2 =	simm.s32 @!p0 $0x1C03  }
0x8f: {  	[timem:s3], [sflag:s2] =	dma.local @!p0 [hbm:s0], s1  }
0x90: {  	s0 =	simm.s32 @!p0 $0x3  }
0x91: {  	_ =	swait.ge @!p0 [sflag:s0], s1  }
0x92: {  	s1 =	ssub.s32 @!p0 $0x0, s1;
	[sflag:s0] =	ssyncset.done @!p0 $0x0  }
0x93: {  	[sflag:s0] =	ssyncadd.s32 @!p0 s1  }
0x94: {  	[bflag:$0x3] =	sbarrier.arrive $0xFFFF  }
0x95: {  	_ =	shalt  }

</sc_bundles>
